<compile_context>
chip_gen: v7x
topology: tpu7x:2x2x1
jax: 0.10.2.dev20260603
libtpu: 0.0.44.dev20260713+nightly
codegen_flags: <defaults>
</compile_context>

<pallas_src>
import functools
import jax
import jax.numpy as jnp
from jax import lax
from jax.experimental import pallas as pl
from jax.experimental.pallas import tpu as pltpu
from jax.experimental.pallas import tpu_sc as plsc

NC = 2
NS = 16
NW = NC * NS
K = 128


def _make_sc_agg(Np, D, C0, C1, with_count):
    R = Np // NS

    NBUF = 4
    LAG = NBUF // 2

    mesh = plsc.VectorSubcoreMesh(core_axis_name="c", subcore_axis_name="s")
    out_type = [jax.ShapeDtypeStruct((NC, Np, D), jnp.bfloat16)]
    scratch = (
        [pltpu.VMEM((C0, K), jnp.int32),
         pltpu.VMEM((C0, K), jnp.int32)] +
        [pltpu.VMEM((K, D), jnp.bfloat16)] * NBUF +
        [pltpu.VMEM_SHARED((Np, D), jnp.bfloat16)] +
        [pltpu.SemaphoreType.DMA] * (2 * NBUF)
    )
    if with_count:
        out_type.append(jax.ShapeDtypeStruct((Np,), jnp.float32))
        out_type.append(jax.ShapeDtypeStruct((Np,), jnp.float32))
        scratch += [
            pltpu.VMEM((Np,), jnp.float32),
            pltpu.VMEM((R,), jnp.float32),
            pltpu.VMEM((R,), jnp.float32),
            pltpu.VMEM_SHARED((NS, Np), jnp.float32),
        ]

    def body(src_hbm, dst_hbm, y_hbm, zeros_hbm, *rest):
        if with_count:
            (zeros1_hbm, out_hbm, cnt0_hbm, cnt1_hbm, src_v, dst_v) = rest[:6]
            bufs = rest[6:6 + NBUF]
            acc_sh = rest[6 + NBUF]
            gsems = rest[7 + NBUF:7 + 2 * NBUF]
            ssems = rest[7 + 2 * NBUF:7 + 3 * NBUF]
            hist_v, tmp_v, csum_v, stage_sh = rest[7 + 3 * NBUF:]
        else:
            (out_hbm, src_v, dst_v) = rest[:3]
            bufs = rest[3:3 + NBUF]
            acc_sh = rest[3 + NBUF]
            gsems = rest[4 + NBUF:4 + 2 * NBUF]
            ssems = rest[4 + 2 * NBUF:4 + 3 * NBUF]
        cid = lax.axis_index("c")
        sid = lax.axis_index("s")
        rows = pl.ds(sid * R, R)

        pltpu.sync_copy(zeros_hbm.at[rows], acc_sh.at[rows])
        if with_count:
            pltpu.sync_copy(zeros1_hbm, hist_v)
        plsc.subcore_barrier()

        ones16 = jnp.ones((16,), jnp.float32)

        def run_pipeline(C, base):
            pltpu.sync_copy(src_hbm.at[pl.ds(base, C)],
                            src_v.at[pl.ds(0, C)])
            pltpu.sync_copy(dst_hbm.at[pl.ds(base, C)],
                            dst_v.at[pl.ds(0, C)])

            for j in range(min(LAG, C)):
                pltpu.async_copy(y_hbm.at[src_v.at[j]], bufs[j], gsems[j])

            def step(c, _):
                if with_count:
                    for j in range(K // 16):
                        idx = dst_v[c, pl.ds(j * 16, 16)]
                        plsc.addupdate_scatter(hist_v, [idx], ones16)
                cur = lax.rem(c, NBUF)
                for b in range(NBUF):
                    @pl.when(cur == b)
                    def _():
                        pltpu.make_async_copy(y_hbm.at[src_v.at[c]],
                                              bufs[b], gsems[b]).wait()
                        pltpu.async_copy(bufs[b], acc_sh.at[dst_v.at[c]],
                                         ssems[b], add=True)
                        nb = (b + LAG) % NBUF

                        @pl.when(c + LAG < C)
                        def _():
                            @pl.when(c >= LAG)
                            def _():
                                pltpu.make_async_copy(
                                    bufs[nb], acc_sh.at[dst_v.at[c]],
                                    ssems[nb]).wait()

                            pltpu.async_copy(y_hbm.at[src_v.at[c + LAG]],
                                             bufs[nb], gsems[nb])
                return 0

            lax.fori_loop(0, C, step, 0)

            for j in range(max(0, C - NBUF), C):
                b = j % NBUF
                pltpu.make_async_copy(bufs[b], acc_sh.at[dst_v.at[j]],
                                      ssems[b]).wait()

        @pl.when(cid == 0)
        def _():
            run_pipeline(C0, sid * C0)

        @pl.when(cid == 1)
        def _():
            run_pipeline(C1, NS * C0 + sid * C1)

        plsc.subcore_barrier()

        pltpu.sync_copy(acc_sh.at[rows], out_hbm.at[cid, rows])
        if with_count:
            pltpu.sync_copy(hist_v, stage_sh.at[sid])
            plsc.subcore_barrier()
            pltpu.sync_copy(stage_sh.at[0, rows], csum_v)

            def accum(t, _):
                pltpu.sync_copy(stage_sh.at[t, rows], tmp_v)

                def addv(j, _):
                    sl = pl.ds(j * 16, 16)
                    csum_v[sl] = csum_v[sl] + tmp_v[sl]
                    return 0

                lax.fori_loop(0, R // 16, addv, 0)
                return 0

            lax.fori_loop(1, NS, accum, 0)

            @pl.when(cid == 0)
            def _():
                pltpu.sync_copy(csum_v, cnt0_hbm.at[rows])

            @pl.when(cid == 1)
            def _():
                pltpu.sync_copy(csum_v, cnt1_hbm.at[rows])

    return pl.kernel(body, out_type=out_type, mesh=mesh,
                     scratch_types=scratch,
                     compiler_params=pltpu.CompilerParams(
                         use_tc_tiling_on_sc=False,
                         needs_layout_passes=False))


def _mm2_body(x_ref, wl_ref, wr_ref, b_ref, y_ref, z_ref):
    x = x_ref[...]
    y = jnp.dot(x, wl_ref[...], preferred_element_type=jnp.float32)
    y_ref[...] = y.astype(jnp.bfloat16)
    z_ref[...] = (jnp.dot(x, wr_ref[...], preferred_element_type=jnp.float32)
                  + b_ref[...]).astype(jnp.bfloat16)


def _mean_relu(p_ref, c0_ref, c1_ref, z_ref):
    B = z_ref.shape[0]
    i = pl.program_id(0)
    off = pl.multiple_of(i * B, 128)
    cnt = c0_ref[pl.ds(off, B)] + c1_ref[pl.ds(off, B)]
    recip = 1.0 / jnp.maximum(cnt, 1.0).reshape(B, 1)
    psum = p_ref[0].astype(jnp.float32) + p_ref[1].astype(jnp.float32)
    return jnp.maximum(psum * recip + z_ref[...].astype(jnp.float32), 0.0)


def _mid_body(p_ref, c0_ref, c1_ref, z_ref, wl_ref, wr_ref, b_ref,
              y_ref, z2_ref):
    h = _mean_relu(p_ref, c0_ref, c1_ref, z_ref)
    y = jnp.dot(h, wl_ref[...], preferred_element_type=jnp.float32)
    y_ref[...] = y.astype(jnp.bfloat16)
    z2_ref[...] = (jnp.dot(h, wr_ref[...], preferred_element_type=jnp.float32)
                   + b_ref[...]).astype(jnp.bfloat16)


def _fin_body(p_ref, c0_ref, c1_ref, z_ref, out_ref):
    out_ref[...] = _mean_relu(p_ref, c0_ref, c1_ref, z_ref)


def _row_spec(B, D):
    return pl.BlockSpec((B, D), lambda i: (i, 0))


def _vec_spec(Np):
    return pl.BlockSpec((Np,), lambda i: (0,))


def _pair_spec(B, D):
    return pl.BlockSpec((NC, B, D), lambda i: (0, i, 0))


def _full_spec(shape):
    return pl.BlockSpec(shape, lambda i: tuple(0 for _ in shape))


@jax.jit
def kernel(x, edge_index, W1_l, W1_r, b1, W2_l, W2_r, b2):
    N, D = x.shape
    E = edge_index.shape[1]
    Np = ((N + NS * 16 - 1) // (NS * 16)) * NS * 16
    CT = -(-E // (NS * K)) * NS
    Ep = CT * K
    CPP = CT // NS
    C0 = (CPP * 645 + 500) // 1000
    C1 = CPP - C0
    B = 2048

    src = jnp.concatenate(
        [edge_index[0], jnp.zeros((Ep - E,), jnp.int32)])
    dst = jnp.concatenate(
        [edge_index[1], jnp.full((Ep - E,), N, jnp.int32)])
    src_r = src.reshape(CT, K)
    dst_r = dst.reshape(CT, K)
    zeros = jnp.zeros((Np, D), jnp.bfloat16)
    zeros1 = jnp.zeros((Np,), jnp.float32)
    b1r = b1.reshape(1, D)
    b2r = b2.reshape(1, D)

    grid = -(-N // B)
    mm2 = pl.pallas_call(
        _mm2_body, grid=(grid,),
        in_specs=[_row_spec(B, D), _full_spec((D, D)), _full_spec((D, D)),
                  _full_spec((1, D))],
        out_specs=[_row_spec(B, D), _row_spec(B, D)],
        out_shape=[jax.ShapeDtypeStruct((N, D), jnp.bfloat16),
                   jax.ShapeDtypeStruct((N, D), jnp.bfloat16)],
    )
    mid = pl.pallas_call(
        _mid_body, grid=(grid,),
        in_specs=[_pair_spec(B, D), _vec_spec(Np), _vec_spec(Np),
                  _row_spec(B, D),
                  _full_spec((D, D)), _full_spec((D, D)), _full_spec((1, D))],
        out_specs=[_row_spec(B, D), _row_spec(B, D)],
        out_shape=[jax.ShapeDtypeStruct((N, D), jnp.bfloat16),
                   jax.ShapeDtypeStruct((N, D), jnp.bfloat16)],
    )
    fin = pl.pallas_call(
        _fin_body, grid=(grid,),
        in_specs=[_pair_spec(B, D), _vec_spec(Np), _vec_spec(Np),
                  _row_spec(B, D)],
        out_specs=_row_spec(B, D),
        out_shape=jax.ShapeDtypeStruct((N, D), jnp.float32),
    )

    sc1 = _make_sc_agg(Np, D, C0, C1, with_count=True)
    sc2 = _make_sc_agg(Np, D, C0, C1, with_count=False)

    y1, z1 = mm2(x, W1_l, W1_r, b1r)
    p1, c0, c1 = sc1(src_r, dst_r, y1, zeros, zeros1)
    y2, z2 = mid(p1, c0, c1, z1, W2_l, W2_r, b2r)
    (p2,) = sc2(src_r, dst_r, y2, zeros)
    return fin(p2, c0, c1, z2)

# --- scband reference (transcript-rebuilt; emitter-appended) ---
"""Pipeline reference for scband-graph-sage-62663572848640 (READ-ONLY COPY).

The authoritative reference and input builder live on the scoring server;
editing this copy changes nothing except your own understanding.
"""

import jax, jax.numpy as jnp
import numpy as np

N = 10000
E = 320000
D = 128


def setup_inputs(seed: int = 0) -> dict:
    key = jax.random.key(seed)
    ks = jax.random.split(key, 8)
    x = jax.random.normal(ks[0], (N, D), dtype=jnp.float32)
    edge_index = jax.random.randint(ks[1], (2, E), 0, N, dtype=jnp.int32)
    scale = 1.0 / np.sqrt(D)
    W1_l = jax.random.normal(ks[2], (D, D), dtype=jnp.float32) * scale
    W1_r = jax.random.normal(ks[3], (D, D), dtype=jnp.float32) * scale
    b1 = jnp.zeros((D,), dtype=jnp.float32)
    W2_l = jax.random.normal(ks[4], (D, D), dtype=jnp.float32) * scale
    W2_r = jax.random.normal(ks[5], (D, D), dtype=jnp.float32) * scale
    b2 = jnp.zeros((D,), dtype=jnp.float32)
    return {"x": x, "edge_index": edge_index, "W1_l": W1_l, "W1_r": W1_r,
            "b1": b1, "W2_l": W2_l, "W2_r": W2_r, "b2": b2}


def _sage_layer(x, edge_index, W_l, W_r, b):
    # PyG SAGEConv with mean aggregation:
    # out = lin_l(mean_{j in N(i)} x_j) + lin_r(x_i) + bias
    src = edge_index[0]
    dst = edge_index[1]
    msg = jnp.take(x, src, axis=0)                      # gather [E, D]
    summed = jax.ops.segment_sum(msg, dst, num_segments=N)
    cnt = jax.ops.segment_sum(jnp.ones((msg.shape[0], 1), dtype=x.dtype),
                              dst, num_segments=N)
    mean = summed / jnp.maximum(cnt, 1.0)
    return mean @ W_l + x @ W_r + b


def reference(x, edge_index, W1_l, W1_r, b1, W2_l, W2_r, b2):
    # Dropout (p=0.5) treated as identity (eval mode) for determinism.
    h = jax.nn.relu(_sage_layer(x, edge_index, W1_l, W1_r, b1))
    h = jax.nn.relu(_sage_layer(h, edge_index, W2_l, W2_r, b2))
    return h

if __name__ == "__main__":
    import jax
    _d = setup_inputs()
    print(jax.jit(kernel)(*tuple(_d.values())))

</pallas_src>

<mosaic_0001>
#map = affine_map<(d0, d1) -> (0, 0)>
#map1 = affine_map<(d0, d1) -> (0)>
#map2 = affine_map<(d0, d1) -> (0, 0, 0)>
module attributes {stable_mosaic.version = 14 : i64} {
  func.func @body(%arg0: i32, %arg1: i32, %arg2: memref<2512x128xi32, #tpu.memory_space<hbm>>, %arg3: memref<2512x128xi32, #tpu.memory_space<hbm>>, %arg4: memref<10000x128xbf16, #tpu.memory_space<hbm>>, %arg5: memref<10240x128xbf16, #tpu.memory_space<hbm>>, %arg6: memref<10240xf32, #tpu.memory_space<hbm>>, %arg7: memref<2x10240x128xbf16, #tpu.memory_space<hbm>>, %arg8: memref<10240xf32, #tpu.memory_space<hbm>>, %arg9: memref<10240xf32, #tpu.memory_space<hbm>>, %arg10: memref<101x128xi32, #tpu.memory_space<vmem>>, %arg11: memref<101x128xi32, #tpu.memory_space<vmem>>, %arg12: memref<128x128xbf16, #tpu.memory_space<vmem>>, %arg13: memref<128x128xbf16, #tpu.memory_space<vmem>>, %arg14: memref<128x128xbf16, #tpu.memory_space<vmem>>, %arg15: memref<128x128xbf16, #tpu.memory_space<vmem>>, %arg16: memref<10240x128xbf16, #tpu.memory_space<vmem_shared>>, %arg17: memref<!tpu.dma_semaphore, #tpu.memory_space<semaphore_mem>>, %arg18: memref<!tpu.dma_semaphore, #tpu.memory_space<semaphore_mem>>, %arg19: memref<!tpu.dma_semaphore, #tpu.memory_space<semaphore_mem>>, %arg20: memref<!tpu.dma_semaphore, #tpu.memory_space<semaphore_mem>>, %arg21: memref<!tpu.dma_semaphore, #tpu.memory_space<semaphore_mem>>, %arg22: memref<!tpu.dma_semaphore, #tpu.memory_space<semaphore_mem>>, %arg23: memref<!tpu.dma_semaphore, #tpu.memory_space<semaphore_mem>>, %arg24: memref<!tpu.dma_semaphore, #tpu.memory_space<semaphore_mem>>, %arg25: memref<10240xf32, #tpu.memory_space<vmem>>, %arg26: memref<640xf32, #tpu.memory_space<vmem>>, %arg27: memref<640xf32, #tpu.memory_space<vmem>>, %arg28: memref<16x10240xf32, #tpu.memory_space<vmem_shared>>) attributes {dimension_semantics = [#tpu.dimension_semantics<core_parallel>, #tpu.dimension_semantics<subcore_parallel>], iteration_bounds = array<i64: 2, 16>, scalar_prefetch = 0 : i64, scratch_operands = 19 : i64, tpu.core_type = #tpu.core_type<sc_vector_subcore>, window_params = [{transform_indices = #map}, {transform_indices = #map}, {transform_indices = #map}, {transform_indices = #map}, {transform_indices = #map1}, {transform_indices = #map2}, {transform_indices = #map1}, {transform_indices = #map1}]} {
    %mul3A = arith.constant 640 : i32
    %mul3A_0 = arith.muli %arg1, %mul3A : i32
    "tpu.region"() ({
      %run_scoped3A_27 = tpu.sem_alloc : memref<!tpu.dma_semaphore, #tpu.memory_space<semaphore_mem>>
      %dma_start3A = arith.constant 0 : i32
      %dma_start3A_28 = tpu.memref_slice %arg16[%mul3A_0, %dma_start3A] : memref<10240x128xbf16, #tpu.memory_space<vmem_shared>> -> memref<640x128xbf16, #tpu.memory_space<vmem_shared>>
      %dma_start3A_29 = arith.constant 0 : i32
      %dma_start3A_30 = tpu.memref_slice %arg5[%mul3A_0, %dma_start3A_29] : memref<10240x128xbf16, #tpu.memory_space<hbm>> -> memref<640x128xbf16, #tpu.memory_space<hbm>>
      tpu.enqueue_dma source(%dma_start3A_30 : memref<640x128xbf16, #tpu.memory_space<hbm>>) target(%dma_start3A_28 : memref<640x128xbf16, #tpu.memory_space<vmem_shared>>) target_semaphore(%run_scoped3A_27 : memref<!tpu.dma_semaphore, #tpu.memory_space<semaphore_mem>>)
      %dma_wait3A = arith.constant 0 : i32
      %dma_wait3A_31 = tpu.memref_slice %arg16[%mul3A_0, %dma_wait3A] : memref<10240x128xbf16, #tpu.memory_space<vmem_shared>> -> memref<640x128xbf16, #tpu.memory_space<vmem_shared>>
      %dma_wait3A_32 = arith.constant 0 : i32
      %dma_wait3A_33 = tpu.memref_slice %arg5[%mul3A_0, %dma_wait3A_32] : memref<10240x128xbf16, #tpu.memory_space<hbm>> -> memref<640x128xbf16, #tpu.memory_space<hbm>>
      tpu.wait_dma2 semaphore(%run_scoped3A_27 : memref<!tpu.dma_semaphore, #tpu.memory_space<semaphore_mem>>) src(%dma_wait3A_33 : memref<640x128xbf16, #tpu.memory_space<hbm>>) dst(%dma_wait3A_31 : memref<640x128xbf16, #tpu.memory_space<vmem_shared>>)
      tpu.yield
    }) : () -> ()
    "tpu.region"() ({
      %run_scoped3A_27 = tpu.sem_alloc : memref<!tpu.dma_semaphore, #tpu.memory_space<semaphore_mem>>
      tpu.enqueue_dma source(%arg6 : memref<10240xf32, #tpu.memory_space<hbm>>) target(%arg25 : memref<10240xf32, #tpu.memory_space<vmem>>) target_semaphore(%run_scoped3A_27 : memref<!tpu.dma_semaphore, #tpu.memory_space<semaphore_mem>>)
      tpu.wait_dma2 semaphore(%run_scoped3A_27 : memref<!tpu.dma_semaphore, #tpu.memory_space<semaphore_mem>>) src(%arg6 : memref<10240xf32, #tpu.memory_space<hbm>>) dst(%arg25 : memref<10240xf32, #tpu.memory_space<vmem>>)
      tpu.yield
    }) : () -> ()
    %barrier3A = arith.constant 0 : index
    tpu.barrier barrier_id(%barrier3A)
    %broadcast_in_dim3A = arith.constant 1.000000e+00 : f32
    %broadcast_in_dim3A_1 = vector.broadcast %broadcast_in_dim3A : f32 to vector<16xf32>
    %eq3A = arith.constant 0 : i32
    %eq3A_2 = arith.cmpi eq, %arg0, %eq3A : i32
    %convert_element_type3A = arith.extui %eq3A_2 : i1 to i32
    %cond3A = arith.constant 0 : i32
    %cond3A_3 = arith.cmpi ne, %convert_element_type3A, %cond3A : i32
    scf.if %cond3A_3 {
      %mul3A_27 = arith.constant 101 : i32
      %mul3A_28 = arith.muli %arg1, %mul3A_27 : i32
      "tpu.region"() ({
        %run_scoped3A_76 = tpu.sem_alloc : memref<!tpu.dma_semaphore, #tpu.memory_space<semaphore_mem>>
        %dma_start3A_77 = arith.constant 0 : i32
        %dma_start3A_78 = arith.constant 0 : i32
        %dma_start3A_79 = tpu.memref_slice %arg10[%dma_start3A_77, %dma_start3A_78] : memref<101x128xi32, #tpu.memory_space<vmem>> -> memref<101x128xi32, #tpu.memory_space<vmem>>
        %dma_start3A_80 = arith.constant 0 : i32
        %dma_start3A_81 = tpu.memref_slice %arg2[%mul3A_28, %dma_start3A_80] : memref<2512x128xi32, #tpu.memory_space<hbm>> -> memref<101x128xi32, #tpu.memory_space<hbm>>
        %dma_start3A_82 = arith.constant 0 : i32
        %dma_start3A_83 = arith.constant 0 : i32
        %dma_start3A_84 = tpu.memref_slice %arg10[%dma_start3A_82, %dma_start3A_83] : memref<101x128xi32, #tpu.memory_space<vmem>> -> memref<101x128xi32, #tpu.memory_space<vmem>>
        %dma_start3A_85 = arith.constant 0 : i32
        %dma_start3A_86 = tpu.memref_slice %arg2[%mul3A_28, %dma_start3A_85] : memref<2512x128xi32, #tpu.memory_space<hbm>> -> memref<101x128xi32, #tpu.memory_space<hbm>>
        tpu.enqueue_dma source(%dma_start3A_86 : memref<101x128xi32, #tpu.memory_space<hbm>>) target(%dma_start3A_84 : memref<101x128xi32, #tpu.memory_space<vmem>>) target_semaphore(%run_scoped3A_76 : memref<!tpu.dma_semaphore, #tpu.memory_space<semaphore_mem>>)
        %dma_wait3A_87 = arith.constant 0 : i32
        %dma_wait3A_88 = arith.constant 0 : i32
        %dma_wait3A_89 = tpu.memref_slice %arg10[%dma_wait3A_87, %dma_wait3A_88] : memref<101x128xi32, #tpu.memory_space<vmem>> -> memref<101x128xi32, #tpu.memory_space<vmem>>
        %dma_wait3A_90 = arith.constant 0 : i32
        %dma_wait3A_91 = tpu.memref_slice %arg2[%mul3A_28, %dma_wait3A_90] : memref<2512x128xi32, #tpu.memory_space<hbm>> -> memref<101x128xi32, #tpu.memory_space<hbm>>
        %dma_wait3A_92 = arith.constant 0 : i32
        %dma_wait3A_93 = arith.constant 0 : i32
        %dma_wait3A_94 = tpu.memref_slice %arg10[%dma_wait3A_92, %dma_wait3A_93] : memref<101x128xi32, #tpu.memory_space<vmem>> -> memref<101x128xi32, #tpu.memory_space<vmem>>
        %dma_wait3A_95 = arith.constant 0 : i32
        %dma_wait3A_96 = tpu.memref_slice %arg2[%mul3A_28, %dma_wait3A_95] : memref<2512x128xi32, #tpu.memory_space<hbm>> -> memref<101x128xi32, #tpu.memory_space<hbm>>
        tpu.wait_dma2 semaphore(%run_scoped3A_76 : memref<!tpu.dma_semaphore, #tpu.memory_space<semaphore_mem>>) src(%dma_wait3A_96 : memref<101x128xi32, #tpu.memory_space<hbm>>) dst(%dma_wait3A_94 : memref<101x128xi32, #tpu.memory_space<vmem>>)
        tpu.yield
      }) : () -> ()
      "tpu.region"() ({
        %run_scoped3A_76 = tpu.sem_alloc : memref<!tpu.dma_semaphore, #tpu.memory_space<semaphore_mem>>
        %dma_start3A_77 = arith.constant 0 : i32
        %dma_start3A_78 = arith.constant 0 : i32
        %dma_start3A_79 = tpu.memref_slice %arg11[%dma_start3A_77, %dma_start3A_78] : memref<101x128xi32, #tpu.memory_space<vmem>> -> memref<101x128xi32, #tpu.memory_space<vmem>>
        %dma_start3A_80 = arith.constant 0 : i32
        %dma_start3A_81 = tpu.memref_slice %arg3[%mul3A_28, %dma_start3A_80] : memref<2512x128xi32, #tpu.memory_space<hbm>> -> memref<101x128xi32, #tpu.memory_space<hbm>>
        %dma_start3A_82 = arith.constant 0 : i32
        %dma_start3A_83 = arith.constant 0 : i32
        %dma_start3A_84 = tpu.memref_slice %arg11[%dma_start3A_82, %dma_start3A_83] : memref<101x128xi32, #tpu.memory_space<vmem>> -> memref<101x128xi32, #tpu.memory_space<vmem>>
        %dma_start3A_85 = arith.constant 0 : i32
        %dma_start3A_86 = tpu.memref_slice %arg3[%mul3A_28, %dma_start3A_85] : memref<2512x128xi32, #tpu.memory_space<hbm>> -> memref<101x128xi32, #tpu.memory_space<hbm>>
        tpu.enqueue_dma source(%dma_start3A_86 : memref<101x128xi32, #tpu.memory_space<hbm>>) target(%dma_start3A_84 : memref<101x128xi32, #tpu.memory_space<vmem>>) target_semaphore(%run_scoped3A_76 : memref<!tpu.dma_semaphore, #tpu.memory_space<semaphore_mem>>)
        %dma_wait3A_87 = arith.constant 0 : i32
        %dma_wait3A_88 = arith.constant 0 : i32
        %dma_wait3A_89 = tpu.memref_slice %arg11[%dma_wait3A_87, %dma_wait3A_88] : memref<101x128xi32, #tpu.memory_space<vmem>> -> memref<101x128xi32, #tpu.memory_space<vmem>>
        %dma_wait3A_90 = arith.constant 0 : i32
        %dma_wait3A_91 = tpu.memref_slice %arg3[%mul3A_28, %dma_wait3A_90] : memref<2512x128xi32, #tpu.memory_space<hbm>> -> memref<101x128xi32, #tpu.memory_space<hbm>>
        %dma_wait3A_92 = arith.constant 0 : i32
        %dma_wait3A_93 = arith.constant 0 : i32
        %dma_wait3A_94 = tpu.memref_slice %arg11[%dma_wait3A_92, %dma_wait3A_93] : memref<101x128xi32, #tpu.memory_space<vmem>> -> memref<101x128xi32, #tpu.memory_space<vmem>>
        %dma_wait3A_95 = arith.constant 0 : i32
        %dma_wait3A_96 = tpu.memref_slice %arg3[%mul3A_28, %dma_wait3A_95] : memref<2512x128xi32, #tpu.memory_space<hbm>> -> memref<101x128xi32, #tpu.memory_space<hbm>>
        tpu.wait_dma2 semaphore(%run_scoped3A_76 : memref<!tpu.dma_semaphore, #tpu.memory_space<semaphore_mem>>) src(%dma_wait3A_96 : memref<101x128xi32, #tpu.memory_space<hbm>>) dst(%dma_wait3A_94 : memref<101x128xi32, #tpu.memory_space<vmem>>)
        tpu.yield
      }) : () -> ()
      %dma_start3A = arith.constant 0 : i32
      %dma_start3A_29 = arith.constant 0 : i32
      %dma_start3A_30 = tpu.memref_slice %arg10[%dma_start3A, %dma_start3A_29] : memref<101x128xi32, #tpu.memory_space<vmem>> -> memref<1x128xi32, #tpu.memory_space<vmem>>
      %dma_start3A_31 = tpu.memref_squeeze %dma_start3A_30 : memref<1x128xi32, #tpu.memory_space<vmem>> -> memref<128xi32, #tpu.memory_space<vmem>>
      %dma_start3A_32 = arith.constant 0 : i32
      %dma_start3A_33 = arith.constant 0 : i32
      %dma_start3A_34 = tpu.memref_slice %arg4[%dma_start3A_32, %dma_start3A_33] : memref<10000x128xbf16, #tpu.memory_space<hbm>> -> memref<10000x128xbf16, #tpu.memory_space<hbm>>
      tpu.enqueue_indirect_dma source(%dma_start3A_34 : memref<10000x128xbf16, #tpu.memory_space<hbm>>) target(%arg12 : memref<128x128xbf16, #tpu.memory_space<vmem>>) offsets(%dma_start3A_31 : memref<128xi32, #tpu.memory_space<vmem>>) semaphore(%arg17 : memref<!tpu.dma_semaphore, #tpu.memory_space<semaphore_mem>>)
      %dma_start3A_35 = arith.constant 1 : i32
      %dma_start3A_36 = arith.constant 0 : i32
      %dma_start3A_37 = tpu.memref_slice %arg10[%dma_start3A_35, %dma_start3A_36] : memref<101x128xi32, #tpu.memory_space<vmem>> -> memref<1x128xi32, #tpu.memory_space<vmem>>
      %dma_start3A_38 = tpu.memref_squeeze %dma_start3A_37 : memref<1x128xi32, #tpu.memory_space<vmem>> -> memref<128xi32, #tpu.memory_space<vmem>>
      %dma_start3A_39 = arith.constant 0 : i32
      %dma_start3A_40 = arith.constant 0 : i32
      %dma_start3A_41 = tpu.memref_slice %arg4[%dma_start3A_39, %dma_start3A_40] : memref<10000x128xbf16, #tpu.memory_space<hbm>> -> memref<10000x128xbf16, #tpu.memory_space<hbm>>
      tpu.enqueue_indirect_dma source(%dma_start3A_41 : memref<10000x128xbf16, #tpu.memory_space<hbm>>) target(%arg13 : memref<128x128xbf16, #tpu.memory_space<vmem>>) offsets(%dma_start3A_38 : memref<128xi32, #tpu.memory_space<vmem>>) semaphore(%arg18 : memref<!tpu.dma_semaphore, #tpu.memory_space<semaphore_mem>>)
      %scan3A_42 = arith.constant 0 : i32
      %scan3A_43 = arith.constant 0 : i32
      %scan3A_44 = arith.constant 101 : i32
      %scan3A_45 = arith.addi %scan3A_43, %scan3A_44 : i32
      %scan3A_46 = arith.constant 1 : i32
      %scan3A_47 = scf.for %scan3A_76 = %scan3A_43 to %scan3A_45 step %scan3A_46 iter_args(%scan3A_77 = %scan3A_42) -> (i32)  : i32 {
        %get3A = arith.index_cast %scan3A_76 : i32 to index
        %get3A_78 = arith.constant 0 : index
        %get3A_79 = tpu.vector_load %arg11[%get3A, %get3A_78] {strides = array<i32>} : memref<101x128xi32, #tpu.memory_space<vmem>>, vector<16xi32>,
        tpu.vector_store_idx %arg25[%get3A_79], %broadcast_in_dim3A_1 {add = true} : memref<10240xf32, #tpu.memory_space<vmem>>[vector<16xi32>], vector<16xf32>,
        %get3A_80 = arith.index_cast %scan3A_76 : i32 to index
        %get3A_81 = arith.constant 16 : index
        %get3A_82 = tpu.vector_load %arg11[%get3A_80, %get3A_81] {strides = array<i32>} : memref<101x128xi32, #tpu.memory_space<vmem>>, vector<16xi32>,
        tpu.vector_store_idx %arg25[%get3A_82], %broadcast_in_dim3A_1 {add = true} : memref<10240xf32, #tpu.memory_space<vmem>>[vector<16xi32>], vector<16xf32>,
        %get3A_83 = arith.index_cast %scan3A_76 : i32 to index
        %get3A_84 = arith.constant 32 : index
        %get3A_85 = tpu.vector_load %arg11[%get3A_83, %get3A_84] {strides = array<i32>} : memref<101x128xi32, #tpu.memory_space<vmem>>, vector<16xi32>,
        tpu.vector_store_idx %arg25[%get3A_85], %broadcast_in_dim3A_1 {add = true} : memref<10240xf32, #tpu.memory_space<vmem>>[vector<16xi32>], vector<16xf32>,
        %get3A_86 = arith.index_cast %scan3A_76 : i32 to index
        %get3A_87 = arith.constant 48 : index
        %get3A_88 = tpu.vector_load %arg11[%get3A_86, %get3A_87] {strides = array<i32>} : memref<101x128xi32, #tpu.memory_space<vmem>>, vector<16xi32>,
        tpu.vector_store_idx %arg25[%get3A_88], %broadcast_in_dim3A_1 {add = true} : memref<10240xf32, #tpu.memory_space<vmem>>[vector<16xi32>], vector<16xf32>,
        %get3A_89 = arith.index_cast %scan3A_76 : i32 to index
        %get3A_90 = arith.constant 64 : index
        %get3A_91 = tpu.vector_load %arg11[%get3A_89, %get3A_90] {strides = array<i32>} : memref<101x128xi32, #tpu.memory_space<vmem>>, vector<16xi32>,
        tpu.vector_store_idx %arg25[%get3A_91], %broadcast_in_dim3A_1 {add = true} : memref<10240xf32, #tpu.memory_space<vmem>>[vector<16xi32>], vector<16xf32>,
        %get3A_92 = arith.index_cast %scan3A_76 : i32 to index
        %get3A_93 = arith.constant 80 : index
        %get3A_94 = tpu.vector_load %arg11[%get3A_92, %get3A_93] {strides = array<i32>} : memref<101x128xi32, #tpu.memory_space<vmem>>, vector<16xi32>,
        tpu.vector_store_idx %arg25[%get3A_94], %broadcast_in_dim3A_1 {add = true} : memref<10240xf32, #tpu.memory_space<vmem>>[vector<16xi32>], vector<16xf32>,
        %get3A_95 = arith.index_cast %scan3A_76 : i32 to index
        %get3A_96 = arith.constant 96 : index
        %get3A_97 = tpu.vector_load %arg11[%get3A_95, %get3A_96] {strides = array<i32>} : memref<101x128xi32, #tpu.memory_space<vmem>>, vector<16xi32>,
        tpu.vector_store_idx %arg25[%get3A_97], %broadcast_in_dim3A_1 {add = true} : memref<10240xf32, #tpu.memory_space<vmem>>[vector<16xi32>], vector<16xf32>,
        %get3A_98 = arith.index_cast %scan3A_76 : i32 to index
        %get3A_99 = arith.constant 112 : index
        %get3A_100 = tpu.vector_load %arg11[%get3A_98, %get3A_99] {strides = array<i32>} : memref<101x128xi32, #tpu.memory_space<vmem>>, vector<16xi32>,
        tpu.vector_store_idx %arg25[%get3A_100], %broadcast_in_dim3A_1 {add = true} : memref<10240xf32, #tpu.memory_space<vmem>>[vector<16xi32>], vector<16xf32>,
        %rem3A = arith.constant 4 : i32
        %rem3A_101 = arith.remsi %scan3A_76, %rem3A : i32
        %eq3A_102 = arith.constant 0 : i32
        %eq3A_103 = arith.cmpi eq, %rem3A_101, %eq3A_102 : i32
        %convert_element_type3A_104 = arith.extui %eq3A_103 : i1 to i32
        %cond3A_105 = arith.constant 0 : i32
        %cond3A_106 = arith.cmpi ne, %convert_element_type3A_104, %cond3A_105 : i32
        scf.if %cond3A_106 {
          %dma_wait3A_123 = arith.constant 0 : i32
          %dma_wait3A_124 = tpu.memref_slice %arg10[%scan3A_76, %dma_wait3A_123] : memref<101x128xi32, #tpu.memory_space<vmem>> -> memref<1x128xi32, #tpu.memory_space<vmem>>
          %dma_wait3A_125 = tpu.memref_squeeze %dma_wait3A_124 : memref<1x128xi32, #tpu.memory_space<vmem>> -> memref<128xi32, #tpu.memory_space<vmem>>
          %dma_wait3A_126 = arith.constant 0 : i32
          %dma_wait3A_127 = arith.constant 0 : i32
          %dma_wait3A_128 = tpu.memref_slice %arg4[%dma_wait3A_126, %dma_wait3A_127] : memref<10000x128xbf16, #tpu.memory_space<hbm>> -> memref<10000x128xbf16, #tpu.memory_space<hbm>>
          tpu.wait_indirect_dma semaphore(%arg17 : memref<!tpu.dma_semaphore, #tpu.memory_space<semaphore_mem>>) src(%dma_wait3A_128 : memref<10000x128xbf16, #tpu.memory_space<hbm>>) dst(%arg12 : memref<128x128xbf16, #tpu.memory_space<vmem>>)
          %dma_start3A_129 = arith.constant 0 : i32
          %dma_start3A_130 = tpu.memref_slice %arg11[%scan3A_76, %dma_start3A_129] : memref<101x128xi32, #tpu.memory_space<vmem>> -> memref<1x128xi32, #tpu.memory_space<vmem>>
          %dma_start3A_131 = tpu.memref_squeeze %dma_start3A_130 : memref<1x128xi32, #tpu.memory_space<vmem>> -> memref<128xi32, #tpu.memory_space<vmem>>
          %dma_start3A_132 = arith.constant 0 : i32
          %dma_start3A_133 = arith.constant 0 : i32
          %dma_start3A_134 = tpu.memref_slice %arg16[%dma_start3A_132, %dma_start3A_133] : memref<10240x128xbf16, #tpu.memory_space<vmem_shared>> -> memref<10240x128xbf16, #tpu.memory_space<vmem_shared>>
          tpu.enqueue_indirect_dma source(%arg12 : memref<128x128xbf16, #tpu.memory_space<vmem>>) target(%dma_start3A_134 : memref<10240x128xbf16, #tpu.memory_space<vmem_shared>>) offsets(%dma_start3A_131 : memref<128xi32, #tpu.memory_space<vmem>>) semaphore(%arg21 : memref<!tpu.dma_semaphore, #tpu.memory_space<semaphore_mem>>) {add = true}
          %add3A = arith.constant 2 : i32
          %add3A_135 = arith.addi %scan3A_76, %add3A : i32
          %lt3A = arith.constant 101 : i32
          %lt3A_136 = arith.cmpi slt, %add3A_135, %lt3A : i32
          %convert_element_type3A_137 = arith.extui %lt3A_136 : i1 to i32
          %cond3A_138 = arith.constant 0 : i32
          %cond3A_139 = arith.cmpi ne, %convert_element_type3A_137, %cond3A_138 : i32
          scf.if %cond3A_139 {
            %ge3A = arith.constant 2 : i32
            %ge3A_140 = arith.cmpi sge, %scan3A_76, %ge3A : i32
            %convert_element_type3A_141 = arith.extui %ge3A_140 : i1 to i32
            %cond3A_142 = arith.constant 0 : i32
            %cond3A_143 = arith.cmpi ne, %convert_element_type3A_141, %cond3A_142 : i32
            scf.if %cond3A_143 {
              %dma_wait3A_152 = arith.constant 0 : i32
              %dma_wait3A_153 = tpu.memref_slice %arg11[%scan3A_76, %dma_wait3A_152] : memref<101x128xi32, #tpu.memory_space<vmem>> -> memref<1x128xi32, #tpu.memory_space<vmem>>
              %dma_wait3A_154 = tpu.memref_squeeze %dma_wait3A_153 : memref<1x128xi32, #tpu.memory_space<vmem>> -> memref<128xi32, #tpu.memory_space<vmem>>
              %dma_wait3A_155 = arith.constant 0 : i32
              %dma_wait3A_156 = arith.constant 0 : i32
              %dma_wait3A_157 = tpu.memref_slice %arg16[%dma_wait3A_155, %dma_wait3A_156] : memref<10240x128xbf16, #tpu.memory_space<vmem_shared>> -> memref<10240x128xbf16, #tpu.memory_space<vmem_shared>>
              tpu.wait_indirect_dma semaphore(%arg23 : memref<!tpu.dma_semaphore, #tpu.memory_space<semaphore_mem>>) src(%arg14 : memref<128x128xbf16, #tpu.memory_space<vmem>>) dst(%dma_wait3A_157 : memref<10240x128xbf16, #tpu.memory_space<vmem_shared>>)
            } else {
            }
            %add3A_144 = arith.constant 2 : i32
            %add3A_145 = arith.addi %scan3A_76, %add3A_144 : i32
            %dma_start3A_146 = arith.constant 0 : i32
            %dma_start3A_147 = tpu.memref_slice %arg10[%add3A_145, %dma_start3A_146] : memref<101x128xi32, #tpu.memory_space<vmem>> -> memref<1x128xi32, #tpu.memory_space<vmem>>
            %dma_start3A_148 = tpu.memref_squeeze %dma_start3A_147 : memref<1x128xi32, #tpu.memory_space<vmem>> -> memref<128xi32, #tpu.memory_space<vmem>>
            %dma_start3A_149 = arith.constant 0 : i32
            %dma_start3A_150 = arith.constant 0 : i32
            %dma_start3A_151 = tpu.memref_slice %arg4[%dma_start3A_149, %dma_start3A_150] : memref<10000x128xbf16, #tpu.memory_space<hbm>> -> memref<10000x128xbf16, #tpu.memory_space<hbm>>
            tpu.enqueue_indirect_dma source(%dma_start3A_151 : memref<10000x128xbf16, #tpu.memory_space<hbm>>) target(%arg14 : memref<128x128xbf16, #tpu.memory_space<vmem>>) offsets(%dma_start3A_148 : memref<128xi32, #tpu.memory_space<vmem>>) semaphore(%arg19 : memref<!tpu.dma_semaphore, #tpu.memory_space<semaphore_mem>>)
          } else {
          }
        } else {
        }
        %eq3A_107 = arith.constant 1 : i32
        %eq3A_108 = arith.cmpi eq, %rem3A_101, %eq3A_107 : i32
        %convert_element_type3A_109 = arith.extui %eq3A_108 : i1 to i32
        %cond3A_110 = arith.constant 0 : i32
        %cond3A_111 = arith.cmpi ne, %convert_element_type3A_109, %cond3A_110 : i32
        scf.if %cond3A_111 {
          %dma_wait3A_123 = arith.constant 0 : i32
          %dma_wait3A_124 = tpu.memref_slice %arg10[%scan3A_76, %dma_wait3A_123] : memref<101x128xi32, #tpu.memory_space<vmem>> -> memref<1x128xi32, #tpu.memory_space<vmem>>
          %dma_wait3A_125 = tpu.memref_squeeze %dma_wait3A_124 : memref<1x128xi32, #tpu.memory_space<vmem>> -> memref<128xi32, #tpu.memory_space<vmem>>
          %dma_wait3A_126 = arith.constant 0 : i32
          %dma_wait3A_127 = arith.constant 0 : i32
          %dma_wait3A_128 = tpu.memref_slice %arg4[%dma_wait3A_126, %dma_wait3A_127] : memref<10000x128xbf16, #tpu.memory_space<hbm>> -> memref<10000x128xbf16, #tpu.memory_space<hbm>>
          tpu.wait_indirect_dma semaphore(%arg18 : memref<!tpu.dma_semaphore, #tpu.memory_space<semaphore_mem>>) src(%dma_wait3A_128 : memref<10000x128xbf16, #tpu.memory_space<hbm>>) dst(%arg13 : memref<128x128xbf16, #tpu.memory_space<vmem>>)
          %dma_start3A_129 = arith.constant 0 : i32
          %dma_start3A_130 = tpu.memref_slice %arg11[%scan3A_76, %dma_start3A_129] : memref<101x128xi32, #tpu.memory_space<vmem>> -> memref<1x128xi32, #tpu.memory_space<vmem>>
          %dma_start3A_131 = tpu.memref_squeeze %dma_start3A_130 : memref<1x128xi32, #tpu.memory_space<vmem>> -> memref<128xi32, #tpu.memory_space<vmem>>
          %dma_start3A_132 = arith.constant 0 : i32
          %dma_start3A_133 = arith.constant 0 : i32
          %dma_start3A_134 = tpu.memref_slice %arg16[%dma_start3A_132, %dma_start3A_133] : memref<10240x128xbf16, #tpu.memory_space<vmem_shared>> -> memref<10240x128xbf16, #tpu.memory_space<vmem_shared>>
          tpu.enqueue_indirect_dma source(%arg13 : memref<128x128xbf16, #tpu.memory_space<vmem>>) target(%dma_start3A_134 : memref<10240x128xbf16, #tpu.memory_space<vmem_shared>>) offsets(%dma_start3A_131 : memref<128xi32, #tpu.memory_space<vmem>>) semaphore(%arg22 : memref<!tpu.dma_semaphore, #tpu.memory_space<semaphore_mem>>) {add = true}
          %add3A = arith.constant 2 : i32
          %add3A_135 = arith.addi %scan3A_76, %add3A : i32
          %lt3A = arith.constant 101 : i32
          %lt3A_136 = arith.cmpi slt, %add3A_135, %lt3A : i32
          %convert_element_type3A_137 = arith.extui %lt3A_136 : i1 to i32
          %cond3A_138 = arith.constant 0 : i32
          %cond3A_139 = arith.cmpi ne, %convert_element_type3A_137, %cond3A_138 : i32
          scf.if %cond3A_139 {
            %ge3A = arith.constant 2 : i32
            %ge3A_140 = arith.cmpi sge, %scan3A_76, %ge3A : i32
            %convert_element_type3A_141 = arith.extui %ge3A_140 : i1 to i32
            %cond3A_142 = arith.constant 0 : i32
            %cond3A_143 = arith.cmpi ne, %convert_element_type3A_141, %cond3A_142 : i32
            scf.if %cond3A_143 {
              %dma_wait3A_152 = arith.constant 0 : i32
              %dma_wait3A_153 = tpu.memref_slice %arg11[%scan3A_76, %dma_wait3A_152] : memref<101x128xi32, #tpu.memory_space<vmem>> -> memref<1x128xi32, #tpu.memory_space<vmem>>
              %dma_wait3A_154 = tpu.memref_squeeze %dma_wait3A_153 : memref<1x128xi32, #tpu.memory_space<vmem>> -> memref<128xi32, #tpu.memory_space<vmem>>
              %dma_wait3A_155 = arith.constant 0 : i32
              %dma_wait3A_156 = arith.constant 0 : i32
              %dma_wait3A_157 = tpu.memref_slice %arg16[%dma_wait3A_155, %dma_wait3A_156] : memref<10240x128xbf16, #tpu.memory_space<vmem_shared>> -> memref<10240x128xbf16, #tpu.memory_space<vmem_shared>>
              tpu.wait_indirect_dma semaphore(%arg24 : memref<!tpu.dma_semaphore, #tpu.memory_space<semaphore_mem>>) src(%arg15 : memref<128x128xbf16, #tpu.memory_space<vmem>>) dst(%dma_wait3A_157 : memref<10240x128xbf16, #tpu.memory_space<vmem_shared>>)
            } else {
            }
            %add3A_144 = arith.constant 2 : i32
            %add3A_145 = arith.addi %scan3A_76, %add3A_144 : i32
            %dma_start3A_146 = arith.constant 0 : i32
            %dma_start3A_147 = tpu.memref_slice %arg10[%add3A_145, %dma_start3A_146] : memref<101x128xi32, #tpu.memory_space<vmem>> -> memref<1x128xi32, #tpu.memory_space<vmem>>
            %dma_start3A_148 = tpu.memref_squeeze %dma_start3A_147 : memref<1x128xi32, #tpu.memory_space<vmem>> -> memref<128xi32, #tpu.memory_space<vmem>>
            %dma_start3A_149 = arith.constant 0 : i32
            %dma_start3A_150 = arith.constant 0 : i32
            %dma_start3A_151 = tpu.memref_slice %arg4[%dma_start3A_149, %dma_start3A_150] : memref<10000x128xbf16, #tpu.memory_space<hbm>> -> memref<10000x128xbf16, #tpu.memory_space<hbm>>
            tpu.enqueue_indirect_dma source(%dma_start3A_151 : memref<10000x128xbf16, #tpu.memory_space<hbm>>) target(%arg15 : memref<128x128xbf16, #tpu.memory_space<vmem>>) offsets(%dma_start3A_148 : memref<128xi32, #tpu.memory_space<vmem>>) semaphore(%arg20 : memref<!tpu.dma_semaphore, #tpu.memory_space<semaphore_mem>>)
          } else {
          }
        } else {
        }
        %eq3A_112 = arith.constant 2 : i32
        %eq3A_113 = arith.cmpi eq, %rem3A_101, %eq3A_112 : i32
        %convert_element_type3A_114 = arith.extui %eq3A_113 : i1 to i32
        %cond3A_115 = arith.constant 0 : i32
        %cond3A_116 = arith.cmpi ne, %convert_element_type3A_114, %cond3A_115 : i32
        scf.if %cond3A_116 {
          %dma_wait3A_123 = arith.constant 0 : i32
          %dma_wait3A_124 = tpu.memref_slice %arg10[%scan3A_76, %dma_wait3A_123] : memref<101x128xi32, #tpu.memory_space<vmem>> -> memref<1x128xi32, #tpu.memory_space<vmem>>
          %dma_wait3A_125 = tpu.memref_squeeze %dma_wait3A_124 : memref<1x128xi32, #tpu.memory_space<vmem>> -> memref<128xi32, #tpu.memory_space<vmem>>
          %dma_wait3A_126 = arith.constant 0 : i32
          %dma_wait3A_127 = arith.constant 0 : i32
          %dma_wait3A_128 = tpu.memref_slice %arg4[%dma_wait3A_126, %dma_wait3A_127] : memref<10000x128xbf16, #tpu.memory_space<hbm>> -> memref<10000x128xbf16, #tpu.memory_space<hbm>>
          tpu.wait_indirect_dma semaphore(%arg19 : memref<!tpu.dma_semaphore, #tpu.memory_space<semaphore_mem>>) src(%dma_wait3A_128 : memref<10000x128xbf16, #tpu.memory_space<hbm>>) dst(%arg14 : memref<128x128xbf16, #tpu.memory_space<vmem>>)
          %dma_start3A_129 = arith.constant 0 : i32
          %dma_start3A_130 = tpu.memref_slice %arg11[%scan3A_76, %dma_start3A_129] : memref<101x128xi32, #tpu.memory_space<vmem>> -> memref<1x128xi32, #tpu.memory_space<vmem>>
          %dma_start3A_131 = tpu.memref_squeeze %dma_start3A_130 : memref<1x128xi32, #tpu.memory_space<vmem>> -> memref<128xi32, #tpu.memory_space<vmem>>
          %dma_start3A_132 = arith.constant 0 : i32
          %dma_start3A_133 = arith.constant 0 : i32
          %dma_start3A_134 = tpu.memref_slice %arg16[%dma_start3A_132, %dma_start3A_133] : memref<10240x128xbf16, #tpu.memory_space<vmem_shared>> -> memref<10240x128xbf16, #tpu.memory_space<vmem_shared>>
          tpu.enqueue_indirect_dma source(%arg14 : memref<128x128xbf16, #tpu.memory_space<vmem>>) target(%dma_start3A_134 : memref<10240x128xbf16, #tpu.memory_space<vmem_shared>>) offsets(%dma_start3A_131 : memref<128xi32, #tpu.memory_space<vmem>>) semaphore(%arg23 : memref<!tpu.dma_semaphore, #tpu.memory_space<semaphore_mem>>) {add = true}
          %add3A = arith.constant 2 : i32
          %add3A_135 = arith.addi %scan3A_76, %add3A : i32
          %lt3A = arith.constant 101 : i32
          %lt3A_136 = arith.cmpi slt, %add3A_135, %lt3A : i32
          %convert_element_type3A_137 = arith.extui %lt3A_136 : i1 to i32
          %cond3A_138 = arith.constant 0 : i32
          %cond3A_139 = arith.cmpi ne, %convert_element_type3A_137, %cond3A_138 : i32
          scf.if %cond3A_139 {
            %ge3A = arith.constant 2 : i32
            %ge3A_140 = arith.cmpi sge, %scan3A_76, %ge3A : i32
            %convert_element_type3A_141 = arith.extui %ge3A_140 : i1 to i32
            %cond3A_142 = arith.constant 0 : i32
            %cond3A_143 = arith.cmpi ne, %convert_element_type3A_141, %cond3A_142 : i32
            scf.if %cond3A_143 {
              %dma_wait3A_152 = arith.constant 0 : i32
              %dma_wait3A_153 = tpu.memref_slice %arg11[%scan3A_76, %dma_wait3A_152] : memref<101x128xi32, #tpu.memory_space<vmem>> -> memref<1x128xi32, #tpu.memory_space<vmem>>
              %dma_wait3A_154 = tpu.memref_squeeze %dma_wait3A_153 : memref<1x128xi32, #tpu.memory_space<vmem>> -> memref<128xi32, #tpu.memory_space<vmem>>
              %dma_wait3A_155 = arith.constant 0 : i32
              %dma_wait3A_156 = arith.constant 0 : i32
              %dma_wait3A_157 = tpu.memref_slice %arg16[%dma_wait3A_155, %dma_wait3A_156] : memref<10240x128xbf16, #tpu.memory_space<vmem_shared>> -> memref<10240x128xbf16, #tpu.memory_space<vmem_shared>>
              tpu.wait_indirect_dma semaphore(%arg21 : memref<!tpu.dma_semaphore, #tpu.memory_space<semaphore_mem>>) src(%arg12 : memref<128x128xbf16, #tpu.memory_space<vmem>>) dst(%dma_wait3A_157 : memref<10240x128xbf16, #tpu.memory_space<vmem_shared>>)
            } else {
            }
            %add3A_144 = arith.constant 2 : i32
            %add3A_145 = arith.addi %scan3A_76, %add3A_144 : i32
            %dma_start3A_146 = arith.constant 0 : i32
            %dma_start3A_147 = tpu.memref_slice %arg10[%add3A_145, %dma_start3A_146] : memref<101x128xi32, #tpu.memory_space<vmem>> -> memref<1x128xi32, #tpu.memory_space<vmem>>
            %dma_start3A_148 = tpu.memref_squeeze %dma_start3A_147 : memref<1x128xi32, #tpu.memory_space<vmem>> -> memref<128xi32, #tpu.memory_space<vmem>>
            %dma_start3A_149 = arith.constant 0 : i32
            %dma_start3A_150 = arith.constant 0 : i32
            %dma_start3A_151 = tpu.memref_slice %arg4[%dma_start3A_149, %dma_start3A_150] : memref<10000x128xbf16, #tpu.memory_space<hbm>> -> memref<10000x128xbf16, #tpu.memory_space<hbm>>
            tpu.enqueue_indirect_dma source(%dma_start3A_151 : memref<10000x128xbf16, #tpu.memory_space<hbm>>) target(%arg12 : memref<128x128xbf16, #tpu.memory_space<vmem>>) offsets(%dma_start3A_148 : memref<128xi32, #tpu.memory_space<vmem>>) semaphore(%arg17 : memref<!tpu.dma_semaphore, #tpu.memory_space<semaphore_mem>>)
          } else {
          }
        } else {
        }
        %eq3A_117 = arith.constant 3 : i32
        %eq3A_118 = arith.cmpi eq, %rem3A_101, %eq3A_117 : i32
        %convert_element_type3A_119 = arith.extui %eq3A_118 : i1 to i32
        %cond3A_120 = arith.constant 0 : i32
        %cond3A_121 = arith.cmpi ne, %convert_element_type3A_119, %cond3A_120 : i32
        scf.if %cond3A_121 {
          %dma_wait3A_123 = arith.constant 0 : i32
          %dma_wait3A_124 = tpu.memref_slice %arg10[%scan3A_76, %dma_wait3A_123] : memref<101x128xi32, #tpu.memory_space<vmem>> -> memref<1x128xi32, #tpu.memory_space<vmem>>
          %dma_wait3A_125 = tpu.memref_squeeze %dma_wait3A_124 : memref<1x128xi32, #tpu.memory_space<vmem>> -> memref<128xi32, #tpu.memory_space<vmem>>
          %dma_wait3A_126 = arith.constant 0 : i32
          %dma_wait3A_127 = arith.constant 0 : i32
          %dma_wait3A_128 = tpu.memref_slice %arg4[%dma_wait3A_126, %dma_wait3A_127] : memref<10000x128xbf16, #tpu.memory_space<hbm>> -> memref<10000x128xbf16, #tpu.memory_space<hbm>>
          tpu.wait_indirect_dma semaphore(%arg20 : memref<!tpu.dma_semaphore, #tpu.memory_space<semaphore_mem>>) src(%dma_wait3A_128 : memref<10000x128xbf16, #tpu.memory_space<hbm>>) dst(%arg15 : memref<128x128xbf16, #tpu.memory_space<vmem>>)
          %dma_start3A_129 = arith.constant 0 : i32
          %dma_start3A_130 = tpu.memref_slice %arg11[%scan3A_76, %dma_start3A_129] : memref<101x128xi32, #tpu.memory_space<vmem>> -> memref<1x128xi32, #tpu.memory_space<vmem>>
          %dma_start3A_131 = tpu.memref_squeeze %dma_start3A_130 : memref<1x128xi32, #tpu.memory_space<vmem>> -> memref<128xi32, #tpu.memory_space<vmem>>
          %dma_start3A_132 = arith.constant 0 : i32
          %dma_start3A_133 = arith.constant 0 : i32
          %dma_start3A_134 = tpu.memref_slice %arg16[%dma_start3A_132, %dma_start3A_133] : memref<10240x128xbf16, #tpu.memory_space<vmem_shared>> -> memref<10240x128xbf16, #tpu.memory_space<vmem_shared>>
          tpu.enqueue_indirect_dma source(%arg15 : memref<128x128xbf16, #tpu.memory_space<vmem>>) target(%dma_start3A_134 : memref<10240x128xbf16, #tpu.memory_space<vmem_shared>>) offsets(%dma_start3A_131 : memref<128xi32, #tpu.memory_space<vmem>>) semaphore(%arg24 : memref<!tpu.dma_semaphore, #tpu.memory_space<semaphore_mem>>) {add = true}
          %add3A = arith.constant 2 : i32
          %add3A_135 = arith.addi %scan3A_76, %add3A : i32
          %lt3A = arith.constant 101 : i32
          %lt3A_136 = arith.cmpi slt, %add3A_135, %lt3A : i32
          %convert_element_type3A_137 = arith.extui %lt3A_136 : i1 to i32
          %cond3A_138 = arith.constant 0 : i32
          %cond3A_139 = arith.cmpi ne, %convert_element_type3A_137, %cond3A_138 : i32
          scf.if %cond3A_139 {
            %ge3A = arith.constant 2 : i32
            %ge3A_140 = arith.cmpi sge, %scan3A_76, %ge3A : i32
            %convert_element_type3A_141 = arith.extui %ge3A_140 : i1 to i32
            %cond3A_142 = arith.constant 0 : i32
            %cond3A_143 = arith.cmpi ne, %convert_element_type3A_141, %cond3A_142 : i32
            scf.if %cond3A_143 {
              %dma_wait3A_152 = arith.constant 0 : i32
              %dma_wait3A_153 = tpu.memref_slice %arg11[%scan3A_76, %dma_wait3A_152] : memref<101x128xi32, #tpu.memory_space<vmem>> -> memref<1x128xi32, #tpu.memory_space<vmem>>
              %dma_wait3A_154 = tpu.memref_squeeze %dma_wait3A_153 : memref<1x128xi32, #tpu.memory_space<vmem>> -> memref<128xi32, #tpu.memory_space<vmem>>
              %dma_wait3A_155 = arith.constant 0 : i32
              %dma_wait3A_156 = arith.constant 0 : i32
              %dma_wait3A_157 = tpu.memref_slice %arg16[%dma_wait3A_155, %dma_wait3A_156] : memref<10240x128xbf16, #tpu.memory_space<vmem_shared>> -> memref<10240x128xbf16, #tpu.memory_space<vmem_shared>>
              tpu.wait_indirect_dma semaphore(%arg22 : memref<!tpu.dma_semaphore, #tpu.memory_space<semaphore_mem>>) src(%arg13 : memref<128x128xbf16, #tpu.memory_space<vmem>>) dst(%dma_wait3A_157 : memref<10240x128xbf16, #tpu.memory_space<vmem_shared>>)
            } else {
            }
            %add3A_144 = arith.constant 2 : i32
            %add3A_145 = arith.addi %scan3A_76, %add3A_144 : i32
            %dma_start3A_146 = arith.constant 0 : i32
            %dma_start3A_147 = tpu.memref_slice %arg10[%add3A_145, %dma_start3A_146] : memref<101x128xi32, #tpu.memory_space<vmem>> -> memref<1x128xi32, #tpu.memory_space<vmem>>
            %dma_start3A_148 = tpu.memref_squeeze %dma_start3A_147 : memref<1x128xi32, #tpu.memory_space<vmem>> -> memref<128xi32, #tpu.memory_space<vmem>>
            %dma_start3A_149 = arith.constant 0 : i32
            %dma_start3A_150 = arith.constant 0 : i32
            %dma_start3A_151 = tpu.memref_slice %arg4[%dma_start3A_149, %dma_start3A_150] : memref<10000x128xbf16, #tpu.memory_space<hbm>> -> memref<10000x128xbf16, #tpu.memory_space<hbm>>
            tpu.enqueue_indirect_dma source(%dma_start3A_151 : memref<10000x128xbf16, #tpu.memory_space<hbm>>) target(%arg13 : memref<128x128xbf16, #tpu.memory_space<vmem>>) offsets(%dma_start3A_148 : memref<128xi32, #tpu.memory_space<vmem>>) semaphore(%arg18 : memref<!tpu.dma_semaphore, #tpu.memory_space<semaphore_mem>>)
          } else {
          }
        } else {
        }
        %scan3A_122 = arith.constant 0 : i32
        scf.yield %scan3A_122 : i32
      }
      %scan3A_48 = arith.constant 101 : i32
      %dma_wait3A = arith.constant 97 : i32
      %dma_wait3A_49 = arith.constant 0 : i32
      %dma_wait3A_50 = tpu.memref_slice %arg11[%dma_wait3A, %dma_wait3A_49] : memref<101x128xi32, #tpu.memory_space<vmem>> -> memref<1x128xi32, #tpu.memory_space<vmem>>
      %dma_wait3A_51 = tpu.memref_squeeze %dma_wait3A_50 : memref<1x128xi32, #tpu.memory_space<vmem>> -> memref<128xi32, #tpu.memory_space<vmem>>
      %dma_wait3A_52 = arith.constant 0 : i32
      %dma_wait3A_53 = arith.constant 0 : i32
      %dma_wait3A_54 = tpu.memref_slice %arg16[%dma_wait3A_52, %dma_wait3A_53] : memref<10240x128xbf16, #tpu.memory_space<vmem_shared>> -> memref<10240x128xbf16, #tpu.memory_space<vmem_shared>>
      tpu.wait_indirect_dma semaphore(%arg22 : memref<!tpu.dma_semaphore, #tpu.memory_space<semaphore_mem>>) src(%arg13 : memref<128x128xbf16, #tpu.memory_space<vmem>>) dst(%dma_wait3A_54 : memref<10240x128xbf16, #tpu.memory_space<vmem_shared>>)
      %dma_wait3A_55 = arith.constant 98 : i32
      %dma_wait3A_56 = arith.constant 0 : i32
      %dma_wait3A_57 = tpu.memref_slice %arg11[%dma_wait3A_55, %dma_wait3A_56] : memref<101x128xi32, #tpu.memory_space<vmem>> -> memref<1x128xi32, #tpu.memory_space<vmem>>
      %dma_wait3A_58 = tpu.memref_squeeze %dma_wait3A_57 : memref<1x128xi32, #tpu.memory_space<vmem>> -> memref<128xi32, #tpu.memory_space<vmem>>
      %dma_wait3A_59 = arith.constant 0 : i32
      %dma_wait3A_60 = arith.constant 0 : i32
      %dma_wait3A_61 = tpu.memref_slice %arg16[%dma_wait3A_59, %dma_wait3A_60] : memref<10240x128xbf16, #tpu.memory_space<vmem_shared>> -> memref<10240x128xbf16, #tpu.memory_space<vmem_shared>>
      tpu.wait_indirect_dma semaphore(%arg23 : memref<!tpu.dma_semaphore, #tpu.memory_space<semaphore_mem>>) src(%arg14 : memref<128x128xbf16, #tpu.memory_space<vmem>>) dst(%dma_wait3A_61 : memref<10240x128xbf16, #tpu.memory_space<vmem_shared>>)
      %dma_wait3A_62 = arith.constant 99 : i32
      %dma_wait3A_63 = arith.constant 0 : i32
      %dma_wait3A_64 = tpu.memref_slice %arg11[%dma_wait3A_62, %dma_wait3A_63] : memref<101x128xi32, #tpu.memory_space<vmem>> -> memref<1x128xi32, #tpu.memory_space<vmem>>
      %dma_wait3A_65 = tpu.memref_squeeze %dma_wait3A_64 : memref<1x128xi32, #tpu.memory_space<vmem>> -> memref<128xi32, #tpu.memory_space<vmem>>
      %dma_wait3A_66 = arith.constant 0 : i32
      %dma_wait3A_67 = arith.constant 0 : i32
      %dma_wait3A_68 = tpu.memref_slice %arg16[%dma_wait3A_66, %dma_wait3A_67] : memref<10240x128xbf16, #tpu.memory_space<vmem_shared>> -> memref<10240x128xbf16, #tpu.memory_space<vmem_shared>>
      tpu.wait_indirect_dma semaphore(%arg24 : memref<!tpu.dma_semaphore, #tpu.memory_space<semaphore_mem>>) src(%arg15 : memref<128x128xbf16, #tpu.memory_space<vmem>>) dst(%dma_wait3A_68 : memref<10240x128xbf16, #tpu.memory_space<vmem_shared>>)
      %dma_wait3A_69 = arith.constant 100 : i32
      %dma_wait3A_70 = arith.constant 0 : i32
      %dma_wait3A_71 = tpu.memref_slice %arg11[%dma_wait3A_69, %dma_wait3A_70] : memref<101x128xi32, #tpu.memory_space<vmem>> -> memref<1x128xi32, #tpu.memory_space<vmem>>
      %dma_wait3A_72 = tpu.memref_squeeze %dma_wait3A_71 : memref<1x128xi32, #tpu.memory_space<vmem>> -> memref<128xi32, #tpu.memory_space<vmem>>
      %dma_wait3A_73 = arith.constant 0 : i32
      %dma_wait3A_74 = arith.constant 0 : i32
      %dma_wait3A_75 = tpu.memref_slice %arg16[%dma_wait3A_73, %dma_wait3A_74] : memref<10240x128xbf16, #tpu.memory_space<vmem_shared>> -> memref<10240x128xbf16, #tpu.memory_space<vmem_shared>>
      tpu.wait_indirect_dma semaphore(%arg21 : memref<!tpu.dma_semaphore, #tpu.memory_space<semaphore_mem>>) src(%arg12 : memref<128x128xbf16, #tpu.memory_space<vmem>>) dst(%dma_wait3A_75 : memref<10240x128xbf16, #tpu.memory_space<vmem_shared>>)
    } else {
    }
    %eq3A_4 = arith.constant 1 : i32
    %eq3A_5 = arith.cmpi eq, %arg0, %eq3A_4 : i32
    %convert_element_type3A_6 = arith.extui %eq3A_5 : i1 to i32
    %cond3A_7 = arith.constant 0 : i32
    %cond3A_8 = arith.cmpi ne, %convert_element_type3A_6, %cond3A_7 : i32
    scf.if %cond3A_8 {
      %mul3A_27 = arith.constant 56 : i32
      %mul3A_28 = arith.muli %arg1, %mul3A_27 : i32
      %add3A = arith.constant 1616 : i32
      %add3A_29 = arith.addi %add3A, %mul3A_28 : i32
      "tpu.region"() ({
        %run_scoped3A_77 = tpu.sem_alloc : memref<!tpu.dma_semaphore, #tpu.memory_space<semaphore_mem>>
        %dma_start3A_78 = arith.constant 0 : i32
        %dma_start3A_79 = arith.constant 0 : i32
        %dma_start3A_80 = tpu.memref_slice %arg10[%dma_start3A_78, %dma_start3A_79] : memref<101x128xi32, #tpu.memory_space<vmem>> -> memref<56x128xi32, #tpu.memory_space<vmem>>
        %dma_start3A_81 = arith.constant 0 : i32
        %dma_start3A_82 = tpu.memref_slice %arg2[%add3A_29, %dma_start3A_81] : memref<2512x128xi32, #tpu.memory_space<hbm>> -> memref<56x128xi32, #tpu.memory_space<hbm>>
        %dma_start3A_83 = arith.constant 0 : i32
        %dma_start3A_84 = arith.constant 0 : i32
        %dma_start3A_85 = tpu.memref_slice %arg10[%dma_start3A_83, %dma_start3A_84] : memref<101x128xi32, #tpu.memory_space<vmem>> -> memref<56x128xi32, #tpu.memory_space<vmem>>
        %dma_start3A_86 = arith.constant 0 : i32
        %dma_start3A_87 = tpu.memref_slice %arg2[%add3A_29, %dma_start3A_86] : memref<2512x128xi32, #tpu.memory_space<hbm>> -> memref<56x128xi32, #tpu.memory_space<hbm>>
        tpu.enqueue_dma source(%dma_start3A_87 : memref<56x128xi32, #tpu.memory_space<hbm>>) target(%dma_start3A_85 : memref<56x128xi32, #tpu.memory_space<vmem>>) target_semaphore(%run_scoped3A_77 : memref<!tpu.dma_semaphore, #tpu.memory_space<semaphore_mem>>)
        %dma_wait3A_88 = arith.constant 0 : i32
        %dma_wait3A_89 = arith.constant 0 : i32
        %dma_wait3A_90 = tpu.memref_slice %arg10[%dma_wait3A_88, %dma_wait3A_89] : memref<101x128xi32, #tpu.memory_space<vmem>> -> memref<56x128xi32, #tpu.memory_space<vmem>>
        %dma_wait3A_91 = arith.constant 0 : i32
        %dma_wait3A_92 = tpu.memref_slice %arg2[%add3A_29, %dma_wait3A_91] : memref<2512x128xi32, #tpu.memory_space<hbm>> -> memref<56x128xi32, #tpu.memory_space<hbm>>
        %dma_wait3A_93 = arith.constant 0 : i32
        %dma_wait3A_94 = arith.constant 0 : i32
        %dma_wait3A_95 = tpu.memref_slice %arg10[%dma_wait3A_93, %dma_wait3A_94] : memref<101x128xi32, #tpu.memory_space<vmem>> -> memref<56x128xi32, #tpu.memory_space<vmem>>
        %dma_wait3A_96 = arith.constant 0 : i32
        %dma_wait3A_97 = tpu.memref_slice %arg2[%add3A_29, %dma_wait3A_96] : memref<2512x128xi32, #tpu.memory_space<hbm>> -> memref<56x128xi32, #tpu.memory_space<hbm>>
        tpu.wait_dma2 semaphore(%run_scoped3A_77 : memref<!tpu.dma_semaphore, #tpu.memory_space<semaphore_mem>>) src(%dma_wait3A_97 : memref<56x128xi32, #tpu.memory_space<hbm>>) dst(%dma_wait3A_95 : memref<56x128xi32, #tpu.memory_space<vmem>>)
        tpu.yield
      }) : () -> ()
      "tpu.region"() ({
        %run_scoped3A_77 = tpu.sem_alloc : memref<!tpu.dma_semaphore, #tpu.memory_space<semaphore_mem>>
        %dma_start3A_78 = arith.constant 0 : i32
        %dma_start3A_79 = arith.constant 0 : i32
        %dma_start3A_80 = tpu.memref_slice %arg11[%dma_start3A_78, %dma_start3A_79] : memref<101x128xi32, #tpu.memory_space<vmem>> -> memref<56x128xi32, #tpu.memory_space<vmem>>
        %dma_start3A_81 = arith.constant 0 : i32
        %dma_start3A_82 = tpu.memref_slice %arg3[%add3A_29, %dma_start3A_81] : memref<2512x128xi32, #tpu.memory_space<hbm>> -> memref<56x128xi32, #tpu.memory_space<hbm>>
        %dma_start3A_83 = arith.constant 0 : i32
        %dma_start3A_84 = arith.constant 0 : i32
        %dma_start3A_85 = tpu.memref_slice %arg11[%dma_start3A_83, %dma_start3A_84] : memref<101x128xi32, #tpu.memory_space<vmem>> -> memref<56x128xi32, #tpu.memory_space<vmem>>
        %dma_start3A_86 = arith.constant 0 : i32
        %dma_start3A_87 = tpu.memref_slice %arg3[%add3A_29, %dma_start3A_86] : memref<2512x128xi32, #tpu.memory_space<hbm>> -> memref<56x128xi32, #tpu.memory_space<hbm>>
        tpu.enqueue_dma source(%dma_start3A_87 : memref<56x128xi32, #tpu.memory_space<hbm>>) target(%dma_start3A_85 : memref<56x128xi32, #tpu.memory_space<vmem>>) target_semaphore(%run_scoped3A_77 : memref<!tpu.dma_semaphore, #tpu.memory_space<semaphore_mem>>)
        %dma_wait3A_88 = arith.constant 0 : i32
        %dma_wait3A_89 = arith.constant 0 : i32
        %dma_wait3A_90 = tpu.memref_slice %arg11[%dma_wait3A_88, %dma_wait3A_89] : memref<101x128xi32, #tpu.memory_space<vmem>> -> memref<56x128xi32, #tpu.memory_space<vmem>>
        %dma_wait3A_91 = arith.constant 0 : i32
        %dma_wait3A_92 = tpu.memref_slice %arg3[%add3A_29, %dma_wait3A_91] : memref<2512x128xi32, #tpu.memory_space<hbm>> -> memref<56x128xi32, #tpu.memory_space<hbm>>
        %dma_wait3A_93 = arith.constant 0 : i32
        %dma_wait3A_94 = arith.constant 0 : i32
        %dma_wait3A_95 = tpu.memref_slice %arg11[%dma_wait3A_93, %dma_wait3A_94] : memref<101x128xi32, #tpu.memory_space<vmem>> -> memref<56x128xi32, #tpu.memory_space<vmem>>
        %dma_wait3A_96 = arith.constant 0 : i32
        %dma_wait3A_97 = tpu.memref_slice %arg3[%add3A_29, %dma_wait3A_96] : memref<2512x128xi32, #tpu.memory_space<hbm>> -> memref<56x128xi32, #tpu.memory_space<hbm>>
        tpu.wait_dma2 semaphore(%run_scoped3A_77 : memref<!tpu.dma_semaphore, #tpu.memory_space<semaphore_mem>>) src(%dma_wait3A_97 : memref<56x128xi32, #tpu.memory_space<hbm>>) dst(%dma_wait3A_95 : memref<56x128xi32, #tpu.memory_space<vmem>>)
        tpu.yield
      }) : () -> ()
      %dma_start3A = arith.constant 0 : i32
      %dma_start3A_30 = arith.constant 0 : i32
      %dma_start3A_31 = tpu.memref_slice %arg10[%dma_start3A, %dma_start3A_30] : memref<101x128xi32, #tpu.memory_space<vmem>> -> memref<1x128xi32, #tpu.memory_space<vmem>>
      %dma_start3A_32 = tpu.memref_squeeze %dma_start3A_31 : memref<1x128xi32, #tpu.memory_space<vmem>> -> memref<128xi32, #tpu.memory_space<vmem>>
      %dma_start3A_33 = arith.constant 0 : i32
      %dma_start3A_34 = arith.constant 0 : i32
      %dma_start3A_35 = tpu.memref_slice %arg4[%dma_start3A_33, %dma_start3A_34] : memref<10000x128xbf16, #tpu.memory_space<hbm>> -> memref<10000x128xbf16, #tpu.memory_space<hbm>>
      tpu.enqueue_indirect_dma source(%dma_start3A_35 : memref<10000x128xbf16, #tpu.memory_space<hbm>>) target(%arg12 : memref<128x128xbf16, #tpu.memory_space<vmem>>) offsets(%dma_start3A_32 : memref<128xi32, #tpu.memory_space<vmem>>) semaphore(%arg17 : memref<!tpu.dma_semaphore, #tpu.memory_space<semaphore_mem>>)
      %dma_start3A_36 = arith.constant 1 : i32
      %dma_start3A_37 = arith.constant 0 : i32
      %dma_start3A_38 = tpu.memref_slice %arg10[%dma_start3A_36, %dma_start3A_37] : memref<101x128xi32, #tpu.memory_space<vmem>> -> memref<1x128xi32, #tpu.memory_space<vmem>>
      %dma_start3A_39 = tpu.memref_squeeze %dma_start3A_38 : memref<1x128xi32, #tpu.memory_space<vmem>> -> memref<128xi32, #tpu.memory_space<vmem>>
      %dma_start3A_40 = arith.constant 0 : i32
      %dma_start3A_41 = arith.constant 0 : i32
      %dma_start3A_42 = tpu.memref_slice %arg4[%dma_start3A_40, %dma_start3A_41] : memref<10000x128xbf16, #tpu.memory_space<hbm>> -> memref<10000x128xbf16, #tpu.memory_space<hbm>>
      tpu.enqueue_indirect_dma source(%dma_start3A_42 : memref<10000x128xbf16, #tpu.memory_space<hbm>>) target(%arg13 : memref<128x128xbf16, #tpu.memory_space<vmem>>) offsets(%dma_start3A_39 : memref<128xi32, #tpu.memory_space<vmem>>) semaphore(%arg18 : memref<!tpu.dma_semaphore, #tpu.memory_space<semaphore_mem>>)
      %scan3A_43 = arith.constant 0 : i32
      %scan3A_44 = arith.constant 0 : i32
      %scan3A_45 = arith.constant 56 : i32
      %scan3A_46 = arith.addi %scan3A_44, %scan3A_45 : i32
      %scan3A_47 = arith.constant 1 : i32
      %scan3A_48 = scf.for %scan3A_77 = %scan3A_44 to %scan3A_46 step %scan3A_47 iter_args(%scan3A_78 = %scan3A_43) -> (i32)  : i32 {
        %get3A = arith.index_cast %scan3A_77 : i32 to index
        %get3A_79 = arith.constant 0 : index
        %get3A_80 = tpu.vector_load %arg11[%get3A, %get3A_79] {strides = array<i32>} : memref<101x128xi32, #tpu.memory_space<vmem>>, vector<16xi32>,
        tpu.vector_store_idx %arg25[%get3A_80], %broadcast_in_dim3A_1 {add = true} : memref<10240xf32, #tpu.memory_space<vmem>>[vector<16xi32>], vector<16xf32>,
        %get3A_81 = arith.index_cast %scan3A_77 : i32 to index
        %get3A_82 = arith.constant 16 : index
        %get3A_83 = tpu.vector_load %arg11[%get3A_81, %get3A_82] {strides = array<i32>} : memref<101x128xi32, #tpu.memory_space<vmem>>, vector<16xi32>,
        tpu.vector_store_idx %arg25[%get3A_83], %broadcast_in_dim3A_1 {add = true} : memref<10240xf32, #tpu.memory_space<vmem>>[vector<16xi32>], vector<16xf32>,
        %get3A_84 = arith.index_cast %scan3A_77 : i32 to index
        %get3A_85 = arith.constant 32 : index
        %get3A_86 = tpu.vector_load %arg11[%get3A_84, %get3A_85] {strides = array<i32>} : memref<101x128xi32, #tpu.memory_space<vmem>>, vector<16xi32>,
        tpu.vector_store_idx %arg25[%get3A_86], %broadcast_in_dim3A_1 {add = true} : memref<10240xf32, #tpu.memory_space<vmem>>[vector<16xi32>], vector<16xf32>,
        %get3A_87 = arith.index_cast %scan3A_77 : i32 to index
        %get3A_88 = arith.constant 48 : index
        %get3A_89 = tpu.vector_load %arg11[%get3A_87, %get3A_88] {strides = array<i32>} : memref<101x128xi32, #tpu.memory_space<vmem>>, vector<16xi32>,
        tpu.vector_store_idx %arg25[%get3A_89], %broadcast_in_dim3A_1 {add = true} : memref<10240xf32, #tpu.memory_space<vmem>>[vector<16xi32>], vector<16xf32>,
        %get3A_90 = arith.index_cast %scan3A_77 : i32 to index
        %get3A_91 = arith.constant 64 : index
        %get3A_92 = tpu.vector_load %arg11[%get3A_90, %get3A_91] {strides = array<i32>} : memref<101x128xi32, #tpu.memory_space<vmem>>, vector<16xi32>,
        tpu.vector_store_idx %arg25[%get3A_92], %broadcast_in_dim3A_1 {add = true} : memref<10240xf32, #tpu.memory_space<vmem>>[vector<16xi32>], vector<16xf32>,
        %get3A_93 = arith.index_cast %scan3A_77 : i32 to index
        %get3A_94 = arith.constant 80 : index
        %get3A_95 = tpu.vector_load %arg11[%get3A_93, %get3A_94] {strides = array<i32>} : memref<101x128xi32, #tpu.memory_space<vmem>>, vector<16xi32>,
        tpu.vector_store_idx %arg25[%get3A_95], %broadcast_in_dim3A_1 {add = true} : memref<10240xf32, #tpu.memory_space<vmem>>[vector<16xi32>], vector<16xf32>,
        %get3A_96 = arith.index_cast %scan3A_77 : i32 to index
        %get3A_97 = arith.constant 96 : index
        %get3A_98 = tpu.vector_load %arg11[%get3A_96, %get3A_97] {strides = array<i32>} : memref<101x128xi32, #tpu.memory_space<vmem>>, vector<16xi32>,
        tpu.vector_store_idx %arg25[%get3A_98], %broadcast_in_dim3A_1 {add = true} : memref<10240xf32, #tpu.memory_space<vmem>>[vector<16xi32>], vector<16xf32>,
        %get3A_99 = arith.index_cast %scan3A_77 : i32 to index
        %get3A_100 = arith.constant 112 : index
        %get3A_101 = tpu.vector_load %arg11[%get3A_99, %get3A_100] {strides = array<i32>} : memref<101x128xi32, #tpu.memory_space<vmem>>, vector<16xi32>,
        tpu.vector_store_idx %arg25[%get3A_101], %broadcast_in_dim3A_1 {add = true} : memref<10240xf32, #tpu.memory_space<vmem>>[vector<16xi32>], vector<16xf32>,
        %rem3A = arith.constant 4 : i32
        %rem3A_102 = arith.remsi %scan3A_77, %rem3A : i32
        %eq3A_103 = arith.constant 0 : i32
        %eq3A_104 = arith.cmpi eq, %rem3A_102, %eq3A_103 : i32
        %convert_element_type3A_105 = arith.extui %eq3A_104 : i1 to i32
        %cond3A_106 = arith.constant 0 : i32
        %cond3A_107 = arith.cmpi ne, %convert_element_type3A_105, %cond3A_106 : i32
        scf.if %cond3A_107 {
          %dma_wait3A_124 = arith.constant 0 : i32
          %dma_wait3A_125 = tpu.memref_slice %arg10[%scan3A_77, %dma_wait3A_124] : memref<101x128xi32, #tpu.memory_space<vmem>> -> memref<1x128xi32, #tpu.memory_space<vmem>>
          %dma_wait3A_126 = tpu.memref_squeeze %dma_wait3A_125 : memref<1x128xi32, #tpu.memory_space<vmem>> -> memref<128xi32, #tpu.memory_space<vmem>>
          %dma_wait3A_127 = arith.constant 0 : i32
          %dma_wait3A_128 = arith.constant 0 : i32
          %dma_wait3A_129 = tpu.memref_slice %arg4[%dma_wait3A_127, %dma_wait3A_128] : memref<10000x128xbf16, #tpu.memory_space<hbm>> -> memref<10000x128xbf16, #tpu.memory_space<hbm>>
          tpu.wait_indirect_dma semaphore(%arg17 : memref<!tpu.dma_semaphore, #tpu.memory_space<semaphore_mem>>) src(%dma_wait3A_129 : memref<10000x128xbf16, #tpu.memory_space<hbm>>) dst(%arg12 : memref<128x128xbf16, #tpu.memory_space<vmem>>)
          %dma_start3A_130 = arith.constant 0 : i32
          %dma_start3A_131 = tpu.memref_slice %arg11[%scan3A_77, %dma_start3A_130] : memref<101x128xi32, #tpu.memory_space<vmem>> -> memref<1x128xi32, #tpu.memory_space<vmem>>
          %dma_start3A_132 = tpu.memref_squeeze %dma_start3A_131 : memref<1x128xi32, #tpu.memory_space<vmem>> -> memref<128xi32, #tpu.memory_space<vmem>>
          %dma_start3A_133 = arith.constant 0 : i32
          %dma_start3A_134 = arith.constant 0 : i32
          %dma_start3A_135 = tpu.memref_slice %arg16[%dma_start3A_133, %dma_start3A_134] : memref<10240x128xbf16, #tpu.memory_space<vmem_shared>> -> memref<10240x128xbf16, #tpu.memory_space<vmem_shared>>
          tpu.enqueue_indirect_dma source(%arg12 : memref<128x128xbf16, #tpu.memory_space<vmem>>) target(%dma_start3A_135 : memref<10240x128xbf16, #tpu.memory_space<vmem_shared>>) offsets(%dma_start3A_132 : memref<128xi32, #tpu.memory_space<vmem>>) semaphore(%arg21 : memref<!tpu.dma_semaphore, #tpu.memory_space<semaphore_mem>>) {add = true}
          %add3A_136 = arith.constant 2 : i32
          %add3A_137 = arith.addi %scan3A_77, %add3A_136 : i32
          %lt3A = arith.constant 56 : i32
          %lt3A_138 = arith.cmpi slt, %add3A_137, %lt3A : i32
          %convert_element_type3A_139 = arith.extui %lt3A_138 : i1 to i32
          %cond3A_140 = arith.constant 0 : i32
          %cond3A_141 = arith.cmpi ne, %convert_element_type3A_139, %cond3A_140 : i32
          scf.if %cond3A_141 {
            %ge3A = arith.constant 2 : i32
            %ge3A_142 = arith.cmpi sge, %scan3A_77, %ge3A : i32
            %convert_element_type3A_143 = arith.extui %ge3A_142 : i1 to i32
            %cond3A_144 = arith.constant 0 : i32
            %cond3A_145 = arith.cmpi ne, %convert_element_type3A_143, %cond3A_144 : i32
            scf.if %cond3A_145 {
              %dma_wait3A_154 = arith.constant 0 : i32
              %dma_wait3A_155 = tpu.memref_slice %arg11[%scan3A_77, %dma_wait3A_154] : memref<101x128xi32, #tpu.memory_space<vmem>> -> memref<1x128xi32, #tpu.memory_space<vmem>>
              %dma_wait3A_156 = tpu.memref_squeeze %dma_wait3A_155 : memref<1x128xi32, #tpu.memory_space<vmem>> -> memref<128xi32, #tpu.memory_space<vmem>>
              %dma_wait3A_157 = arith.constant 0 : i32
              %dma_wait3A_158 = arith.constant 0 : i32
              %dma_wait3A_159 = tpu.memref_slice %arg16[%dma_wait3A_157, %dma_wait3A_158] : memref<10240x128xbf16, #tpu.memory_space<vmem_shared>> -> memref<10240x128xbf16, #tpu.memory_space<vmem_shared>>
              tpu.wait_indirect_dma semaphore(%arg23 : memref<!tpu.dma_semaphore, #tpu.memory_space<semaphore_mem>>) src(%arg14 : memref<128x128xbf16, #tpu.memory_space<vmem>>) dst(%dma_wait3A_159 : memref<10240x128xbf16, #tpu.memory_space<vmem_shared>>)
            } else {
            }
            %add3A_146 = arith.constant 2 : i32
            %add3A_147 = arith.addi %scan3A_77, %add3A_146 : i32
            %dma_start3A_148 = arith.constant 0 : i32
            %dma_start3A_149 = tpu.memref_slice %arg10[%add3A_147, %dma_start3A_148] : memref<101x128xi32, #tpu.memory_space<vmem>> -> memref<1x128xi32, #tpu.memory_space<vmem>>
            %dma_start3A_150 = tpu.memref_squeeze %dma_start3A_149 : memref<1x128xi32, #tpu.memory_space<vmem>> -> memref<128xi32, #tpu.memory_space<vmem>>
            %dma_start3A_151 = arith.constant 0 : i32
            %dma_start3A_152 = arith.constant 0 : i32
            %dma_start3A_153 = tpu.memref_slice %arg4[%dma_start3A_151, %dma_start3A_152] : memref<10000x128xbf16, #tpu.memory_space<hbm>> -> memref<10000x128xbf16, #tpu.memory_space<hbm>>
            tpu.enqueue_indirect_dma source(%dma_start3A_153 : memref<10000x128xbf16, #tpu.memory_space<hbm>>) target(%arg14 : memref<128x128xbf16, #tpu.memory_space<vmem>>) offsets(%dma_start3A_150 : memref<128xi32, #tpu.memory_space<vmem>>) semaphore(%arg19 : memref<!tpu.dma_semaphore, #tpu.memory_space<semaphore_mem>>)
          } else {
          }
        } else {
        }
        %eq3A_108 = arith.constant 1 : i32
        %eq3A_109 = arith.cmpi eq, %rem3A_102, %eq3A_108 : i32
        %convert_element_type3A_110 = arith.extui %eq3A_109 : i1 to i32
        %cond3A_111 = arith.constant 0 : i32
        %cond3A_112 = arith.cmpi ne, %convert_element_type3A_110, %cond3A_111 : i32
        scf.if %cond3A_112 {
          %dma_wait3A_124 = arith.constant 0 : i32
          %dma_wait3A_125 = tpu.memref_slice %arg10[%scan3A_77, %dma_wait3A_124] : memref<101x128xi32, #tpu.memory_space<vmem>> -> memref<1x128xi32, #tpu.memory_space<vmem>>
          %dma_wait3A_126 = tpu.memref_squeeze %dma_wait3A_125 : memref<1x128xi32, #tpu.memory_space<vmem>> -> memref<128xi32, #tpu.memory_space<vmem>>
          %dma_wait3A_127 = arith.constant 0 : i32
          %dma_wait3A_128 = arith.constant 0 : i32
          %dma_wait3A_129 = tpu.memref_slice %arg4[%dma_wait3A_127, %dma_wait3A_128] : memref<10000x128xbf16, #tpu.memory_space<hbm>> -> memref<10000x128xbf16, #tpu.memory_space<hbm>>
          tpu.wait_indirect_dma semaphore(%arg18 : memref<!tpu.dma_semaphore, #tpu.memory_space<semaphore_mem>>) src(%dma_wait3A_129 : memref<10000x128xbf16, #tpu.memory_space<hbm>>) dst(%arg13 : memref<128x128xbf16, #tpu.memory_space<vmem>>)
          %dma_start3A_130 = arith.constant 0 : i32
          %dma_start3A_131 = tpu.memref_slice %arg11[%scan3A_77, %dma_start3A_130] : memref<101x128xi32, #tpu.memory_space<vmem>> -> memref<1x128xi32, #tpu.memory_space<vmem>>
          %dma_start3A_132 = tpu.memref_squeeze %dma_start3A_131 : memref<1x128xi32, #tpu.memory_space<vmem>> -> memref<128xi32, #tpu.memory_space<vmem>>
          %dma_start3A_133 = arith.constant 0 : i32
          %dma_start3A_134 = arith.constant 0 : i32
          %dma_start3A_135 = tpu.memref_slice %arg16[%dma_start3A_133, %dma_start3A_134] : memref<10240x128xbf16, #tpu.memory_space<vmem_shared>> -> memref<10240x128xbf16, #tpu.memory_space<vmem_shared>>
          tpu.enqueue_indirect_dma source(%arg13 : memref<128x128xbf16, #tpu.memory_space<vmem>>) target(%dma_start3A_135 : memref<10240x128xbf16, #tpu.memory_space<vmem_shared>>) offsets(%dma_start3A_132 : memref<128xi32, #tpu.memory_space<vmem>>) semaphore(%arg22 : memref<!tpu.dma_semaphore, #tpu.memory_space<semaphore_mem>>) {add = true}
          %add3A_136 = arith.constant 2 : i32
          %add3A_137 = arith.addi %scan3A_77, %add3A_136 : i32
          %lt3A = arith.constant 56 : i32
          %lt3A_138 = arith.cmpi slt, %add3A_137, %lt3A : i32
          %convert_element_type3A_139 = arith.extui %lt3A_138 : i1 to i32
          %cond3A_140 = arith.constant 0 : i32
          %cond3A_141 = arith.cmpi ne, %convert_element_type3A_139, %cond3A_140 : i32
          scf.if %cond3A_141 {
            %ge3A = arith.constant 2 : i32
            %ge3A_142 = arith.cmpi sge, %scan3A_77, %ge3A : i32
            %convert_element_type3A_143 = arith.extui %ge3A_142 : i1 to i32
            %cond3A_144 = arith.constant 0 : i32
            %cond3A_145 = arith.cmpi ne, %convert_element_type3A_143, %cond3A_144 : i32
            scf.if %cond3A_145 {
              %dma_wait3A_154 = arith.constant 0 : i32
              %dma_wait3A_155 = tpu.memref_slice %arg11[%scan3A_77, %dma_wait3A_154] : memref<101x128xi32, #tpu.memory_space<vmem>> -> memref<1x128xi32, #tpu.memory_space<vmem>>
              %dma_wait3A_156 = tpu.memref_squeeze %dma_wait3A_155 : memref<1x128xi32, #tpu.memory_space<vmem>> -> memref<128xi32, #tpu.memory_space<vmem>>
              %dma_wait3A_157 = arith.constant 0 : i32
              %dma_wait3A_158 = arith.constant 0 : i32
              %dma_wait3A_159 = tpu.memref_slice %arg16[%dma_wait3A_157, %dma_wait3A_158] : memref<10240x128xbf16, #tpu.memory_space<vmem_shared>> -> memref<10240x128xbf16, #tpu.memory_space<vmem_shared>>
              tpu.wait_indirect_dma semaphore(%arg24 : memref<!tpu.dma_semaphore, #tpu.memory_space<semaphore_mem>>) src(%arg15 : memref<128x128xbf16, #tpu.memory_space<vmem>>) dst(%dma_wait3A_159 : memref<10240x128xbf16, #tpu.memory_space<vmem_shared>>)
            } else {
            }
            %add3A_146 = arith.constant 2 : i32
            %add3A_147 = arith.addi %scan3A_77, %add3A_146 : i32
            %dma_start3A_148 = arith.constant 0 : i32
            %dma_start3A_149 = tpu.memref_slice %arg10[%add3A_147, %dma_start3A_148] : memref<101x128xi32, #tpu.memory_space<vmem>> -> memref<1x128xi32, #tpu.memory_space<vmem>>
            %dma_start3A_150 = tpu.memref_squeeze %dma_start3A_149 : memref<1x128xi32, #tpu.memory_space<vmem>> -> memref<128xi32, #tpu.memory_space<vmem>>
            %dma_start3A_151 = arith.constant 0 : i32
            %dma_start3A_152 = arith.constant 0 : i32
            %dma_start3A_153 = tpu.memref_slice %arg4[%dma_start3A_151, %dma_start3A_152] : memref<10000x128xbf16, #tpu.memory_space<hbm>> -> memref<10000x128xbf16, #tpu.memory_space<hbm>>
            tpu.enqueue_indirect_dma source(%dma_start3A_153 : memref<10000x128xbf16, #tpu.memory_space<hbm>>) target(%arg15 : memref<128x128xbf16, #tpu.memory_space<vmem>>) offsets(%dma_start3A_150 : memref<128xi32, #tpu.memory_space<vmem>>) semaphore(%arg20 : memref<!tpu.dma_semaphore, #tpu.memory_space<semaphore_mem>>)
          } else {
          }
        } else {
        }
        %eq3A_113 = arith.constant 2 : i32
        %eq3A_114 = arith.cmpi eq, %rem3A_102, %eq3A_113 : i32
        %convert_element_type3A_115 = arith.extui %eq3A_114 : i1 to i32
        %cond3A_116 = arith.constant 0 : i32
        %cond3A_117 = arith.cmpi ne, %convert_element_type3A_115, %cond3A_116 : i32
        scf.if %cond3A_117 {
          %dma_wait3A_124 = arith.constant 0 : i32
          %dma_wait3A_125 = tpu.memref_slice %arg10[%scan3A_77, %dma_wait3A_124] : memref<101x128xi32, #tpu.memory_space<vmem>> -> memref<1x128xi32, #tpu.memory_space<vmem>>
          %dma_wait3A_126 = tpu.memref_squeeze %dma_wait3A_125 : memref<1x128xi32, #tpu.memory_space<vmem>> -> memref<128xi32, #tpu.memory_space<vmem>>
          %dma_wait3A_127 = arith.constant 0 : i32
          %dma_wait3A_128 = arith.constant 0 : i32
          %dma_wait3A_129 = tpu.memref_slice %arg4[%dma_wait3A_127, %dma_wait3A_128] : memref<10000x128xbf16, #tpu.memory_space<hbm>> -> memref<10000x128xbf16, #tpu.memory_space<hbm>>
          tpu.wait_indirect_dma semaphore(%arg19 : memref<!tpu.dma_semaphore, #tpu.memory_space<semaphore_mem>>) src(%dma_wait3A_129 : memref<10000x128xbf16, #tpu.memory_space<hbm>>) dst(%arg14 : memref<128x128xbf16, #tpu.memory_space<vmem>>)
          %dma_start3A_130 = arith.constant 0 : i32
          %dma_start3A_131 = tpu.memref_slice %arg11[%scan3A_77, %dma_start3A_130] : memref<101x128xi32, #tpu.memory_space<vmem>> -> memref<1x128xi32, #tpu.memory_space<vmem>>
          %dma_start3A_132 = tpu.memref_squeeze %dma_start3A_131 : memref<1x128xi32, #tpu.memory_space<vmem>> -> memref<128xi32, #tpu.memory_space<vmem>>
          %dma_start3A_133 = arith.constant 0 : i32
          %dma_start3A_134 = arith.constant 0 : i32
          %dma_start3A_135 = tpu.memref_slice %arg16[%dma_start3A_133, %dma_start3A_134] : memref<10240x128xbf16, #tpu.memory_space<vmem_shared>> -> memref<10240x128xbf16, #tpu.memory_space<vmem_shared>>
          tpu.enqueue_indirect_dma source(%arg14 : memref<128x128xbf16, #tpu.memory_space<vmem>>) target(%dma_start3A_135 : memref<10240x128xbf16, #tpu.memory_space<vmem_shared>>) offsets(%dma_start3A_132 : memref<128xi32, #tpu.memory_space<vmem>>) semaphore(%arg23 : memref<!tpu.dma_semaphore, #tpu.memory_space<semaphore_mem>>) {add = true}
          %add3A_136 = arith.constant 2 : i32
          %add3A_137 = arith.addi %scan3A_77, %add3A_136 : i32
          %lt3A = arith.constant 56 : i32
          %lt3A_138 = arith.cmpi slt, %add3A_137, %lt3A : i32
          %convert_element_type3A_139 = arith.extui %lt3A_138 : i1 to i32
          %cond3A_140 = arith.constant 0 : i32
          %cond3A_141 = arith.cmpi ne, %convert_element_type3A_139, %cond3A_140 : i32
          scf.if %cond3A_141 {
            %ge3A = arith.constant 2 : i32
            %ge3A_142 = arith.cmpi sge, %scan3A_77, %ge3A : i32
            %convert_element_type3A_143 = arith.extui %ge3A_142 : i1 to i32
            %cond3A_144 = arith.constant 0 : i32
            %cond3A_145 = arith.cmpi ne, %convert_element_type3A_143, %cond3A_144 : i32
            scf.if %cond3A_145 {
              %dma_wait3A_154 = arith.constant 0 : i32
              %dma_wait3A_155 = tpu.memref_slice %arg11[%scan3A_77, %dma_wait3A_154] : memref<101x128xi32, #tpu.memory_space<vmem>> -> memref<1x128xi32, #tpu.memory_space<vmem>>
              %dma_wait3A_156 = tpu.memref_squeeze %dma_wait3A_155 : memref<1x128xi32, #tpu.memory_space<vmem>> -> memref<128xi32, #tpu.memory_space<vmem>>
              %dma_wait3A_157 = arith.constant 0 : i32
              %dma_wait3A_158 = arith.constant 0 : i32
              %dma_wait3A_159 = tpu.memref_slice %arg16[%dma_wait3A_157, %dma_wait3A_158] : memref<10240x128xbf16, #tpu.memory_space<vmem_shared>> -> memref<10240x128xbf16, #tpu.memory_space<vmem_shared>>
              tpu.wait_indirect_dma semaphore(%arg21 : memref<!tpu.dma_semaphore, #tpu.memory_space<semaphore_mem>>) src(%arg12 : memref<128x128xbf16, #tpu.memory_space<vmem>>) dst(%dma_wait3A_159 : memref<10240x128xbf16, #tpu.memory_space<vmem_shared>>)
            } else {
            }
            %add3A_146 = arith.constant 2 : i32
            %add3A_147 = arith.addi %scan3A_77, %add3A_146 : i32
            %dma_start3A_148 = arith.constant 0 : i32
            %dma_start3A_149 = tpu.memref_slice %arg10[%add3A_147, %dma_start3A_148] : memref<101x128xi32, #tpu.memory_space<vmem>> -> memref<1x128xi32, #tpu.memory_space<vmem>>
            %dma_start3A_150 = tpu.memref_squeeze %dma_start3A_149 : memref<1x128xi32, #tpu.memory_space<vmem>> -> memref<128xi32, #tpu.memory_space<vmem>>
            %dma_start3A_151 = arith.constant 0 : i32
            %dma_start3A_152 = arith.constant 0 : i32
            %dma_start3A_153 = tpu.memref_slice %arg4[%dma_start3A_151, %dma_start3A_152] : memref<10000x128xbf16, #tpu.memory_space<hbm>> -> memref<10000x128xbf16, #tpu.memory_space<hbm>>
            tpu.enqueue_indirect_dma source(%dma_start3A_153 : memref<10000x128xbf16, #tpu.memory_space<hbm>>) target(%arg12 : memref<128x128xbf16, #tpu.memory_space<vmem>>) offsets(%dma_start3A_150 : memref<128xi32, #tpu.memory_space<vmem>>) semaphore(%arg17 : memref<!tpu.dma_semaphore, #tpu.memory_space<semaphore_mem>>)
          } else {
          }
        } else {
        }
        %eq3A_118 = arith.constant 3 : i32
        %eq3A_119 = arith.cmpi eq, %rem3A_102, %eq3A_118 : i32
        %convert_element_type3A_120 = arith.extui %eq3A_119 : i1 to i32
        %cond3A_121 = arith.constant 0 : i32
        %cond3A_122 = arith.cmpi ne, %convert_element_type3A_120, %cond3A_121 : i32
        scf.if %cond3A_122 {
          %dma_wait3A_124 = arith.constant 0 : i32
          %dma_wait3A_125 = tpu.memref_slice %arg10[%scan3A_77, %dma_wait3A_124] : memref<101x128xi32, #tpu.memory_space<vmem>> -> memref<1x128xi32, #tpu.memory_space<vmem>>
          %dma_wait3A_126 = tpu.memref_squeeze %dma_wait3A_125 : memref<1x128xi32, #tpu.memory_space<vmem>> -> memref<128xi32, #tpu.memory_space<vmem>>
          %dma_wait3A_127 = arith.constant 0 : i32
          %dma_wait3A_128 = arith.constant 0 : i32
          %dma_wait3A_129 = tpu.memref_slice %arg4[%dma_wait3A_127, %dma_wait3A_128] : memref<10000x128xbf16, #tpu.memory_space<hbm>> -> memref<10000x128xbf16, #tpu.memory_space<hbm>>
          tpu.wait_indirect_dma semaphore(%arg20 : memref<!tpu.dma_semaphore, #tpu.memory_space<semaphore_mem>>) src(%dma_wait3A_129 : memref<10000x128xbf16, #tpu.memory_space<hbm>>) dst(%arg15 : memref<128x128xbf16, #tpu.memory_space<vmem>>)
          %dma_start3A_130 = arith.constant 0 : i32
          %dma_start3A_131 = tpu.memref_slice %arg11[%scan3A_77, %dma_start3A_130] : memref<101x128xi32, #tpu.memory_space<vmem>> -> memref<1x128xi32, #tpu.memory_space<vmem>>
          %dma_start3A_132 = tpu.memref_squeeze %dma_start3A_131 : memref<1x128xi32, #tpu.memory_space<vmem>> -> memref<128xi32, #tpu.memory_space<vmem>>
          %dma_start3A_133 = arith.constant 0 : i32
          %dma_start3A_134 = arith.constant 0 : i32
          %dma_start3A_135 = tpu.memref_slice %arg16[%dma_start3A_133, %dma_start3A_134] : memref<10240x128xbf16, #tpu.memory_space<vmem_shared>> -> memref<10240x128xbf16, #tpu.memory_space<vmem_shared>>
          tpu.enqueue_indirect_dma source(%arg15 : memref<128x128xbf16, #tpu.memory_space<vmem>>) target(%dma_start3A_135 : memref<10240x128xbf16, #tpu.memory_space<vmem_shared>>) offsets(%dma_start3A_132 : memref<128xi32, #tpu.memory_space<vmem>>) semaphore(%arg24 : memref<!tpu.dma_semaphore, #tpu.memory_space<semaphore_mem>>) {add = true}
          %add3A_136 = arith.constant 2 : i32
          %add3A_137 = arith.addi %scan3A_77, %add3A_136 : i32
          %lt3A = arith.constant 56 : i32
          %lt3A_138 = arith.cmpi slt, %add3A_137, %lt3A : i32
          %convert_element_type3A_139 = arith.extui %lt3A_138 : i1 to i32
          %cond3A_140 = arith.constant 0 : i32
          %cond3A_141 = arith.cmpi ne, %convert_element_type3A_139, %cond3A_140 : i32
          scf.if %cond3A_141 {
            %ge3A = arith.constant 2 : i32
            %ge3A_142 = arith.cmpi sge, %scan3A_77, %ge3A : i32
            %convert_element_type3A_143 = arith.extui %ge3A_142 : i1 to i32
            %cond3A_144 = arith.constant 0 : i32
            %cond3A_145 = arith.cmpi ne, %convert_element_type3A_143, %cond3A_144 : i32
            scf.if %cond3A_145 {
              %dma_wait3A_154 = arith.constant 0 : i32
              %dma_wait3A_155 = tpu.memref_slice %arg11[%scan3A_77, %dma_wait3A_154] : memref<101x128xi32, #tpu.memory_space<vmem>> -> memref<1x128xi32, #tpu.memory_space<vmem>>
              %dma_wait3A_156 = tpu.memref_squeeze %dma_wait3A_155 : memref<1x128xi32, #tpu.memory_space<vmem>> -> memref<128xi32, #tpu.memory_space<vmem>>
              %dma_wait3A_157 = arith.constant 0 : i32
              %dma_wait3A_158 = arith.constant 0 : i32
              %dma_wait3A_159 = tpu.memref_slice %arg16[%dma_wait3A_157, %dma_wait3A_158] : memref<10240x128xbf16, #tpu.memory_space<vmem_shared>> -> memref<10240x128xbf16, #tpu.memory_space<vmem_shared>>
              tpu.wait_indirect_dma semaphore(%arg22 : memref<!tpu.dma_semaphore, #tpu.memory_space<semaphore_mem>>) src(%arg13 : memref<128x128xbf16, #tpu.memory_space<vmem>>) dst(%dma_wait3A_159 : memref<10240x128xbf16, #tpu.memory_space<vmem_shared>>)
            } else {
            }
            %add3A_146 = arith.constant 2 : i32
            %add3A_147 = arith.addi %scan3A_77, %add3A_146 : i32
            %dma_start3A_148 = arith.constant 0 : i32
            %dma_start3A_149 = tpu.memref_slice %arg10[%add3A_147, %dma_start3A_148] : memref<101x128xi32, #tpu.memory_space<vmem>> -> memref<1x128xi32, #tpu.memory_space<vmem>>
            %dma_start3A_150 = tpu.memref_squeeze %dma_start3A_149 : memref<1x128xi32, #tpu.memory_space<vmem>> -> memref<128xi32, #tpu.memory_space<vmem>>
            %dma_start3A_151 = arith.constant 0 : i32
            %dma_start3A_152 = arith.constant 0 : i32
            %dma_start3A_153 = tpu.memref_slice %arg4[%dma_start3A_151, %dma_start3A_152] : memref<10000x128xbf16, #tpu.memory_space<hbm>> -> memref<10000x128xbf16, #tpu.memory_space<hbm>>
            tpu.enqueue_indirect_dma source(%dma_start3A_153 : memref<10000x128xbf16, #tpu.memory_space<hbm>>) target(%arg13 : memref<128x128xbf16, #tpu.memory_space<vmem>>) offsets(%dma_start3A_150 : memref<128xi32, #tpu.memory_space<vmem>>) semaphore(%arg18 : memref<!tpu.dma_semaphore, #tpu.memory_space<semaphore_mem>>)
          } else {
          }
        } else {
        }
        %scan3A_123 = arith.constant 0 : i32
        scf.yield %scan3A_123 : i32
      }
      %scan3A_49 = arith.constant 56 : i32
      %dma_wait3A = arith.constant 52 : i32
      %dma_wait3A_50 = arith.constant 0 : i32
      %dma_wait3A_51 = tpu.memref_slice %arg11[%dma_wait3A, %dma_wait3A_50] : memref<101x128xi32, #tpu.memory_space<vmem>> -> memref<1x128xi32, #tpu.memory_space<vmem>>
      %dma_wait3A_52 = tpu.memref_squeeze %dma_wait3A_51 : memref<1x128xi32, #tpu.memory_space<vmem>> -> memref<128xi32, #tpu.memory_space<vmem>>
      %dma_wait3A_53 = arith.constant 0 : i32
      %dma_wait3A_54 = arith.constant 0 : i32
      %dma_wait3A_55 = tpu.memref_slice %arg16[%dma_wait3A_53, %dma_wait3A_54] : memref<10240x128xbf16, #tpu.memory_space<vmem_shared>> -> memref<10240x128xbf16, #tpu.memory_space<vmem_shared>>
      tpu.wait_indirect_dma semaphore(%arg21 : memref<!tpu.dma_semaphore, #tpu.memory_space<semaphore_mem>>) src(%arg12 : memref<128x128xbf16, #tpu.memory_space<vmem>>) dst(%dma_wait3A_55 : memref<10240x128xbf16, #tpu.memory_space<vmem_shared>>)
      %dma_wait3A_56 = arith.constant 53 : i32
      %dma_wait3A_57 = arith.constant 0 : i32
      %dma_wait3A_58 = tpu.memref_slice %arg11[%dma_wait3A_56, %dma_wait3A_57] : memref<101x128xi32, #tpu.memory_space<vmem>> -> memref<1x128xi32, #tpu.memory_space<vmem>>
      %dma_wait3A_59 = tpu.memref_squeeze %dma_wait3A_58 : memref<1x128xi32, #tpu.memory_space<vmem>> -> memref<128xi32, #tpu.memory_space<vmem>>
      %dma_wait3A_60 = arith.constant 0 : i32
      %dma_wait3A_61 = arith.constant 0 : i32
      %dma_wait3A_62 = tpu.memref_slice %arg16[%dma_wait3A_60, %dma_wait3A_61] : memref<10240x128xbf16, #tpu.memory_space<vmem_shared>> -> memref<10240x128xbf16, #tpu.memory_space<vmem_shared>>
      tpu.wait_indirect_dma semaphore(%arg22 : memref<!tpu.dma_semaphore, #tpu.memory_space<semaphore_mem>>) src(%arg13 : memref<128x128xbf16, #tpu.memory_space<vmem>>) dst(%dma_wait3A_62 : memref<10240x128xbf16, #tpu.memory_space<vmem_shared>>)
      %dma_wait3A_63 = arith.constant 54 : i32
      %dma_wait3A_64 = arith.constant 0 : i32
      %dma_wait3A_65 = tpu.memref_slice %arg11[%dma_wait3A_63, %dma_wait3A_64] : memref<101x128xi32, #tpu.memory_space<vmem>> -> memref<1x128xi32, #tpu.memory_space<vmem>>
      %dma_wait3A_66 = tpu.memref_squeeze %dma_wait3A_65 : memref<1x128xi32, #tpu.memory_space<vmem>> -> memref<128xi32, #tpu.memory_space<vmem>>
      %dma_wait3A_67 = arith.constant 0 : i32
      %dma_wait3A_68 = arith.constant 0 : i32
      %dma_wait3A_69 = tpu.memref_slice %arg16[%dma_wait3A_67, %dma_wait3A_68] : memref<10240x128xbf16, #tpu.memory_space<vmem_shared>> -> memref<10240x128xbf16, #tpu.memory_space<vmem_shared>>
      tpu.wait_indirect_dma semaphore(%arg23 : memref<!tpu.dma_semaphore, #tpu.memory_space<semaphore_mem>>) src(%arg14 : memref<128x128xbf16, #tpu.memory_space<vmem>>) dst(%dma_wait3A_69 : memref<10240x128xbf16, #tpu.memory_space<vmem_shared>>)
      %dma_wait3A_70 = arith.constant 55 : i32
      %dma_wait3A_71 = arith.constant 0 : i32
      %dma_wait3A_72 = tpu.memref_slice %arg11[%dma_wait3A_70, %dma_wait3A_71] : memref<101x128xi32, #tpu.memory_space<vmem>> -> memref<1x128xi32, #tpu.memory_space<vmem>>
      %dma_wait3A_73 = tpu.memref_squeeze %dma_wait3A_72 : memref<1x128xi32, #tpu.memory_space<vmem>> -> memref<128xi32, #tpu.memory_space<vmem>>
      %dma_wait3A_74 = arith.constant 0 : i32
      %dma_wait3A_75 = arith.constant 0 : i32
      %dma_wait3A_76 = tpu.memref_slice %arg16[%dma_wait3A_74, %dma_wait3A_75] : memref<10240x128xbf16, #tpu.memory_space<vmem_shared>> -> memref<10240x128xbf16, #tpu.memory_space<vmem_shared>>
      tpu.wait_indirect_dma semaphore(%arg24 : memref<!tpu.dma_semaphore, #tpu.memory_space<semaphore_mem>>) src(%arg15 : memref<128x128xbf16, #tpu.memory_space<vmem>>) dst(%dma_wait3A_76 : memref<10240x128xbf16, #tpu.memory_space<vmem_shared>>)
    } else {
    }
    %barrier3A_9 = arith.constant 0 : index
    tpu.barrier barrier_id(%barrier3A_9)
    "tpu.region"() ({
      %run_scoped3A_27 = tpu.sem_alloc : memref<!tpu.dma_semaphore, #tpu.memory_space<semaphore_mem>>
      %dma_start3A = arith.constant 0 : i32
      %dma_start3A_28 = tpu.memref_slice %arg7[%arg0, %mul3A_0, %dma_start3A] : memref<2x10240x128xbf16, #tpu.memory_space<hbm>> -> memref<1x640x128xbf16, #tpu.memory_space<hbm>>
      %dma_start3A_29 = tpu.memref_squeeze %dma_start3A_28 : memref<1x640x128xbf16, #tpu.memory_space<hbm>> -> memref<640x128xbf16, #tpu.memory_space<hbm>>
      %dma_start3A_30 = arith.constant 0 : i32
      %dma_start3A_31 = tpu.memref_slice %arg16[%mul3A_0, %dma_start3A_30] : memref<10240x128xbf16, #tpu.memory_space<vmem_shared>> -> memref<640x128xbf16, #tpu.memory_space<vmem_shared>>
      tpu.enqueue_dma source(%dma_start3A_31 : memref<640x128xbf16, #tpu.memory_space<vmem_shared>>) target(%dma_start3A_29 : memref<640x128xbf16, #tpu.memory_space<hbm>>) target_semaphore(%run_scoped3A_27 : memref<!tpu.dma_semaphore, #tpu.memory_space<semaphore_mem>>)
      %dma_wait3A = arith.constant 0 : i32
      %dma_wait3A_32 = tpu.memref_slice %arg7[%arg0, %mul3A_0, %dma_wait3A] : memref<2x10240x128xbf16, #tpu.memory_space<hbm>> -> memref<1x640x128xbf16, #tpu.memory_space<hbm>>
      %dma_wait3A_33 = tpu.memref_squeeze %dma_wait3A_32 : memref<1x640x128xbf16, #tpu.memory_space<hbm>> -> memref<640x128xbf16, #tpu.memory_space<hbm>>
      %dma_wait3A_34 = arith.constant 0 : i32
      %dma_wait3A_35 = tpu.memref_slice %arg16[%mul3A_0, %dma_wait3A_34] : memref<10240x128xbf16, #tpu.memory_space<vmem_shared>> -> memref<640x128xbf16, #tpu.memory_space<vmem_shared>>
      tpu.wait_dma2 semaphore(%run_scoped3A_27 : memref<!tpu.dma_semaphore, #tpu.memory_space<semaphore_mem>>) src(%dma_wait3A_35 : memref<640x128xbf16, #tpu.memory_space<vmem_shared>>) dst(%dma_wait3A_33 : memref<640x128xbf16, #tpu.memory_space<hbm>>)
      tpu.yield
    }) : () -> ()
    "tpu.region"() ({
      %run_scoped3A_27 = tpu.sem_alloc : memref<!tpu.dma_semaphore, #tpu.memory_space<semaphore_mem>>
      %dma_start3A = arith.constant 0 : i32
      %dma_start3A_28 = tpu.memref_slice %arg28[%arg1, %dma_start3A] : memref<16x10240xf32, #tpu.memory_space<vmem_shared>> -> memref<1x10240xf32, #tpu.memory_space<vmem_shared>>
      %dma_start3A_29 = tpu.memref_squeeze %dma_start3A_28 : memref<1x10240xf32, #tpu.memory_space<vmem_shared>> -> memref<10240xf32, #tpu.memory_space<vmem_shared>>
      %dma_start3A_30 = arith.constant 0 : i32
      %dma_start3A_31 = tpu.memref_slice %arg28[%arg1, %dma_start3A_30] : memref<16x10240xf32, #tpu.memory_space<vmem_shared>> -> memref<1x10240xf32, #tpu.memory_space<vmem_shared>>
      %dma_start3A_32 = tpu.memref_squeeze %dma_start3A_31 : memref<1x10240xf32, #tpu.memory_space<vmem_shared>> -> memref<10240xf32, #tpu.memory_space<vmem_shared>>
      tpu.enqueue_dma source(%arg25 : memref<10240xf32, #tpu.memory_space<vmem>>) target(%dma_start3A_32 : memref<10240xf32, #tpu.memory_space<vmem_shared>>) target_semaphore(%run_scoped3A_27 : memref<!tpu.dma_semaphore, #tpu.memory_space<semaphore_mem>>)
      %dma_wait3A = arith.constant 0 : i32
      %dma_wait3A_33 = tpu.memref_slice %arg28[%arg1, %dma_wait3A] : memref<16x10240xf32, #tpu.memory_space<vmem_shared>> -> memref<1x10240xf32, #tpu.memory_space<vmem_shared>>
      %dma_wait3A_34 = tpu.memref_squeeze %dma_wait3A_33 : memref<1x10240xf32, #tpu.memory_space<vmem_shared>> -> memref<10240xf32, #tpu.memory_space<vmem_shared>>
      %dma_wait3A_35 = arith.constant 0 : i32
      %dma_wait3A_36 = tpu.memref_slice %arg28[%arg1, %dma_wait3A_35] : memref<16x10240xf32, #tpu.memory_space<vmem_shared>> -> memref<1x10240xf32, #tpu.memory_space<vmem_shared>>
      %dma_wait3A_37 = tpu.memref_squeeze %dma_wait3A_36 : memref<1x10240xf32, #tpu.memory_space<vmem_shared>> -> memref<10240xf32, #tpu.memory_space<vmem_shared>>
      tpu.wait_dma2 semaphore(%run_scoped3A_27 : memref<!tpu.dma_semaphore, #tpu.memory_space<semaphore_mem>>) src(%arg25 : memref<10240xf32, #tpu.memory_space<vmem>>) dst(%dma_wait3A_37 : memref<10240xf32, #tpu.memory_space<vmem_shared>>)
      tpu.yield
    }) : () -> ()
    %barrier3A_10 = arith.constant 0 : index
    tpu.barrier barrier_id(%barrier3A_10)
    %run_scoped3A = arith.constant 0 : i32
    "tpu.region"() ({
      %run_scoped3A_27 = tpu.sem_alloc : memref<!tpu.dma_semaphore, #tpu.memory_space<semaphore_mem>>
      %dma_start3A = tpu.memref_slice %arg28[%run_scoped3A, %mul3A_0] : memref<16x10240xf32, #tpu.memory_space<vmem_shared>> -> memref<1x640xf32, #tpu.memory_space<vmem_shared>>
      %dma_start3A_28 = tpu.memref_squeeze %dma_start3A : memref<1x640xf32, #tpu.memory_space<vmem_shared>> -> memref<640xf32, #tpu.memory_space<vmem_shared>>
      %dma_start3A_29 = tpu.memref_slice %arg28[%run_scoped3A, %mul3A_0] : memref<16x10240xf32, #tpu.memory_space<vmem_shared>> -> memref<1x640xf32, #tpu.memory_space<vmem_shared>>
      %dma_start3A_30 = tpu.memref_squeeze %dma_start3A_29 : memref<1x640xf32, #tpu.memory_space<vmem_shared>> -> memref<640xf32, #tpu.memory_space<vmem_shared>>
      tpu.enqueue_dma source(%dma_start3A_30 : memref<640xf32, #tpu.memory_space<vmem_shared>>) target(%arg27 : memref<640xf32, #tpu.memory_space<vmem>>) target_semaphore(%run_scoped3A_27 : memref<!tpu.dma_semaphore, #tpu.memory_space<semaphore_mem>>)
      %dma_wait3A = tpu.memref_slice %arg28[%run_scoped3A, %mul3A_0] : memref<16x10240xf32, #tpu.memory_space<vmem_shared>> -> memref<1x640xf32, #tpu.memory_space<vmem_shared>>
      %dma_wait3A_31 = tpu.memref_squeeze %dma_wait3A : memref<1x640xf32, #tpu.memory_space<vmem_shared>> -> memref<640xf32, #tpu.memory_space<vmem_shared>>
      %dma_wait3A_32 = tpu.memref_slice %arg28[%run_scoped3A, %mul3A_0] : memref<16x10240xf32, #tpu.memory_space<vmem_shared>> -> memref<1x640xf32, #tpu.memory_space<vmem_shared>>
      %dma_wait3A_33 = tpu.memref_squeeze %dma_wait3A_32 : memref<1x640xf32, #tpu.memory_space<vmem_shared>> -> memref<640xf32, #tpu.memory_space<vmem_shared>>
      tpu.wait_dma2 semaphore(%run_scoped3A_27 : memref<!tpu.dma_semaphore, #tpu.memory_space<semaphore_mem>>) src(%dma_wait3A_33 : memref<640xf32, #tpu.memory_space<vmem_shared>>) dst(%arg27 : memref<640xf32, #tpu.memory_space<vmem>>)
      tpu.yield
    }) : () -> ()
    %scan3A = arith.constant 0 : i32
    %scan3A_11 = arith.constant 1 : i32
    %scan3A_12 = arith.constant 15 : i32
    %scan3A_13 = arith.addi %scan3A_11, %scan3A_12 : i32
    %scan3A_14 = arith.constant 1 : i32
    %scan3A_15 = scf.for %scan3A_27 = %scan3A_11 to %scan3A_13 step %scan3A_14 iter_args(%scan3A_28 = %scan3A) -> (i32)  : i32 {
      "tpu.region"() ({
        %run_scoped3A_37 = tpu.sem_alloc : memref<!tpu.dma_semaphore, #tpu.memory_space<semaphore_mem>>
        %dma_start3A = tpu.memref_slice %arg28[%scan3A_27, %mul3A_0] : memref<16x10240xf32, #tpu.memory_space<vmem_shared>> -> memref<1x640xf32, #tpu.memory_space<vmem_shared>>
        %dma_start3A_38 = tpu.memref_squeeze %dma_start3A : memref<1x640xf32, #tpu.memory_space<vmem_shared>> -> memref<640xf32, #tpu.memory_space<vmem_shared>>
        %dma_start3A_39 = tpu.memref_slice %arg28[%scan3A_27, %mul3A_0] : memref<16x10240xf32, #tpu.memory_space<vmem_shared>> -> memref<1x640xf32, #tpu.memory_space<vmem_shared>>
        %dma_start3A_40 = tpu.memref_squeeze %dma_start3A_39 : memref<1x640xf32, #tpu.memory_space<vmem_shared>> -> memref<640xf32, #tpu.memory_space<vmem_shared>>
        tpu.enqueue_dma source(%dma_start3A_40 : memref<640xf32, #tpu.memory_space<vmem_shared>>) target(%arg26 : memref<640xf32, #tpu.memory_space<vmem>>) target_semaphore(%run_scoped3A_37 : memref<!tpu.dma_semaphore, #tpu.memory_space<semaphore_mem>>)
        %dma_wait3A = tpu.memref_slice %arg28[%scan3A_27, %mul3A_0] : memref<16x10240xf32, #tpu.memory_space<vmem_shared>> -> memref<1x640xf32, #tpu.memory_space<vmem_shared>>
        %dma_wait3A_41 = tpu.memref_squeeze %dma_wait3A : memref<1x640xf32, #tpu.memory_space<vmem_shared>> -> memref<640xf32, #tpu.memory_space<vmem_shared>>
        %dma_wait3A_42 = tpu.memref_slice %arg28[%scan3A_27, %mul3A_0] : memref<16x10240xf32, #tpu.memory_space<vmem_shared>> -> memref<1x640xf32, #tpu.memory_space<vmem_shared>>
        %dma_wait3A_43 = tpu.memref_squeeze %dma_wait3A_42 : memref<1x640xf32, #tpu.memory_space<vmem_shared>> -> memref<640xf32, #tpu.memory_space<vmem_shared>>
        tpu.wait_dma2 semaphore(%run_scoped3A_37 : memref<!tpu.dma_semaphore, #tpu.memory_space<semaphore_mem>>) src(%dma_wait3A_43 : memref<640xf32, #tpu.memory_space<vmem_shared>>) dst(%arg26 : memref<640xf32, #tpu.memory_space<vmem>>)
        tpu.yield
      }) : () -> ()
      %scan3A_29 = arith.constant 0 : i32
      %scan3A_30 = arith.constant 0 : i32
      %scan3A_31 = arith.constant 40 : i32
      %scan3A_32 = arith.addi %scan3A_30, %scan3A_31 : i32
      %scan3A_33 = arith.constant 1 : i32
      %scan3A_34 = scf.for %scan3A_37 = %scan3A_30 to %scan3A_32 step %scan3A_33 iter_args(%scan3A_38 = %scan3A_29) -> (i32)  : i32 {
        %mul3A_39 = arith.constant 16 : i32
        %mul3A_40 = arith.muli %scan3A_37, %mul3A_39 : i32
        %get3A = arith.index_cast %mul3A_40 : i32 to index
        %get3A_41 = tpu.vector_load %arg27[%get3A] {strides = array<i32>} : memref<640xf32, #tpu.memory_space<vmem>>, vector<16xf32>,
        %get3A_42 = arith.index_cast %mul3A_40 : i32 to index
        %get3A_43 = tpu.vector_load %arg26[%get3A_42] {strides = array<i32>} : memref<640xf32, #tpu.memory_space<vmem>>, vector<16xf32>,
        %add3A = arith.addf %get3A_41, %get3A_43 : vector<16xf32>
        %swap3A = arith.index_cast %mul3A_40 : i32 to index
        %swap3A_44 = tpu.vector_load %arg27[%swap3A] {strides = array<i32>} : memref<640xf32, #tpu.memory_space<vmem>>, vector<16xf32>,
        tpu.vector_store %arg27[%swap3A], %add3A {strides = array<i32>} : memref<640xf32, #tpu.memory_space<vmem>>, vector<16xf32>,
        %scan3A_45 = arith.constant 0 : i32
        scf.yield %scan3A_45 : i32
      }
      %scan3A_35 = arith.constant 40 : i32
      %scan3A_36 = arith.constant 0 : i32
      scf.yield %scan3A_36 : i32
    }
    %scan3A_16 = arith.constant 15 : i32
    %eq3A_17 = arith.constant 0 : i32
    %eq3A_18 = arith.cmpi eq, %arg0, %eq3A_17 : i32
    %convert_element_type3A_19 = arith.extui %eq3A_18 : i1 to i32
    %cond3A_20 = arith.constant 0 : i32
    %cond3A_21 = arith.cmpi ne, %convert_element_type3A_19, %cond3A_20 : i32
    scf.if %cond3A_21 {
      "tpu.region"() ({
        %run_scoped3A_27 = tpu.sem_alloc : memref<!tpu.dma_semaphore, #tpu.memory_space<semaphore_mem>>
        %dma_start3A = tpu.memref_slice %arg8[%mul3A_0] : memref<10240xf32, #tpu.memory_space<hbm>> -> memref<640xf32, #tpu.memory_space<hbm>>
        %dma_start3A_28 = tpu.memref_slice %arg8[%mul3A_0] : memref<10240xf32, #tpu.memory_space<hbm>> -> memref<640xf32, #tpu.memory_space<hbm>>
        tpu.enqueue_dma source(%arg27 : memref<640xf32, #tpu.memory_space<vmem>>) target(%dma_start3A_28 : memref<640xf32, #tpu.memory_space<hbm>>) target_semaphore(%run_scoped3A_27 : memref<!tpu.dma_semaphore, #tpu.memory_space<semaphore_mem>>)
        %dma_wait3A = tpu.memref_slice %arg8[%mul3A_0] : memref<10240xf32, #tpu.memory_space<hbm>> -> memref<640xf32, #tpu.memory_space<hbm>>
        %dma_wait3A_29 = tpu.memref_slice %arg8[%mul3A_0] : memref<10240xf32, #tpu.memory_space<hbm>> -> memref<640xf32, #tpu.memory_space<hbm>>
        tpu.wait_dma2 semaphore(%run_scoped3A_27 : memref<!tpu.dma_semaphore, #tpu.memory_space<semaphore_mem>>) src(%arg27 : memref<640xf32, #tpu.memory_space<vmem>>) dst(%dma_wait3A_29 : memref<640xf32, #tpu.memory_space<hbm>>)
        tpu.yield
      }) : () -> ()
    } else {
    }
    %eq3A_22 = arith.constant 1 : i32
    %eq3A_23 = arith.cmpi eq, %arg0, %eq3A_22 : i32
    %convert_element_type3A_24 = arith.extui %eq3A_23 : i1 to i32
    %cond3A_25 = arith.constant 0 : i32
    %cond3A_26 = arith.cmpi ne, %convert_element_type3A_24, %cond3A_25 : i32
    scf.if %cond3A_26 {
      "tpu.region"() ({
        %run_scoped3A_27 = tpu.sem_alloc : memref<!tpu.dma_semaphore, #tpu.memory_space<semaphore_mem>>
        %dma_start3A = tpu.memref_slice %arg9[%mul3A_0] : memref<10240xf32, #tpu.memory_space<hbm>> -> memref<640xf32, #tpu.memory_space<hbm>>
        %dma_start3A_28 = tpu.memref_slice %arg9[%mul3A_0] : memref<10240xf32, #tpu.memory_space<hbm>> -> memref<640xf32, #tpu.memory_space<hbm>>
        tpu.enqueue_dma source(%arg27 : memref<640xf32, #tpu.memory_space<vmem>>) target(%dma_start3A_28 : memref<640xf32, #tpu.memory_space<hbm>>) target_semaphore(%run_scoped3A_27 : memref<!tpu.dma_semaphore, #tpu.memory_space<semaphore_mem>>)
        %dma_wait3A = tpu.memref_slice %arg9[%mul3A_0] : memref<10240xf32, #tpu.memory_space<hbm>> -> memref<640xf32, #tpu.memory_space<hbm>>
        %dma_wait3A_29 = tpu.memref_slice %arg9[%mul3A_0] : memref<10240xf32, #tpu.memory_space<hbm>> -> memref<640xf32, #tpu.memory_space<hbm>>
        tpu.wait_dma2 semaphore(%run_scoped3A_27 : memref<!tpu.dma_semaphore, #tpu.memory_space<semaphore_mem>>) src(%arg27 : memref<640xf32, #tpu.memory_space<vmem>>) dst(%dma_wait3A_29 : memref<640xf32, #tpu.memory_space<hbm>>)
        tpu.yield
      }) : () -> ()
    } else {
    }
    return
  }
}

#map = affine_map<(d0, d1) -> (0, 0)>
#map1 = affine_map<(d0, d1) -> (0, 0, 0)>
module attributes {stable_mosaic.version = 14 : i64} {
  func.func @body(%arg0: i32, %arg1: i32, %arg2: memref<2512x128xi32, #tpu.memory_space<hbm>>, %arg3: memref<2512x128xi32, #tpu.memory_space<hbm>>, %arg4: memref<10000x128xbf16, #tpu.memory_space<hbm>>, %arg5: memref<10240x128xbf16, #tpu.memory_space<hbm>>, %arg6: memref<2x10240x128xbf16, #tpu.memory_space<hbm>>, %arg7: memref<101x128xi32, #tpu.memory_space<vmem>>, %arg8: memref<101x128xi32, #tpu.memory_space<vmem>>, %arg9: memref<128x128xbf16, #tpu.memory_space<vmem>>, %arg10: memref<128x128xbf16, #tpu.memory_space<vmem>>, %arg11: memref<128x128xbf16, #tpu.memory_space<vmem>>, %arg12: memref<128x128xbf16, #tpu.memory_space<vmem>>, %arg13: memref<10240x128xbf16, #tpu.memory_space<vmem_shared>>, %arg14: memref<!tpu.dma_semaphore, #tpu.memory_space<semaphore_mem>>, %arg15: memref<!tpu.dma_semaphore, #tpu.memory_space<semaphore_mem>>, %arg16: memref<!tpu.dma_semaphore, #tpu.memory_space<semaphore_mem>>, %arg17: memref<!tpu.dma_semaphore, #tpu.memory_space<semaphore_mem>>, %arg18: memref<!tpu.dma_semaphore, #tpu.memory_space<semaphore_mem>>, %arg19: memref<!tpu.dma_semaphore, #tpu.memory_space<semaphore_mem>>, %arg20: memref<!tpu.dma_semaphore, #tpu.memory_space<semaphore_mem>>, %arg21: memref<!tpu.dma_semaphore, #tpu.memory_space<semaphore_mem>>) attributes {dimension_semantics = [#tpu.dimension_semantics<core_parallel>, #tpu.dimension_semantics<subcore_parallel>], iteration_bounds = array<i64: 2, 16>, scalar_prefetch = 0 : i64, scratch_operands = 15 : i64, tpu.core_type = #tpu.core_type<sc_vector_subcore>, window_params = [{transform_indices = #map}, {transform_indices = #map}, {transform_indices = #map}, {transform_indices = #map}, {transform_indices = #map1}]} {
    %mul3A = arith.constant 640 : i32
    %mul3A_0 = arith.muli %arg1, %mul3A : i32
    "tpu.region"() ({
      %run_scoped3A = tpu.sem_alloc : memref<!tpu.dma_semaphore, #tpu.memory_space<semaphore_mem>>
      %dma_start3A = arith.constant 0 : i32
      %dma_start3A_10 = tpu.memref_slice %arg13[%mul3A_0, %dma_start3A] : memref<10240x128xbf16, #tpu.memory_space<vmem_shared>> -> memref<640x128xbf16, #tpu.memory_space<vmem_shared>>
      %dma_start3A_11 = arith.constant 0 : i32
      %dma_start3A_12 = tpu.memref_slice %arg5[%mul3A_0, %dma_start3A_11] : memref<10240x128xbf16, #tpu.memory_space<hbm>> -> memref<640x128xbf16, #tpu.memory_space<hbm>>
      tpu.enqueue_dma source(%dma_start3A_12 : memref<640x128xbf16, #tpu.memory_space<hbm>>) target(%dma_start3A_10 : memref<640x128xbf16, #tpu.memory_space<vmem_shared>>) target_semaphore(%run_scoped3A : memref<!tpu.dma_semaphore, #tpu.memory_space<semaphore_mem>>)
      %dma_wait3A = arith.constant 0 : i32
      %dma_wait3A_13 = tpu.memref_slice %arg13[%mul3A_0, %dma_wait3A] : memref<10240x128xbf16, #tpu.memory_space<vmem_shared>> -> memref<640x128xbf16, #tpu.memory_space<vmem_shared>>
      %dma_wait3A_14 = arith.constant 0 : i32
      %dma_wait3A_15 = tpu.memref_slice %arg5[%mul3A_0, %dma_wait3A_14] : memref<10240x128xbf16, #tpu.memory_space<hbm>> -> memref<640x128xbf16, #tpu.memory_space<hbm>>
      tpu.wait_dma2 semaphore(%run_scoped3A : memref<!tpu.dma_semaphore, #tpu.memory_space<semaphore_mem>>) src(%dma_wait3A_15 : memref<640x128xbf16, #tpu.memory_space<hbm>>) dst(%dma_wait3A_13 : memref<640x128xbf16, #tpu.memory_space<vmem_shared>>)
      tpu.yield
    }) : () -> ()
    %barrier3A = arith.constant 0 : index
    tpu.barrier barrier_id(%barrier3A)
    %broadcast_in_dim3A = arith.constant 1.000000e+00 : f32
    %broadcast_in_dim3A_1 = vector.broadcast %broadcast_in_dim3A : f32 to vector<16xf32>
    %eq3A = arith.constant 0 : i32
    %eq3A_2 = arith.cmpi eq, %arg0, %eq3A : i32
    %convert_element_type3A = arith.extui %eq3A_2 : i1 to i32
    %cond3A = arith.constant 0 : i32
    %cond3A_3 = arith.cmpi ne, %convert_element_type3A, %cond3A : i32
    scf.if %cond3A_3 {
      %mul3A_10 = arith.constant 101 : i32
      %mul3A_11 = arith.muli %arg1, %mul3A_10 : i32
      "tpu.region"() ({
        %run_scoped3A = tpu.sem_alloc : memref<!tpu.dma_semaphore, #tpu.memory_space<semaphore_mem>>
        %dma_start3A_58 = arith.constant 0 : i32
        %dma_start3A_59 = arith.constant 0 : i32
        %dma_start3A_60 = tpu.memref_slice %arg7[%dma_start3A_58, %dma_start3A_59] : memref<101x128xi32, #tpu.memory_space<vmem>> -> memref<101x128xi32, #tpu.memory_space<vmem>>
        %dma_start3A_61 = arith.constant 0 : i32
        %dma_start3A_62 = tpu.memref_slice %arg2[%mul3A_11, %dma_start3A_61] : memref<2512x128xi32, #tpu.memory_space<hbm>> -> memref<101x128xi32, #tpu.memory_space<hbm>>
        %dma_start3A_63 = arith.constant 0 : i32
        %dma_start3A_64 = arith.constant 0 : i32
        %dma_start3A_65 = tpu.memref_slice %arg7[%dma_start3A_63, %dma_start3A_64] : memref<101x128xi32, #tpu.memory_space<vmem>> -> memref<101x128xi32, #tpu.memory_space<vmem>>
        %dma_start3A_66 = arith.constant 0 : i32
        %dma_start3A_67 = tpu.memref_slice %arg2[%mul3A_11, %dma_start3A_66] : memref<2512x128xi32, #tpu.memory_space<hbm>> -> memref<101x128xi32, #tpu.memory_space<hbm>>
        tpu.enqueue_dma source(%dma_start3A_67 : memref<101x128xi32, #tpu.memory_space<hbm>>) target(%dma_start3A_65 : memref<101x128xi32, #tpu.memory_space<vmem>>) target_semaphore(%run_scoped3A : memref<!tpu.dma_semaphore, #tpu.memory_space<semaphore_mem>>)
        %dma_wait3A_68 = arith.constant 0 : i32
        %dma_wait3A_69 = arith.constant 0 : i32
        %dma_wait3A_70 = tpu.memref_slice %arg7[%dma_wait3A_68, %dma_wait3A_69] : memref<101x128xi32, #tpu.memory_space<vmem>> -> memref<101x128xi32, #tpu.memory_space<vmem>>
        %dma_wait3A_71 = arith.constant 0 : i32
        %dma_wait3A_72 = tpu.memref_slice %arg2[%mul3A_11, %dma_wait3A_71] : memref<2512x128xi32, #tpu.memory_space<hbm>> -> memref<101x128xi32, #tpu.memory_space<hbm>>
        %dma_wait3A_73 = arith.constant 0 : i32
        %dma_wait3A_74 = arith.constant 0 : i32
        %dma_wait3A_75 = tpu.memref_slice %arg7[%dma_wait3A_73, %dma_wait3A_74] : memref<101x128xi32, #tpu.memory_space<vmem>> -> memref<101x128xi32, #tpu.memory_space<vmem>>
        %dma_wait3A_76 = arith.constant 0 : i32
        %dma_wait3A_77 = tpu.memref_slice %arg2[%mul3A_11, %dma_wait3A_76] : memref<2512x128xi32, #tpu.memory_space<hbm>> -> memref<101x128xi32, #tpu.memory_space<hbm>>
        tpu.wait_dma2 semaphore(%run_scoped3A : memref<!tpu.dma_semaphore, #tpu.memory_space<semaphore_mem>>) src(%dma_wait3A_77 : memref<101x128xi32, #tpu.memory_space<hbm>>) dst(%dma_wait3A_75 : memref<101x128xi32, #tpu.memory_space<vmem>>)
        tpu.yield
      }) : () -> ()
      "tpu.region"() ({
        %run_scoped3A = tpu.sem_alloc : memref<!tpu.dma_semaphore, #tpu.memory_space<semaphore_mem>>
        %dma_start3A_58 = arith.constant 0 : i32
        %dma_start3A_59 = arith.constant 0 : i32
        %dma_start3A_60 = tpu.memref_slice %arg8[%dma_start3A_58, %dma_start3A_59] : memref<101x128xi32, #tpu.memory_space<vmem>> -> memref<101x128xi32, #tpu.memory_space<vmem>>
        %dma_start3A_61 = arith.constant 0 : i32
        %dma_start3A_62 = tpu.memref_slice %arg3[%mul3A_11, %dma_start3A_61] : memref<2512x128xi32, #tpu.memory_space<hbm>> -> memref<101x128xi32, #tpu.memory_space<hbm>>
        %dma_start3A_63 = arith.constant 0 : i32
        %dma_start3A_64 = arith.constant 0 : i32
        %dma_start3A_65 = tpu.memref_slice %arg8[%dma_start3A_63, %dma_start3A_64] : memref<101x128xi32, #tpu.memory_space<vmem>> -> memref<101x128xi32, #tpu.memory_space<vmem>>
        %dma_start3A_66 = arith.constant 0 : i32
        %dma_start3A_67 = tpu.memref_slice %arg3[%mul3A_11, %dma_start3A_66] : memref<2512x128xi32, #tpu.memory_space<hbm>> -> memref<101x128xi32, #tpu.memory_space<hbm>>
        tpu.enqueue_dma source(%dma_start3A_67 : memref<101x128xi32, #tpu.memory_space<hbm>>) target(%dma_start3A_65 : memref<101x128xi32, #tpu.memory_space<vmem>>) target_semaphore(%run_scoped3A : memref<!tpu.dma_semaphore, #tpu.memory_space<semaphore_mem>>)
        %dma_wait3A_68 = arith.constant 0 : i32
        %dma_wait3A_69 = arith.constant 0 : i32
        %dma_wait3A_70 = tpu.memref_slice %arg8[%dma_wait3A_68, %dma_wait3A_69] : memref<101x128xi32, #tpu.memory_space<vmem>> -> memref<101x128xi32, #tpu.memory_space<vmem>>
        %dma_wait3A_71 = arith.constant 0 : i32
        %dma_wait3A_72 = tpu.memref_slice %arg3[%mul3A_11, %dma_wait3A_71] : memref<2512x128xi32, #tpu.memory_space<hbm>> -> memref<101x128xi32, #tpu.memory_space<hbm>>
        %dma_wait3A_73 = arith.constant 0 : i32
        %dma_wait3A_74 = arith.constant 0 : i32
        %dma_wait3A_75 = tpu.memref_slice %arg8[%dma_wait3A_73, %dma_wait3A_74] : memref<101x128xi32, #tpu.memory_space<vmem>> -> memref<101x128xi32, #tpu.memory_space<vmem>>
        %dma_wait3A_76 = arith.constant 0 : i32
        %dma_wait3A_77 = tpu.memref_slice %arg3[%mul3A_11, %dma_wait3A_76] : memref<2512x128xi32, #tpu.memory_space<hbm>> -> memref<101x128xi32, #tpu.memory_space<hbm>>
        tpu.wait_dma2 semaphore(%run_scoped3A : memref<!tpu.dma_semaphore, #tpu.memory_space<semaphore_mem>>) src(%dma_wait3A_77 : memref<101x128xi32, #tpu.memory_space<hbm>>) dst(%dma_wait3A_75 : memref<101x128xi32, #tpu.memory_space<vmem>>)
        tpu.yield
      }) : () -> ()
      %dma_start3A = arith.constant 0 : i32
      %dma_start3A_12 = arith.constant 0 : i32
      %dma_start3A_13 = tpu.memref_slice %arg7[%dma_start3A, %dma_start3A_12] : memref<101x128xi32, #tpu.memory_space<vmem>> -> memref<1x128xi32, #tpu.memory_space<vmem>>
      %dma_start3A_14 = tpu.memref_squeeze %dma_start3A_13 : memref<1x128xi32, #tpu.memory_space<vmem>> -> memref<128xi32, #tpu.memory_space<vmem>>
      %dma_start3A_15 = arith.constant 0 : i32
      %dma_start3A_16 = arith.constant 0 : i32
      %dma_start3A_17 = tpu.memref_slice %arg4[%dma_start3A_15, %dma_start3A_16] : memref<10000x128xbf16, #tpu.memory_space<hbm>> -> memref<10000x128xbf16, #tpu.memory_space<hbm>>
      tpu.enqueue_indirect_dma source(%dma_start3A_17 : memref<10000x128xbf16, #tpu.memory_space<hbm>>) target(%arg9 : memref<128x128xbf16, #tpu.memory_space<vmem>>) offsets(%dma_start3A_14 : memref<128xi32, #tpu.memory_space<vmem>>) semaphore(%arg14 : memref<!tpu.dma_semaphore, #tpu.memory_space<semaphore_mem>>)
      %dma_start3A_18 = arith.constant 1 : i32
      %dma_start3A_19 = arith.constant 0 : i32
      %dma_start3A_20 = tpu.memref_slice %arg7[%dma_start3A_18, %dma_start3A_19] : memref<101x128xi32, #tpu.memory_space<vmem>> -> memref<1x128xi32, #tpu.memory_space<vmem>>
      %dma_start3A_21 = tpu.memref_squeeze %dma_start3A_20 : memref<1x128xi32, #tpu.memory_space<vmem>> -> memref<128xi32, #tpu.memory_space<vmem>>
      %dma_start3A_22 = arith.constant 0 : i32
      %dma_start3A_23 = arith.constant 0 : i32
      %dma_start3A_24 = tpu.memref_slice %arg4[%dma_start3A_22, %dma_start3A_23] : memref<10000x128xbf16, #tpu.memory_space<hbm>> -> memref<10000x128xbf16, #tpu.memory_space<hbm>>
      tpu.enqueue_indirect_dma source(%dma_start3A_24 : memref<10000x128xbf16, #tpu.memory_space<hbm>>) target(%arg10 : memref<128x128xbf16, #tpu.memory_space<vmem>>) offsets(%dma_start3A_21 : memref<128xi32, #tpu.memory_space<vmem>>) semaphore(%arg15 : memref<!tpu.dma_semaphore, #tpu.memory_space<semaphore_mem>>)
      %scan3A = arith.constant 0 : i32
      %scan3A_25 = arith.constant 0 : i32
      %scan3A_26 = arith.constant 101 : i32
      %scan3A_27 = arith.addi %scan3A_25, %scan3A_26 : i32
      %scan3A_28 = arith.constant 1 : i32
      %scan3A_29 = scf.for %scan3A_58 = %scan3A_25 to %scan3A_27 step %scan3A_28 iter_args(%scan3A_59 = %scan3A) -> (i32)  : i32 {
        %rem3A = arith.constant 4 : i32
        %rem3A_60 = arith.remsi %scan3A_58, %rem3A : i32
        %eq3A_61 = arith.constant 0 : i32
        %eq3A_62 = arith.cmpi eq, %rem3A_60, %eq3A_61 : i32
        %convert_element_type3A_63 = arith.extui %eq3A_62 : i1 to i32
        %cond3A_64 = arith.constant 0 : i32
        %cond3A_65 = arith.cmpi ne, %convert_element_type3A_63, %cond3A_64 : i32
        scf.if %cond3A_65 {
          %dma_wait3A_82 = arith.constant 0 : i32
          %dma_wait3A_83 = tpu.memref_slice %arg7[%scan3A_58, %dma_wait3A_82] : memref<101x128xi32, #tpu.memory_space<vmem>> -> memref<1x128xi32, #tpu.memory_space<vmem>>
          %dma_wait3A_84 = tpu.memref_squeeze %dma_wait3A_83 : memref<1x128xi32, #tpu.memory_space<vmem>> -> memref<128xi32, #tpu.memory_space<vmem>>
          %dma_wait3A_85 = arith.constant 0 : i32
          %dma_wait3A_86 = arith.constant 0 : i32
          %dma_wait3A_87 = tpu.memref_slice %arg4[%dma_wait3A_85, %dma_wait3A_86] : memref<10000x128xbf16, #tpu.memory_space<hbm>> -> memref<10000x128xbf16, #tpu.memory_space<hbm>>
          tpu.wait_indirect_dma semaphore(%arg14 : memref<!tpu.dma_semaphore, #tpu.memory_space<semaphore_mem>>) src(%dma_wait3A_87 : memref<10000x128xbf16, #tpu.memory_space<hbm>>) dst(%arg9 : memref<128x128xbf16, #tpu.memory_space<vmem>>)
          %dma_start3A_88 = arith.constant 0 : i32
          %dma_start3A_89 = tpu.memref_slice %arg8[%scan3A_58, %dma_start3A_88] : memref<101x128xi32, #tpu.memory_space<vmem>> -> memref<1x128xi32, #tpu.memory_space<vmem>>
          %dma_start3A_90 = tpu.memref_squeeze %dma_start3A_89 : memref<1x128xi32, #tpu.memory_space<vmem>> -> memref<128xi32, #tpu.memory_space<vmem>>
          %dma_start3A_91 = arith.constant 0 : i32
          %dma_start3A_92 = arith.constant 0 : i32
          %dma_start3A_93 = tpu.memref_slice %arg13[%dma_start3A_91, %dma_start3A_92] : memref<10240x128xbf16, #tpu.memory_space<vmem_shared>> -> memref<10240x128xbf16, #tpu.memory_space<vmem_shared>>
          tpu.enqueue_indirect_dma source(%arg9 : memref<128x128xbf16, #tpu.memory_space<vmem>>) target(%dma_start3A_93 : memref<10240x128xbf16, #tpu.memory_space<vmem_shared>>) offsets(%dma_start3A_90 : memref<128xi32, #tpu.memory_space<vmem>>) semaphore(%arg18 : memref<!tpu.dma_semaphore, #tpu.memory_space<semaphore_mem>>) {add = true}
          %add3A = arith.constant 2 : i32
          %add3A_94 = arith.addi %scan3A_58, %add3A : i32
          %lt3A = arith.constant 101 : i32
          %lt3A_95 = arith.cmpi slt, %add3A_94, %lt3A : i32
          %convert_element_type3A_96 = arith.extui %lt3A_95 : i1 to i32
          %cond3A_97 = arith.constant 0 : i32
          %cond3A_98 = arith.cmpi ne, %convert_element_type3A_96, %cond3A_97 : i32
          scf.if %cond3A_98 {
            %ge3A = arith.constant 2 : i32
            %ge3A_99 = arith.cmpi sge, %scan3A_58, %ge3A : i32
            %convert_element_type3A_100 = arith.extui %ge3A_99 : i1 to i32
            %cond3A_101 = arith.constant 0 : i32
            %cond3A_102 = arith.cmpi ne, %convert_element_type3A_100, %cond3A_101 : i32
            scf.if %cond3A_102 {
              %dma_wait3A_111 = arith.constant 0 : i32
              %dma_wait3A_112 = tpu.memref_slice %arg8[%scan3A_58, %dma_wait3A_111] : memref<101x128xi32, #tpu.memory_space<vmem>> -> memref<1x128xi32, #tpu.memory_space<vmem>>
              %dma_wait3A_113 = tpu.memref_squeeze %dma_wait3A_112 : memref<1x128xi32, #tpu.memory_space<vmem>> -> memref<128xi32, #tpu.memory_space<vmem>>
              %dma_wait3A_114 = arith.constant 0 : i32
              %dma_wait3A_115 = arith.constant 0 : i32
              %dma_wait3A_116 = tpu.memref_slice %arg13[%dma_wait3A_114, %dma_wait3A_115] : memref<10240x128xbf16, #tpu.memory_space<vmem_shared>> -> memref<10240x128xbf16, #tpu.memory_space<vmem_shared>>
              tpu.wait_indirect_dma semaphore(%arg20 : memref<!tpu.dma_semaphore, #tpu.memory_space<semaphore_mem>>) src(%arg11 : memref<128x128xbf16, #tpu.memory_space<vmem>>) dst(%dma_wait3A_116 : memref<10240x128xbf16, #tpu.memory_space<vmem_shared>>)
            } else {
            }
            %add3A_103 = arith.constant 2 : i32
            %add3A_104 = arith.addi %scan3A_58, %add3A_103 : i32
            %dma_start3A_105 = arith.constant 0 : i32
            %dma_start3A_106 = tpu.memref_slice %arg7[%add3A_104, %dma_start3A_105] : memref<101x128xi32, #tpu.memory_space<vmem>> -> memref<1x128xi32, #tpu.memory_space<vmem>>
            %dma_start3A_107 = tpu.memref_squeeze %dma_start3A_106 : memref<1x128xi32, #tpu.memory_space<vmem>> -> memref<128xi32, #tpu.memory_space<vmem>>
            %dma_start3A_108 = arith.constant 0 : i32
            %dma_start3A_109 = arith.constant 0 : i32
            %dma_start3A_110 = tpu.memref_slice %arg4[%dma_start3A_108, %dma_start3A_109] : memref<10000x128xbf16, #tpu.memory_space<hbm>> -> memref<10000x128xbf16, #tpu.memory_space<hbm>>
            tpu.enqueue_indirect_dma source(%dma_start3A_110 : memref<10000x128xbf16, #tpu.memory_space<hbm>>) target(%arg11 : memref<128x128xbf16, #tpu.memory_space<vmem>>) offsets(%dma_start3A_107 : memref<128xi32, #tpu.memory_space<vmem>>) semaphore(%arg16 : memref<!tpu.dma_semaphore, #tpu.memory_space<semaphore_mem>>)
          } else {
          }
        } else {
        }
        %eq3A_66 = arith.constant 1 : i32
        %eq3A_67 = arith.cmpi eq, %rem3A_60, %eq3A_66 : i32
        %convert_element_type3A_68 = arith.extui %eq3A_67 : i1 to i32
        %cond3A_69 = arith.constant 0 : i32
        %cond3A_70 = arith.cmpi ne, %convert_element_type3A_68, %cond3A_69 : i32
        scf.if %cond3A_70 {
          %dma_wait3A_82 = arith.constant 0 : i32
          %dma_wait3A_83 = tpu.memref_slice %arg7[%scan3A_58, %dma_wait3A_82] : memref<101x128xi32, #tpu.memory_space<vmem>> -> memref<1x128xi32, #tpu.memory_space<vmem>>
          %dma_wait3A_84 = tpu.memref_squeeze %dma_wait3A_83 : memref<1x128xi32, #tpu.memory_space<vmem>> -> memref<128xi32, #tpu.memory_space<vmem>>
          %dma_wait3A_85 = arith.constant 0 : i32
          %dma_wait3A_86 = arith.constant 0 : i32
          %dma_wait3A_87 = tpu.memref_slice %arg4[%dma_wait3A_85, %dma_wait3A_86] : memref<10000x128xbf16, #tpu.memory_space<hbm>> -> memref<10000x128xbf16, #tpu.memory_space<hbm>>
          tpu.wait_indirect_dma semaphore(%arg15 : memref<!tpu.dma_semaphore, #tpu.memory_space<semaphore_mem>>) src(%dma_wait3A_87 : memref<10000x128xbf16, #tpu.memory_space<hbm>>) dst(%arg10 : memref<128x128xbf16, #tpu.memory_space<vmem>>)
          %dma_start3A_88 = arith.constant 0 : i32
          %dma_start3A_89 = tpu.memref_slice %arg8[%scan3A_58, %dma_start3A_88] : memref<101x128xi32, #tpu.memory_space<vmem>> -> memref<1x128xi32, #tpu.memory_space<vmem>>
          %dma_start3A_90 = tpu.memref_squeeze %dma_start3A_89 : memref<1x128xi32, #tpu.memory_space<vmem>> -> memref<128xi32, #tpu.memory_space<vmem>>
          %dma_start3A_91 = arith.constant 0 : i32
          %dma_start3A_92 = arith.constant 0 : i32
          %dma_start3A_93 = tpu.memref_slice %arg13[%dma_start3A_91, %dma_start3A_92] : memref<10240x128xbf16, #tpu.memory_space<vmem_shared>> -> memref<10240x128xbf16, #tpu.memory_space<vmem_shared>>
          tpu.enqueue_indirect_dma source(%arg10 : memref<128x128xbf16, #tpu.memory_space<vmem>>) target(%dma_start3A_93 : memref<10240x128xbf16, #tpu.memory_space<vmem_shared>>) offsets(%dma_start3A_90 : memref<128xi32, #tpu.memory_space<vmem>>) semaphore(%arg19 : memref<!tpu.dma_semaphore, #tpu.memory_space<semaphore_mem>>) {add = true}
          %add3A = arith.constant 2 : i32
          %add3A_94 = arith.addi %scan3A_58, %add3A : i32
          %lt3A = arith.constant 101 : i32
          %lt3A_95 = arith.cmpi slt, %add3A_94, %lt3A : i32
          %convert_element_type3A_96 = arith.extui %lt3A_95 : i1 to i32
          %cond3A_97 = arith.constant 0 : i32
          %cond3A_98 = arith.cmpi ne, %convert_element_type3A_96, %cond3A_97 : i32
          scf.if %cond3A_98 {
            %ge3A = arith.constant 2 : i32
            %ge3A_99 = arith.cmpi sge, %scan3A_58, %ge3A : i32
            %convert_element_type3A_100 = arith.extui %ge3A_99 : i1 to i32
            %cond3A_101 = arith.constant 0 : i32
            %cond3A_102 = arith.cmpi ne, %convert_element_type3A_100, %cond3A_101 : i32
            scf.if %cond3A_102 {
              %dma_wait3A_111 = arith.constant 0 : i32
              %dma_wait3A_112 = tpu.memref_slice %arg8[%scan3A_58, %dma_wait3A_111] : memref<101x128xi32, #tpu.memory_space<vmem>> -> memref<1x128xi32, #tpu.memory_space<vmem>>
              %dma_wait3A_113 = tpu.memref_squeeze %dma_wait3A_112 : memref<1x128xi32, #tpu.memory_space<vmem>> -> memref<128xi32, #tpu.memory_space<vmem>>
              %dma_wait3A_114 = arith.constant 0 : i32
              %dma_wait3A_115 = arith.constant 0 : i32
              %dma_wait3A_116 = tpu.memref_slice %arg13[%dma_wait3A_114, %dma_wait3A_115] : memref<10240x128xbf16, #tpu.memory_space<vmem_shared>> -> memref<10240x128xbf16, #tpu.memory_space<vmem_shared>>
              tpu.wait_indirect_dma semaphore(%arg21 : memref<!tpu.dma_semaphore, #tpu.memory_space<semaphore_mem>>) src(%arg12 : memref<128x128xbf16, #tpu.memory_space<vmem>>) dst(%dma_wait3A_116 : memref<10240x128xbf16, #tpu.memory_space<vmem_shared>>)
            } else {
            }
            %add3A_103 = arith.constant 2 : i32
            %add3A_104 = arith.addi %scan3A_58, %add3A_103 : i32
            %dma_start3A_105 = arith.constant 0 : i32
            %dma_start3A_106 = tpu.memref_slice %arg7[%add3A_104, %dma_start3A_105] : memref<101x128xi32, #tpu.memory_space<vmem>> -> memref<1x128xi32, #tpu.memory_space<vmem>>
            %dma_start3A_107 = tpu.memref_squeeze %dma_start3A_106 : memref<1x128xi32, #tpu.memory_space<vmem>> -> memref<128xi32, #tpu.memory_space<vmem>>
            %dma_start3A_108 = arith.constant 0 : i32
            %dma_start3A_109 = arith.constant 0 : i32
            %dma_start3A_110 = tpu.memref_slice %arg4[%dma_start3A_108, %dma_start3A_109] : memref<10000x128xbf16, #tpu.memory_space<hbm>> -> memref<10000x128xbf16, #tpu.memory_space<hbm>>
            tpu.enqueue_indirect_dma source(%dma_start3A_110 : memref<10000x128xbf16, #tpu.memory_space<hbm>>) target(%arg12 : memref<128x128xbf16, #tpu.memory_space<vmem>>) offsets(%dma_start3A_107 : memref<128xi32, #tpu.memory_space<vmem>>) semaphore(%arg17 : memref<!tpu.dma_semaphore, #tpu.memory_space<semaphore_mem>>)
          } else {
          }
        } else {
        }
        %eq3A_71 = arith.constant 2 : i32
        %eq3A_72 = arith.cmpi eq, %rem3A_60, %eq3A_71 : i32
        %convert_element_type3A_73 = arith.extui %eq3A_72 : i1 to i32
        %cond3A_74 = arith.constant 0 : i32
        %cond3A_75 = arith.cmpi ne, %convert_element_type3A_73, %cond3A_74 : i32
        scf.if %cond3A_75 {
          %dma_wait3A_82 = arith.constant 0 : i32
          %dma_wait3A_83 = tpu.memref_slice %arg7[%scan3A_58, %dma_wait3A_82] : memref<101x128xi32, #tpu.memory_space<vmem>> -> memref<1x128xi32, #tpu.memory_space<vmem>>
          %dma_wait3A_84 = tpu.memref_squeeze %dma_wait3A_83 : memref<1x128xi32, #tpu.memory_space<vmem>> -> memref<128xi32, #tpu.memory_space<vmem>>
          %dma_wait3A_85 = arith.constant 0 : i32
          %dma_wait3A_86 = arith.constant 0 : i32
          %dma_wait3A_87 = tpu.memref_slice %arg4[%dma_wait3A_85, %dma_wait3A_86] : memref<10000x128xbf16, #tpu.memory_space<hbm>> -> memref<10000x128xbf16, #tpu.memory_space<hbm>>
          tpu.wait_indirect_dma semaphore(%arg16 : memref<!tpu.dma_semaphore, #tpu.memory_space<semaphore_mem>>) src(%dma_wait3A_87 : memref<10000x128xbf16, #tpu.memory_space<hbm>>) dst(%arg11 : memref<128x128xbf16, #tpu.memory_space<vmem>>)
          %dma_start3A_88 = arith.constant 0 : i32
          %dma_start3A_89 = tpu.memref_slice %arg8[%scan3A_58, %dma_start3A_88] : memref<101x128xi32, #tpu.memory_space<vmem>> -> memref<1x128xi32, #tpu.memory_space<vmem>>
          %dma_start3A_90 = tpu.memref_squeeze %dma_start3A_89 : memref<1x128xi32, #tpu.memory_space<vmem>> -> memref<128xi32, #tpu.memory_space<vmem>>
          %dma_start3A_91 = arith.constant 0 : i32
          %dma_start3A_92 = arith.constant 0 : i32
          %dma_start3A_93 = tpu.memref_slice %arg13[%dma_start3A_91, %dma_start3A_92] : memref<10240x128xbf16, #tpu.memory_space<vmem_shared>> -> memref<10240x128xbf16, #tpu.memory_space<vmem_shared>>
          tpu.enqueue_indirect_dma source(%arg11 : memref<128x128xbf16, #tpu.memory_space<vmem>>) target(%dma_start3A_93 : memref<10240x128xbf16, #tpu.memory_space<vmem_shared>>) offsets(%dma_start3A_90 : memref<128xi32, #tpu.memory_space<vmem>>) semaphore(%arg20 : memref<!tpu.dma_semaphore, #tpu.memory_space<semaphore_mem>>) {add = true}
          %add3A = arith.constant 2 : i32
          %add3A_94 = arith.addi %scan3A_58, %add3A : i32
          %lt3A = arith.constant 101 : i32
          %lt3A_95 = arith.cmpi slt, %add3A_94, %lt3A : i32
          %convert_element_type3A_96 = arith.extui %lt3A_95 : i1 to i32
          %cond3A_97 = arith.constant 0 : i32
          %cond3A_98 = arith.cmpi ne, %convert_element_type3A_96, %cond3A_97 : i32
          scf.if %cond3A_98 {
            %ge3A = arith.constant 2 : i32
            %ge3A_99 = arith.cmpi sge, %scan3A_58, %ge3A : i32
            %convert_element_type3A_100 = arith.extui %ge3A_99 : i1 to i32
            %cond3A_101 = arith.constant 0 : i32
            %cond3A_102 = arith.cmpi ne, %convert_element_type3A_100, %cond3A_101 : i32
            scf.if %cond3A_102 {
              %dma_wait3A_111 = arith.constant 0 : i32
              %dma_wait3A_112 = tpu.memref_slice %arg8[%scan3A_58, %dma_wait3A_111] : memref<101x128xi32, #tpu.memory_space<vmem>> -> memref<1x128xi32, #tpu.memory_space<vmem>>
              %dma_wait3A_113 = tpu.memref_squeeze %dma_wait3A_112 : memref<1x128xi32, #tpu.memory_space<vmem>> -> memref<128xi32, #tpu.memory_space<vmem>>
              %dma_wait3A_114 = arith.constant 0 : i32
              %dma_wait3A_115 = arith.constant 0 : i32
              %dma_wait3A_116 = tpu.memref_slice %arg13[%dma_wait3A_114, %dma_wait3A_115] : memref<10240x128xbf16, #tpu.memory_space<vmem_shared>> -> memref<10240x128xbf16, #tpu.memory_space<vmem_shared>>
              tpu.wait_indirect_dma semaphore(%arg18 : memref<!tpu.dma_semaphore, #tpu.memory_space<semaphore_mem>>) src(%arg9 : memref<128x128xbf16, #tpu.memory_space<vmem>>) dst(%dma_wait3A_116 : memref<10240x128xbf16, #tpu.memory_space<vmem_shared>>)
            } else {
            }
            %add3A_103 = arith.constant 2 : i32
            %add3A_104 = arith.addi %scan3A_58, %add3A_103 : i32
            %dma_start3A_105 = arith.constant 0 : i32
            %dma_start3A_106 = tpu.memref_slice %arg7[%add3A_104, %dma_start3A_105] : memref<101x128xi32, #tpu.memory_space<vmem>> -> memref<1x128xi32, #tpu.memory_space<vmem>>
            %dma_start3A_107 = tpu.memref_squeeze %dma_start3A_106 : memref<1x128xi32, #tpu.memory_space<vmem>> -> memref<128xi32, #tpu.memory_space<vmem>>
            %dma_start3A_108 = arith.constant 0 : i32
            %dma_start3A_109 = arith.constant 0 : i32
            %dma_start3A_110 = tpu.memref_slice %arg4[%dma_start3A_108, %dma_start3A_109] : memref<10000x128xbf16, #tpu.memory_space<hbm>> -> memref<10000x128xbf16, #tpu.memory_space<hbm>>
            tpu.enqueue_indirect_dma source(%dma_start3A_110 : memref<10000x128xbf16, #tpu.memory_space<hbm>>) target(%arg9 : memref<128x128xbf16, #tpu.memory_space<vmem>>) offsets(%dma_start3A_107 : memref<128xi32, #tpu.memory_space<vmem>>) semaphore(%arg14 : memref<!tpu.dma_semaphore, #tpu.memory_space<semaphore_mem>>)
          } else {
          }
        } else {
        }
        %eq3A_76 = arith.constant 3 : i32
        %eq3A_77 = arith.cmpi eq, %rem3A_60, %eq3A_76 : i32
        %convert_element_type3A_78 = arith.extui %eq3A_77 : i1 to i32
        %cond3A_79 = arith.constant 0 : i32
        %cond3A_80 = arith.cmpi ne, %convert_element_type3A_78, %cond3A_79 : i32
        scf.if %cond3A_80 {
          %dma_wait3A_82 = arith.constant 0 : i32
          %dma_wait3A_83 = tpu.memref_slice %arg7[%scan3A_58, %dma_wait3A_82] : memref<101x128xi32, #tpu.memory_space<vmem>> -> memref<1x128xi32, #tpu.memory_space<vmem>>
          %dma_wait3A_84 = tpu.memref_squeeze %dma_wait3A_83 : memref<1x128xi32, #tpu.memory_space<vmem>> -> memref<128xi32, #tpu.memory_space<vmem>>
          %dma_wait3A_85 = arith.constant 0 : i32
          %dma_wait3A_86 = arith.constant 0 : i32
          %dma_wait3A_87 = tpu.memref_slice %arg4[%dma_wait3A_85, %dma_wait3A_86] : memref<10000x128xbf16, #tpu.memory_space<hbm>> -> memref<10000x128xbf16, #tpu.memory_space<hbm>>
          tpu.wait_indirect_dma semaphore(%arg17 : memref<!tpu.dma_semaphore, #tpu.memory_space<semaphore_mem>>) src(%dma_wait3A_87 : memref<10000x128xbf16, #tpu.memory_space<hbm>>) dst(%arg12 : memref<128x128xbf16, #tpu.memory_space<vmem>>)
          %dma_start3A_88 = arith.constant 0 : i32
          %dma_start3A_89 = tpu.memref_slice %arg8[%scan3A_58, %dma_start3A_88] : memref<101x128xi32, #tpu.memory_space<vmem>> -> memref<1x128xi32, #tpu.memory_space<vmem>>
          %dma_start3A_90 = tpu.memref_squeeze %dma_start3A_89 : memref<1x128xi32, #tpu.memory_space<vmem>> -> memref<128xi32, #tpu.memory_space<vmem>>
          %dma_start3A_91 = arith.constant 0 : i32
          %dma_start3A_92 = arith.constant 0 : i32
          %dma_start3A_93 = tpu.memref_slice %arg13[%dma_start3A_91, %dma_start3A_92] : memref<10240x128xbf16, #tpu.memory_space<vmem_shared>> -> memref<10240x128xbf16, #tpu.memory_space<vmem_shared>>
          tpu.enqueue_indirect_dma source(%arg12 : memref<128x128xbf16, #tpu.memory_space<vmem>>) target(%dma_start3A_93 : memref<10240x128xbf16, #tpu.memory_space<vmem_shared>>) offsets(%dma_start3A_90 : memref<128xi32, #tpu.memory_space<vmem>>) semaphore(%arg21 : memref<!tpu.dma_semaphore, #tpu.memory_space<semaphore_mem>>) {add = true}
          %add3A = arith.constant 2 : i32
          %add3A_94 = arith.addi %scan3A_58, %add3A : i32
          %lt3A = arith.constant 101 : i32
          %lt3A_95 = arith.cmpi slt, %add3A_94, %lt3A : i32
          %convert_element_type3A_96 = arith.extui %lt3A_95 : i1 to i32
          %cond3A_97 = arith.constant 0 : i32
          %cond3A_98 = arith.cmpi ne, %convert_element_type3A_96, %cond3A_97 : i32
          scf.if %cond3A_98 {
            %ge3A = arith.constant 2 : i32
            %ge3A_99 = arith.cmpi sge, %scan3A_58, %ge3A : i32
            %convert_element_type3A_100 = arith.extui %ge3A_99 : i1 to i32
            %cond3A_101 = arith.constant 0 : i32
            %cond3A_102 = arith.cmpi ne, %convert_element_type3A_100, %cond3A_101 : i32
            scf.if %cond3A_102 {
              %dma_wait3A_111 = arith.constant 0 : i32
              %dma_wait3A_112 = tpu.memref_slice %arg8[%scan3A_58, %dma_wait3A_111] : memref<101x128xi32, #tpu.memory_space<vmem>> -> memref<1x128xi32, #tpu.memory_space<vmem>>
              %dma_wait3A_113 = tpu.memref_squeeze %dma_wait3A_112 : memref<1x128xi32, #tpu.memory_space<vmem>> -> memref<128xi32, #tpu.memory_space<vmem>>
              %dma_wait3A_114 = arith.constant 0 : i32
              %dma_wait3A_115 = arith.constant 0 : i32
              %dma_wait3A_116 = tpu.memref_slice %arg13[%dma_wait3A_114, %dma_wait3A_115] : memref<10240x128xbf16, #tpu.memory_space<vmem_shared>> -> memref<10240x128xbf16, #tpu.memory_space<vmem_shared>>
              tpu.wait_indirect_dma semaphore(%arg19 : memref<!tpu.dma_semaphore, #tpu.memory_space<semaphore_mem>>) src(%arg10 : memref<128x128xbf16, #tpu.memory_space<vmem>>) dst(%dma_wait3A_116 : memref<10240x128xbf16, #tpu.memory_space<vmem_shared>>)
            } else {
            }
            %add3A_103 = arith.constant 2 : i32
            %add3A_104 = arith.addi %scan3A_58, %add3A_103 : i32
            %dma_start3A_105 = arith.constant 0 : i32
            %dma_start3A_106 = tpu.memref_slice %arg7[%add3A_104, %dma_start3A_105] : memref<101x128xi32, #tpu.memory_space<vmem>> -> memref<1x128xi32, #tpu.memory_space<vmem>>
            %dma_start3A_107 = tpu.memref_squeeze %dma_start3A_106 : memref<1x128xi32, #tpu.memory_space<vmem>> -> memref<128xi32, #tpu.memory_space<vmem>>
            %dma_start3A_108 = arith.constant 0 : i32
            %dma_start3A_109 = arith.constant 0 : i32
            %dma_start3A_110 = tpu.memref_slice %arg4[%dma_start3A_108, %dma_start3A_109] : memref<10000x128xbf16, #tpu.memory_space<hbm>> -> memref<10000x128xbf16, #tpu.memory_space<hbm>>
            tpu.enqueue_indirect_dma source(%dma_start3A_110 : memref<10000x128xbf16, #tpu.memory_space<hbm>>) target(%arg10 : memref<128x128xbf16, #tpu.memory_space<vmem>>) offsets(%dma_start3A_107 : memref<128xi32, #tpu.memory_space<vmem>>) semaphore(%arg15 : memref<!tpu.dma_semaphore, #tpu.memory_space<semaphore_mem>>)
          } else {
          }
        } else {
        }
        %scan3A_81 = arith.constant 0 : i32
        scf.yield %scan3A_81 : i32
      }
      %scan3A_30 = arith.constant 101 : i32
      %dma_wait3A = arith.constant 97 : i32
      %dma_wait3A_31 = arith.constant 0 : i32
      %dma_wait3A_32 = tpu.memref_slice %arg8[%dma_wait3A, %dma_wait3A_31] : memref<101x128xi32, #tpu.memory_space<vmem>> -> memref<1x128xi32, #tpu.memory_space<vmem>>
      %dma_wait3A_33 = tpu.memref_squeeze %dma_wait3A_32 : memref<1x128xi32, #tpu.memory_space<vmem>> -> memref<128xi32, #tpu.memory_space<vmem>>
      %dma_wait3A_34 = arith.constant 0 : i32
      %dma_wait3A_35 = arith.constant 0 : i32
      %dma_wait3A_36 = tpu.memref_slice %arg13[%dma_wait3A_34, %dma_wait3A_35] : memref<10240x128xbf16, #tpu.memory_space<vmem_shared>> -> memref<10240x128xbf16, #tpu.memory_space<vmem_shared>>
      tpu.wait_indirect_dma semaphore(%arg19 : memref<!tpu.dma_semaphore, #tpu.memory_space<semaphore_mem>>) src(%arg10 : memref<128x128xbf16, #tpu.memory_space<vmem>>) dst(%dma_wait3A_36 : memref<10240x128xbf16, #tpu.memory_space<vmem_shared>>)
      %dma_wait3A_37 = arith.constant 98 : i32
      %dma_wait3A_38 = arith.constant 0 : i32
      %dma_wait3A_39 = tpu.memref_slice %arg8[%dma_wait3A_37, %dma_wait3A_38] : memref<101x128xi32, #tpu.memory_space<vmem>> -> memref<1x128xi32, #tpu.memory_space<vmem>>
      %dma_wait3A_40 = tpu.memref_squeeze %dma_wait3A_39 : memref<1x128xi32, #tpu.memory_space<vmem>> -> memref<128xi32, #tpu.memory_space<vmem>>
      %dma_wait3A_41 = arith.constant 0 : i32
      %dma_wait3A_42 = arith.constant 0 : i32
      %dma_wait3A_43 = tpu.memref_slice %arg13[%dma_wait3A_41, %dma_wait3A_42] : memref<10240x128xbf16, #tpu.memory_space<vmem_shared>> -> memref<10240x128xbf16, #tpu.memory_space<vmem_shared>>
      tpu.wait_indirect_dma semaphore(%arg20 : memref<!tpu.dma_semaphore, #tpu.memory_space<semaphore_mem>>) src(%arg11 : memref<128x128xbf16, #tpu.memory_space<vmem>>) dst(%dma_wait3A_43 : memref<10240x128xbf16, #tpu.memory_space<vmem_shared>>)
      %dma_wait3A_44 = arith.constant 99 : i32
      %dma_wait3A_45 = arith.constant 0 : i32
      %dma_wait3A_46 = tpu.memref_slice %arg8[%dma_wait3A_44, %dma_wait3A_45] : memref<101x128xi32, #tpu.memory_space<vmem>> -> memref<1x128xi32, #tpu.memory_space<vmem>>
      %dma_wait3A_47 = tpu.memref_squeeze %dma_wait3A_46 : memref<1x128xi32, #tpu.memory_space<vmem>> -> memref<128xi32, #tpu.memory_space<vmem>>
      %dma_wait3A_48 = arith.constant 0 : i32
      %dma_wait3A_49 = arith.constant 0 : i32
      %dma_wait3A_50 = tpu.memref_slice %arg13[%dma_wait3A_48, %dma_wait3A_49] : memref<10240x128xbf16, #tpu.memory_space<vmem_shared>> -> memref<10240x128xbf16, #tpu.memory_space<vmem_shared>>
      tpu.wait_indirect_dma semaphore(%arg21 : memref<!tpu.dma_semaphore, #tpu.memory_space<semaphore_mem>>) src(%arg12 : memref<128x128xbf16, #tpu.memory_space<vmem>>) dst(%dma_wait3A_50 : memref<10240x128xbf16, #tpu.memory_space<vmem_shared>>)
      %dma_wait3A_51 = arith.constant 100 : i32
      %dma_wait3A_52 = arith.constant 0 : i32
      %dma_wait3A_53 = tpu.memref_slice %arg8[%dma_wait3A_51, %dma_wait3A_52] : memref<101x128xi32, #tpu.memory_space<vmem>> -> memref<1x128xi32, #tpu.memory_space<vmem>>
      %dma_wait3A_54 = tpu.memref_squeeze %dma_wait3A_53 : memref<1x128xi32, #tpu.memory_space<vmem>> -> memref<128xi32, #tpu.memory_space<vmem>>
      %dma_wait3A_55 = arith.constant 0 : i32
      %dma_wait3A_56 = arith.constant 0 : i32
      %dma_wait3A_57 = tpu.memref_slice %arg13[%dma_wait3A_55, %dma_wait3A_56] : memref<10240x128xbf16, #tpu.memory_space<vmem_shared>> -> memref<10240x128xbf16, #tpu.memory_space<vmem_shared>>
      tpu.wait_indirect_dma semaphore(%arg18 : memref<!tpu.dma_semaphore, #tpu.memory_space<semaphore_mem>>) src(%arg9 : memref<128x128xbf16, #tpu.memory_space<vmem>>) dst(%dma_wait3A_57 : memref<10240x128xbf16, #tpu.memory_space<vmem_shared>>)
    } else {
    }
    %eq3A_4 = arith.constant 1 : i32
    %eq3A_5 = arith.cmpi eq, %arg0, %eq3A_4 : i32
    %convert_element_type3A_6 = arith.extui %eq3A_5 : i1 to i32
    %cond3A_7 = arith.constant 0 : i32
    %cond3A_8 = arith.cmpi ne, %convert_element_type3A_6, %cond3A_7 : i32
    scf.if %cond3A_8 {
      %mul3A_10 = arith.constant 56 : i32
      %mul3A_11 = arith.muli %arg1, %mul3A_10 : i32
      %add3A = arith.constant 1616 : i32
      %add3A_12 = arith.addi %add3A, %mul3A_11 : i32
      "tpu.region"() ({
        %run_scoped3A = tpu.sem_alloc : memref<!tpu.dma_semaphore, #tpu.memory_space<semaphore_mem>>
        %dma_start3A_59 = arith.constant 0 : i32
        %dma_start3A_60 = arith.constant 0 : i32
        %dma_start3A_61 = tpu.memref_slice %arg7[%dma_start3A_59, %dma_start3A_60] : memref<101x128xi32, #tpu.memory_space<vmem>> -> memref<56x128xi32, #tpu.memory_space<vmem>>
        %dma_start3A_62 = arith.constant 0 : i32
        %dma_start3A_63 = tpu.memref_slice %arg2[%add3A_12, %dma_start3A_62] : memref<2512x128xi32, #tpu.memory_space<hbm>> -> memref<56x128xi32, #tpu.memory_space<hbm>>
        %dma_start3A_64 = arith.constant 0 : i32
        %dma_start3A_65 = arith.constant 0 : i32
        %dma_start3A_66 = tpu.memref_slice %arg7[%dma_start3A_64, %dma_start3A_65] : memref<101x128xi32, #tpu.memory_space<vmem>> -> memref<56x128xi32, #tpu.memory_space<vmem>>
        %dma_start3A_67 = arith.constant 0 : i32
        %dma_start3A_68 = tpu.memref_slice %arg2[%add3A_12, %dma_start3A_67] : memref<2512x128xi32, #tpu.memory_space<hbm>> -> memref<56x128xi32, #tpu.memory_space<hbm>>
        tpu.enqueue_dma source(%dma_start3A_68 : memref<56x128xi32, #tpu.memory_space<hbm>>) target(%dma_start3A_66 : memref<56x128xi32, #tpu.memory_space<vmem>>) target_semaphore(%run_scoped3A : memref<!tpu.dma_semaphore, #tpu.memory_space<semaphore_mem>>)
        %dma_wait3A_69 = arith.constant 0 : i32
        %dma_wait3A_70 = arith.constant 0 : i32
        %dma_wait3A_71 = tpu.memref_slice %arg7[%dma_wait3A_69, %dma_wait3A_70] : memref<101x128xi32, #tpu.memory_space<vmem>> -> memref<56x128xi32, #tpu.memory_space<vmem>>
        %dma_wait3A_72 = arith.constant 0 : i32
        %dma_wait3A_73 = tpu.memref_slice %arg2[%add3A_12, %dma_wait3A_72] : memref<2512x128xi32, #tpu.memory_space<hbm>> -> memref<56x128xi32, #tpu.memory_space<hbm>>
        %dma_wait3A_74 = arith.constant 0 : i32
        %dma_wait3A_75 = arith.constant 0 : i32
        %dma_wait3A_76 = tpu.memref_slice %arg7[%dma_wait3A_74, %dma_wait3A_75] : memref<101x128xi32, #tpu.memory_space<vmem>> -> memref<56x128xi32, #tpu.memory_space<vmem>>
        %dma_wait3A_77 = arith.constant 0 : i32
        %dma_wait3A_78 = tpu.memref_slice %arg2[%add3A_12, %dma_wait3A_77] : memref<2512x128xi32, #tpu.memory_space<hbm>> -> memref<56x128xi32, #tpu.memory_space<hbm>>
        tpu.wait_dma2 semaphore(%run_scoped3A : memref<!tpu.dma_semaphore, #tpu.memory_space<semaphore_mem>>) src(%dma_wait3A_78 : memref<56x128xi32, #tpu.memory_space<hbm>>) dst(%dma_wait3A_76 : memref<56x128xi32, #tpu.memory_space<vmem>>)
        tpu.yield
      }) : () -> ()
      "tpu.region"() ({
        %run_scoped3A = tpu.sem_alloc : memref<!tpu.dma_semaphore, #tpu.memory_space<semaphore_mem>>
        %dma_start3A_59 = arith.constant 0 : i32
        %dma_start3A_60 = arith.constant 0 : i32
        %dma_start3A_61 = tpu.memref_slice %arg8[%dma_start3A_59, %dma_start3A_60] : memref<101x128xi32, #tpu.memory_space<vmem>> -> memref<56x128xi32, #tpu.memory_space<vmem>>
        %dma_start3A_62 = arith.constant 0 : i32
        %dma_start3A_63 = tpu.memref_slice %arg3[%add3A_12, %dma_start3A_62] : memref<2512x128xi32, #tpu.memory_space<hbm>> -> memref<56x128xi32, #tpu.memory_space<hbm>>
        %dma_start3A_64 = arith.constant 0 : i32
        %dma_start3A_65 = arith.constant 0 : i32
        %dma_start3A_66 = tpu.memref_slice %arg8[%dma_start3A_64, %dma_start3A_65] : memref<101x128xi32, #tpu.memory_space<vmem>> -> memref<56x128xi32, #tpu.memory_space<vmem>>
        %dma_start3A_67 = arith.constant 0 : i32
        %dma_start3A_68 = tpu.memref_slice %arg3[%add3A_12, %dma_start3A_67] : memref<2512x128xi32, #tpu.memory_space<hbm>> -> memref<56x128xi32, #tpu.memory_space<hbm>>
        tpu.enqueue_dma source(%dma_start3A_68 : memref<56x128xi32, #tpu.memory_space<hbm>>) target(%dma_start3A_66 : memref<56x128xi32, #tpu.memory_space<vmem>>) target_semaphore(%run_scoped3A : memref<!tpu.dma_semaphore, #tpu.memory_space<semaphore_mem>>)
        %dma_wait3A_69 = arith.constant 0 : i32
        %dma_wait3A_70 = arith.constant 0 : i32
        %dma_wait3A_71 = tpu.memref_slice %arg8[%dma_wait3A_69, %dma_wait3A_70] : memref<101x128xi32, #tpu.memory_space<vmem>> -> memref<56x128xi32, #tpu.memory_space<vmem>>
        %dma_wait3A_72 = arith.constant 0 : i32
        %dma_wait3A_73 = tpu.memref_slice %arg3[%add3A_12, %dma_wait3A_72] : memref<2512x128xi32, #tpu.memory_space<hbm>> -> memref<56x128xi32, #tpu.memory_space<hbm>>
        %dma_wait3A_74 = arith.constant 0 : i32
        %dma_wait3A_75 = arith.constant 0 : i32
        %dma_wait3A_76 = tpu.memref_slice %arg8[%dma_wait3A_74, %dma_wait3A_75] : memref<101x128xi32, #tpu.memory_space<vmem>> -> memref<56x128xi32, #tpu.memory_space<vmem>>
        %dma_wait3A_77 = arith.constant 0 : i32
        %dma_wait3A_78 = tpu.memref_slice %arg3[%add3A_12, %dma_wait3A_77] : memref<2512x128xi32, #tpu.memory_space<hbm>> -> memref<56x128xi32, #tpu.memory_space<hbm>>
        tpu.wait_dma2 semaphore(%run_scoped3A : memref<!tpu.dma_semaphore, #tpu.memory_space<semaphore_mem>>) src(%dma_wait3A_78 : memref<56x128xi32, #tpu.memory_space<hbm>>) dst(%dma_wait3A_76 : memref<56x128xi32, #tpu.memory_space<vmem>>)
        tpu.yield
      }) : () -> ()
      %dma_start3A = arith.constant 0 : i32
      %dma_start3A_13 = arith.constant 0 : i32
      %dma_start3A_14 = tpu.memref_slice %arg7[%dma_start3A, %dma_start3A_13] : memref<101x128xi32, #tpu.memory_space<vmem>> -> memref<1x128xi32, #tpu.memory_space<vmem>>
      %dma_start3A_15 = tpu.memref_squeeze %dma_start3A_14 : memref<1x128xi32, #tpu.memory_space<vmem>> -> memref<128xi32, #tpu.memory_space<vmem>>
      %dma_start3A_16 = arith.constant 0 : i32
      %dma_start3A_17 = arith.constant 0 : i32
      %dma_start3A_18 = tpu.memref_slice %arg4[%dma_start3A_16, %dma_start3A_17] : memref<10000x128xbf16, #tpu.memory_space<hbm>> -> memref<10000x128xbf16, #tpu.memory_space<hbm>>
      tpu.enqueue_indirect_dma source(%dma_start3A_18 : memref<10000x128xbf16, #tpu.memory_space<hbm>>) target(%arg9 : memref<128x128xbf16, #tpu.memory_space<vmem>>) offsets(%dma_start3A_15 : memref<128xi32, #tpu.memory_space<vmem>>) semaphore(%arg14 : memref<!tpu.dma_semaphore, #tpu.memory_space<semaphore_mem>>)
      %dma_start3A_19 = arith.constant 1 : i32
      %dma_start3A_20 = arith.constant 0 : i32
      %dma_start3A_21 = tpu.memref_slice %arg7[%dma_start3A_19, %dma_start3A_20] : memref<101x128xi32, #tpu.memory_space<vmem>> -> memref<1x128xi32, #tpu.memory_space<vmem>>
      %dma_start3A_22 = tpu.memref_squeeze %dma_start3A_21 : memref<1x128xi32, #tpu.memory_space<vmem>> -> memref<128xi32, #tpu.memory_space<vmem>>
      %dma_start3A_23 = arith.constant 0 : i32
      %dma_start3A_24 = arith.constant 0 : i32
      %dma_start3A_25 = tpu.memref_slice %arg4[%dma_start3A_23, %dma_start3A_24] : memref<10000x128xbf16, #tpu.memory_space<hbm>> -> memref<10000x128xbf16, #tpu.memory_space<hbm>>
      tpu.enqueue_indirect_dma source(%dma_start3A_25 : memref<10000x128xbf16, #tpu.memory_space<hbm>>) target(%arg10 : memref<128x128xbf16, #tpu.memory_space<vmem>>) offsets(%dma_start3A_22 : memref<128xi32, #tpu.memory_space<vmem>>) semaphore(%arg15 : memref<!tpu.dma_semaphore, #tpu.memory_space<semaphore_mem>>)
      %scan3A = arith.constant 0 : i32
      %scan3A_26 = arith.constant 0 : i32
      %scan3A_27 = arith.constant 56 : i32
      %scan3A_28 = arith.addi %scan3A_26, %scan3A_27 : i32
      %scan3A_29 = arith.constant 1 : i32
      %scan3A_30 = scf.for %scan3A_59 = %scan3A_26 to %scan3A_28 step %scan3A_29 iter_args(%scan3A_60 = %scan3A) -> (i32)  : i32 {
        %rem3A = arith.constant 4 : i32
        %rem3A_61 = arith.remsi %scan3A_59, %rem3A : i32
        %eq3A_62 = arith.constant 0 : i32
        %eq3A_63 = arith.cmpi eq, %rem3A_61, %eq3A_62 : i32
        %convert_element_type3A_64 = arith.extui %eq3A_63 : i1 to i32
        %cond3A_65 = arith.constant 0 : i32
        %cond3A_66 = arith.cmpi ne, %convert_element_type3A_64, %cond3A_65 : i32
        scf.if %cond3A_66 {
          %dma_wait3A_83 = arith.constant 0 : i32
          %dma_wait3A_84 = tpu.memref_slice %arg7[%scan3A_59, %dma_wait3A_83] : memref<101x128xi32, #tpu.memory_space<vmem>> -> memref<1x128xi32, #tpu.memory_space<vmem>>
          %dma_wait3A_85 = tpu.memref_squeeze %dma_wait3A_84 : memref<1x128xi32, #tpu.memory_space<vmem>> -> memref<128xi32, #tpu.memory_space<vmem>>
          %dma_wait3A_86 = arith.constant 0 : i32
          %dma_wait3A_87 = arith.constant 0 : i32
          %dma_wait3A_88 = tpu.memref_slice %arg4[%dma_wait3A_86, %dma_wait3A_87] : memref<10000x128xbf16, #tpu.memory_space<hbm>> -> memref<10000x128xbf16, #tpu.memory_space<hbm>>
          tpu.wait_indirect_dma semaphore(%arg14 : memref<!tpu.dma_semaphore, #tpu.memory_space<semaphore_mem>>) src(%dma_wait3A_88 : memref<10000x128xbf16, #tpu.memory_space<hbm>>) dst(%arg9 : memref<128x128xbf16, #tpu.memory_space<vmem>>)
          %dma_start3A_89 = arith.constant 0 : i32
          %dma_start3A_90 = tpu.memref_slice %arg8[%scan3A_59, %dma_start3A_89] : memref<101x128xi32, #tpu.memory_space<vmem>> -> memref<1x128xi32, #tpu.memory_space<vmem>>
          %dma_start3A_91 = tpu.memref_squeeze %dma_start3A_90 : memref<1x128xi32, #tpu.memory_space<vmem>> -> memref<128xi32, #tpu.memory_space<vmem>>
          %dma_start3A_92 = arith.constant 0 : i32
          %dma_start3A_93 = arith.constant 0 : i32
          %dma_start3A_94 = tpu.memref_slice %arg13[%dma_start3A_92, %dma_start3A_93] : memref<10240x128xbf16, #tpu.memory_space<vmem_shared>> -> memref<10240x128xbf16, #tpu.memory_space<vmem_shared>>
          tpu.enqueue_indirect_dma source(%arg9 : memref<128x128xbf16, #tpu.memory_space<vmem>>) target(%dma_start3A_94 : memref<10240x128xbf16, #tpu.memory_space<vmem_shared>>) offsets(%dma_start3A_91 : memref<128xi32, #tpu.memory_space<vmem>>) semaphore(%arg18 : memref<!tpu.dma_semaphore, #tpu.memory_space<semaphore_mem>>) {add = true}
          %add3A_95 = arith.constant 2 : i32
          %add3A_96 = arith.addi %scan3A_59, %add3A_95 : i32
          %lt3A = arith.constant 56 : i32
          %lt3A_97 = arith.cmpi slt, %add3A_96, %lt3A : i32
          %convert_element_type3A_98 = arith.extui %lt3A_97 : i1 to i32
          %cond3A_99 = arith.constant 0 : i32
          %cond3A_100 = arith.cmpi ne, %convert_element_type3A_98, %cond3A_99 : i32
          scf.if %cond3A_100 {
            %ge3A = arith.constant 2 : i32
            %ge3A_101 = arith.cmpi sge, %scan3A_59, %ge3A : i32
            %convert_element_type3A_102 = arith.extui %ge3A_101 : i1 to i32
            %cond3A_103 = arith.constant 0 : i32
            %cond3A_104 = arith.cmpi ne, %convert_element_type3A_102, %cond3A_103 : i32
            scf.if %cond3A_104 {
              %dma_wait3A_113 = arith.constant 0 : i32
              %dma_wait3A_114 = tpu.memref_slice %arg8[%scan3A_59, %dma_wait3A_113] : memref<101x128xi32, #tpu.memory_space<vmem>> -> memref<1x128xi32, #tpu.memory_space<vmem>>
              %dma_wait3A_115 = tpu.memref_squeeze %dma_wait3A_114 : memref<1x128xi32, #tpu.memory_space<vmem>> -> memref<128xi32, #tpu.memory_space<vmem>>
              %dma_wait3A_116 = arith.constant 0 : i32
              %dma_wait3A_117 = arith.constant 0 : i32
              %dma_wait3A_118 = tpu.memref_slice %arg13[%dma_wait3A_116, %dma_wait3A_117] : memref<10240x128xbf16, #tpu.memory_space<vmem_shared>> -> memref<10240x128xbf16, #tpu.memory_space<vmem_shared>>
              tpu.wait_indirect_dma semaphore(%arg20 : memref<!tpu.dma_semaphore, #tpu.memory_space<semaphore_mem>>) src(%arg11 : memref<128x128xbf16, #tpu.memory_space<vmem>>) dst(%dma_wait3A_118 : memref<10240x128xbf16, #tpu.memory_space<vmem_shared>>)
            } else {
            }
            %add3A_105 = arith.constant 2 : i32
            %add3A_106 = arith.addi %scan3A_59, %add3A_105 : i32
            %dma_start3A_107 = arith.constant 0 : i32
            %dma_start3A_108 = tpu.memref_slice %arg7[%add3A_106, %dma_start3A_107] : memref<101x128xi32, #tpu.memory_space<vmem>> -> memref<1x128xi32, #tpu.memory_space<vmem>>
            %dma_start3A_109 = tpu.memref_squeeze %dma_start3A_108 : memref<1x128xi32, #tpu.memory_space<vmem>> -> memref<128xi32, #tpu.memory_space<vmem>>
            %dma_start3A_110 = arith.constant 0 : i32
            %dma_start3A_111 = arith.constant 0 : i32
            %dma_start3A_112 = tpu.memref_slice %arg4[%dma_start3A_110, %dma_start3A_111] : memref<10000x128xbf16, #tpu.memory_space<hbm>> -> memref<10000x128xbf16, #tpu.memory_space<hbm>>
            tpu.enqueue_indirect_dma source(%dma_start3A_112 : memref<10000x128xbf16, #tpu.memory_space<hbm>>) target(%arg11 : memref<128x128xbf16, #tpu.memory_space<vmem>>) offsets(%dma_start3A_109 : memref<128xi32, #tpu.memory_space<vmem>>) semaphore(%arg16 : memref<!tpu.dma_semaphore, #tpu.memory_space<semaphore_mem>>)
          } else {
          }
        } else {
        }
        %eq3A_67 = arith.constant 1 : i32
        %eq3A_68 = arith.cmpi eq, %rem3A_61, %eq3A_67 : i32
        %convert_element_type3A_69 = arith.extui %eq3A_68 : i1 to i32
        %cond3A_70 = arith.constant 0 : i32
        %cond3A_71 = arith.cmpi ne, %convert_element_type3A_69, %cond3A_70 : i32
        scf.if %cond3A_71 {
          %dma_wait3A_83 = arith.constant 0 : i32
          %dma_wait3A_84 = tpu.memref_slice %arg7[%scan3A_59, %dma_wait3A_83] : memref<101x128xi32, #tpu.memory_space<vmem>> -> memref<1x128xi32, #tpu.memory_space<vmem>>
          %dma_wait3A_85 = tpu.memref_squeeze %dma_wait3A_84 : memref<1x128xi32, #tpu.memory_space<vmem>> -> memref<128xi32, #tpu.memory_space<vmem>>
          %dma_wait3A_86 = arith.constant 0 : i32
          %dma_wait3A_87 = arith.constant 0 : i32
          %dma_wait3A_88 = tpu.memref_slice %arg4[%dma_wait3A_86, %dma_wait3A_87] : memref<10000x128xbf16, #tpu.memory_space<hbm>> -> memref<10000x128xbf16, #tpu.memory_space<hbm>>
          tpu.wait_indirect_dma semaphore(%arg15 : memref<!tpu.dma_semaphore, #tpu.memory_space<semaphore_mem>>) src(%dma_wait3A_88 : memref<10000x128xbf16, #tpu.memory_space<hbm>>) dst(%arg10 : memref<128x128xbf16, #tpu.memory_space<vmem>>)
          %dma_start3A_89 = arith.constant 0 : i32
          %dma_start3A_90 = tpu.memref_slice %arg8[%scan3A_59, %dma_start3A_89] : memref<101x128xi32, #tpu.memory_space<vmem>> -> memref<1x128xi32, #tpu.memory_space<vmem>>
          %dma_start3A_91 = tpu.memref_squeeze %dma_start3A_90 : memref<1x128xi32, #tpu.memory_space<vmem>> -> memref<128xi32, #tpu.memory_space<vmem>>
          %dma_start3A_92 = arith.constant 0 : i32
          %dma_start3A_93 = arith.constant 0 : i32
          %dma_start3A_94 = tpu.memref_slice %arg13[%dma_start3A_92, %dma_start3A_93] : memref<10240x128xbf16, #tpu.memory_space<vmem_shared>> -> memref<10240x128xbf16, #tpu.memory_space<vmem_shared>>
          tpu.enqueue_indirect_dma source(%arg10 : memref<128x128xbf16, #tpu.memory_space<vmem>>) target(%dma_start3A_94 : memref<10240x128xbf16, #tpu.memory_space<vmem_shared>>) offsets(%dma_start3A_91 : memref<128xi32, #tpu.memory_space<vmem>>) semaphore(%arg19 : memref<!tpu.dma_semaphore, #tpu.memory_space<semaphore_mem>>) {add = true}
          %add3A_95 = arith.constant 2 : i32
          %add3A_96 = arith.addi %scan3A_59, %add3A_95 : i32
          %lt3A = arith.constant 56 : i32
          %lt3A_97 = arith.cmpi slt, %add3A_96, %lt3A : i32
          %convert_element_type3A_98 = arith.extui %lt3A_97 : i1 to i32
          %cond3A_99 = arith.constant 0 : i32
          %cond3A_100 = arith.cmpi ne, %convert_element_type3A_98, %cond3A_99 : i32
          scf.if %cond3A_100 {
            %ge3A = arith.constant 2 : i32
            %ge3A_101 = arith.cmpi sge, %scan3A_59, %ge3A : i32
            %convert_element_type3A_102 = arith.extui %ge3A_101 : i1 to i32
            %cond3A_103 = arith.constant 0 : i32
            %cond3A_104 = arith.cmpi ne, %convert_element_type3A_102, %cond3A_103 : i32
            scf.if %cond3A_104 {
              %dma_wait3A_113 = arith.constant 0 : i32
              %dma_wait3A_114 = tpu.memref_slice %arg8[%scan3A_59, %dma_wait3A_113] : memref<101x128xi32, #tpu.memory_space<vmem>> -> memref<1x128xi32, #tpu.memory_space<vmem>>
              %dma_wait3A_115 = tpu.memref_squeeze %dma_wait3A_114 : memref<1x128xi32, #tpu.memory_space<vmem>> -> memref<128xi32, #tpu.memory_space<vmem>>
              %dma_wait3A_116 = arith.constant 0 : i32
              %dma_wait3A_117 = arith.constant 0 : i32
              %dma_wait3A_118 = tpu.memref_slice %arg13[%dma_wait3A_116, %dma_wait3A_117] : memref<10240x128xbf16, #tpu.memory_space<vmem_shared>> -> memref<10240x128xbf16, #tpu.memory_space<vmem_shared>>
              tpu.wait_indirect_dma semaphore(%arg21 : memref<!tpu.dma_semaphore, #tpu.memory_space<semaphore_mem>>) src(%arg12 : memref<128x128xbf16, #tpu.memory_space<vmem>>) dst(%dma_wait3A_118 : memref<10240x128xbf16, #tpu.memory_space<vmem_shared>>)
            } else {
            }
            %add3A_105 = arith.constant 2 : i32
            %add3A_106 = arith.addi %scan3A_59, %add3A_105 : i32
            %dma_start3A_107 = arith.constant 0 : i32
            %dma_start3A_108 = tpu.memref_slice %arg7[%add3A_106, %dma_start3A_107] : memref<101x128xi32, #tpu.memory_space<vmem>> -> memref<1x128xi32, #tpu.memory_space<vmem>>
            %dma_start3A_109 = tpu.memref_squeeze %dma_start3A_108 : memref<1x128xi32, #tpu.memory_space<vmem>> -> memref<128xi32, #tpu.memory_space<vmem>>
            %dma_start3A_110 = arith.constant 0 : i32
            %dma_start3A_111 = arith.constant 0 : i32
            %dma_start3A_112 = tpu.memref_slice %arg4[%dma_start3A_110, %dma_start3A_111] : memref<10000x128xbf16, #tpu.memory_space<hbm>> -> memref<10000x128xbf16, #tpu.memory_space<hbm>>
            tpu.enqueue_indirect_dma source(%dma_start3A_112 : memref<10000x128xbf16, #tpu.memory_space<hbm>>) target(%arg12 : memref<128x128xbf16, #tpu.memory_space<vmem>>) offsets(%dma_start3A_109 : memref<128xi32, #tpu.memory_space<vmem>>) semaphore(%arg17 : memref<!tpu.dma_semaphore, #tpu.memory_space<semaphore_mem>>)
          } else {
          }
        } else {
        }
        %eq3A_72 = arith.constant 2 : i32
        %eq3A_73 = arith.cmpi eq, %rem3A_61, %eq3A_72 : i32
        %convert_element_type3A_74 = arith.extui %eq3A_73 : i1 to i32
        %cond3A_75 = arith.constant 0 : i32
        %cond3A_76 = arith.cmpi ne, %convert_element_type3A_74, %cond3A_75 : i32
        scf.if %cond3A_76 {
          %dma_wait3A_83 = arith.constant 0 : i32
          %dma_wait3A_84 = tpu.memref_slice %arg7[%scan3A_59, %dma_wait3A_83] : memref<101x128xi32, #tpu.memory_space<vmem>> -> memref<1x128xi32, #tpu.memory_space<vmem>>
          %dma_wait3A_85 = tpu.memref_squeeze %dma_wait3A_84 : memref<1x128xi32, #tpu.memory_space<vmem>> -> memref<128xi32, #tpu.memory_space<vmem>>
          %dma_wait3A_86 = arith.constant 0 : i32
          %dma_wait3A_87 = arith.constant 0 : i32
          %dma_wait3A_88 = tpu.memref_slice %arg4[%dma_wait3A_86, %dma_wait3A_87] : memref<10000x128xbf16, #tpu.memory_space<hbm>> -> memref<10000x128xbf16, #tpu.memory_space<hbm>>
          tpu.wait_indirect_dma semaphore(%arg16 : memref<!tpu.dma_semaphore, #tpu.memory_space<semaphore_mem>>) src(%dma_wait3A_88 : memref<10000x128xbf16, #tpu.memory_space<hbm>>) dst(%arg11 : memref<128x128xbf16, #tpu.memory_space<vmem>>)
          %dma_start3A_89 = arith.constant 0 : i32
          %dma_start3A_90 = tpu.memref_slice %arg8[%scan3A_59, %dma_start3A_89] : memref<101x128xi32, #tpu.memory_space<vmem>> -> memref<1x128xi32, #tpu.memory_space<vmem>>
          %dma_start3A_91 = tpu.memref_squeeze %dma_start3A_90 : memref<1x128xi32, #tpu.memory_space<vmem>> -> memref<128xi32, #tpu.memory_space<vmem>>
          %dma_start3A_92 = arith.constant 0 : i32
          %dma_start3A_93 = arith.constant 0 : i32
          %dma_start3A_94 = tpu.memref_slice %arg13[%dma_start3A_92, %dma_start3A_93] : memref<10240x128xbf16, #tpu.memory_space<vmem_shared>> -> memref<10240x128xbf16, #tpu.memory_space<vmem_shared>>
          tpu.enqueue_indirect_dma source(%arg11 : memref<128x128xbf16, #tpu.memory_space<vmem>>) target(%dma_start3A_94 : memref<10240x128xbf16, #tpu.memory_space<vmem_shared>>) offsets(%dma_start3A_91 : memref<128xi32, #tpu.memory_space<vmem>>) semaphore(%arg20 : memref<!tpu.dma_semaphore, #tpu.memory_space<semaphore_mem>>) {add = true}
          %add3A_95 = arith.constant 2 : i32
          %add3A_96 = arith.addi %scan3A_59, %add3A_95 : i32
          %lt3A = arith.constant 56 : i32
          %lt3A_97 = arith.cmpi slt, %add3A_96, %lt3A : i32
          %convert_element_type3A_98 = arith.extui %lt3A_97 : i1 to i32
          %cond3A_99 = arith.constant 0 : i32
          %cond3A_100 = arith.cmpi ne, %convert_element_type3A_98, %cond3A_99 : i32
          scf.if %cond3A_100 {
            %ge3A = arith.constant 2 : i32
            %ge3A_101 = arith.cmpi sge, %scan3A_59, %ge3A : i32
            %convert_element_type3A_102 = arith.extui %ge3A_101 : i1 to i32
            %cond3A_103 = arith.constant 0 : i32
            %cond3A_104 = arith.cmpi ne, %convert_element_type3A_102, %cond3A_103 : i32
            scf.if %cond3A_104 {
              %dma_wait3A_113 = arith.constant 0 : i32
              %dma_wait3A_114 = tpu.memref_slice %arg8[%scan3A_59, %dma_wait3A_113] : memref<101x128xi32, #tpu.memory_space<vmem>> -> memref<1x128xi32, #tpu.memory_space<vmem>>
              %dma_wait3A_115 = tpu.memref_squeeze %dma_wait3A_114 : memref<1x128xi32, #tpu.memory_space<vmem>> -> memref<128xi32, #tpu.memory_space<vmem>>
              %dma_wait3A_116 = arith.constant 0 : i32
              %dma_wait3A_117 = arith.constant 0 : i32
              %dma_wait3A_118 = tpu.memref_slice %arg13[%dma_wait3A_116, %dma_wait3A_117] : memref<10240x128xbf16, #tpu.memory_space<vmem_shared>> -> memref<10240x128xbf16, #tpu.memory_space<vmem_shared>>
              tpu.wait_indirect_dma semaphore(%arg18 : memref<!tpu.dma_semaphore, #tpu.memory_space<semaphore_mem>>) src(%arg9 : memref<128x128xbf16, #tpu.memory_space<vmem>>) dst(%dma_wait3A_118 : memref<10240x128xbf16, #tpu.memory_space<vmem_shared>>)
            } else {
            }
            %add3A_105 = arith.constant 2 : i32
            %add3A_106 = arith.addi %scan3A_59, %add3A_105 : i32
            %dma_start3A_107 = arith.constant 0 : i32
            %dma_start3A_108 = tpu.memref_slice %arg7[%add3A_106, %dma_start3A_107] : memref<101x128xi32, #tpu.memory_space<vmem>> -> memref<1x128xi32, #tpu.memory_space<vmem>>
            %dma_start3A_109 = tpu.memref_squeeze %dma_start3A_108 : memref<1x128xi32, #tpu.memory_space<vmem>> -> memref<128xi32, #tpu.memory_space<vmem>>
            %dma_start3A_110 = arith.constant 0 : i32
            %dma_start3A_111 = arith.constant 0 : i32
            %dma_start3A_112 = tpu.memref_slice %arg4[%dma_start3A_110, %dma_start3A_111] : memref<10000x128xbf16, #tpu.memory_space<hbm>> -> memref<10000x128xbf16, #tpu.memory_space<hbm>>
            tpu.enqueue_indirect_dma source(%dma_start3A_112 : memref<10000x128xbf16, #tpu.memory_space<hbm>>) target(%arg9 : memref<128x128xbf16, #tpu.memory_space<vmem>>) offsets(%dma_start3A_109 : memref<128xi32, #tpu.memory_space<vmem>>) semaphore(%arg14 : memref<!tpu.dma_semaphore, #tpu.memory_space<semaphore_mem>>)
          } else {
          }
        } else {
        }
        %eq3A_77 = arith.constant 3 : i32
        %eq3A_78 = arith.cmpi eq, %rem3A_61, %eq3A_77 : i32
        %convert_element_type3A_79 = arith.extui %eq3A_78 : i1 to i32
        %cond3A_80 = arith.constant 0 : i32
        %cond3A_81 = arith.cmpi ne, %convert_element_type3A_79, %cond3A_80 : i32
        scf.if %cond3A_81 {
          %dma_wait3A_83 = arith.constant 0 : i32
          %dma_wait3A_84 = tpu.memref_slice %arg7[%scan3A_59, %dma_wait3A_83] : memref<101x128xi32, #tpu.memory_space<vmem>> -> memref<1x128xi32, #tpu.memory_space<vmem>>
          %dma_wait3A_85 = tpu.memref_squeeze %dma_wait3A_84 : memref<1x128xi32, #tpu.memory_space<vmem>> -> memref<128xi32, #tpu.memory_space<vmem>>
          %dma_wait3A_86 = arith.constant 0 : i32
          %dma_wait3A_87 = arith.constant 0 : i32
          %dma_wait3A_88 = tpu.memref_slice %arg4[%dma_wait3A_86, %dma_wait3A_87] : memref<10000x128xbf16, #tpu.memory_space<hbm>> -> memref<10000x128xbf16, #tpu.memory_space<hbm>>
          tpu.wait_indirect_dma semaphore(%arg17 : memref<!tpu.dma_semaphore, #tpu.memory_space<semaphore_mem>>) src(%dma_wait3A_88 : memref<10000x128xbf16, #tpu.memory_space<hbm>>) dst(%arg12 : memref<128x128xbf16, #tpu.memory_space<vmem>>)
          %dma_start3A_89 = arith.constant 0 : i32
          %dma_start3A_90 = tpu.memref_slice %arg8[%scan3A_59, %dma_start3A_89] : memref<101x128xi32, #tpu.memory_space<vmem>> -> memref<1x128xi32, #tpu.memory_space<vmem>>
          %dma_start3A_91 = tpu.memref_squeeze %dma_start3A_90 : memref<1x128xi32, #tpu.memory_space<vmem>> -> memref<128xi32, #tpu.memory_space<vmem>>
          %dma_start3A_92 = arith.constant 0 : i32
          %dma_start3A_93 = arith.constant 0 : i32
          %dma_start3A_94 = tpu.memref_slice %arg13[%dma_start3A_92, %dma_start3A_93] : memref<10240x128xbf16, #tpu.memory_space<vmem_shared>> -> memref<10240x128xbf16, #tpu.memory_space<vmem_shared>>
          tpu.enqueue_indirect_dma source(%arg12 : memref<128x128xbf16, #tpu.memory_space<vmem>>) target(%dma_start3A_94 : memref<10240x128xbf16, #tpu.memory_space<vmem_shared>>) offsets(%dma_start3A_91 : memref<128xi32, #tpu.memory_space<vmem>>) semaphore(%arg21 : memref<!tpu.dma_semaphore, #tpu.memory_space<semaphore_mem>>) {add = true}
          %add3A_95 = arith.constant 2 : i32
          %add3A_96 = arith.addi %scan3A_59, %add3A_95 : i32
          %lt3A = arith.constant 56 : i32
          %lt3A_97 = arith.cmpi slt, %add3A_96, %lt3A : i32
          %convert_element_type3A_98 = arith.extui %lt3A_97 : i1 to i32
          %cond3A_99 = arith.constant 0 : i32
          %cond3A_100 = arith.cmpi ne, %convert_element_type3A_98, %cond3A_99 : i32
          scf.if %cond3A_100 {
            %ge3A = arith.constant 2 : i32
            %ge3A_101 = arith.cmpi sge, %scan3A_59, %ge3A : i32
            %convert_element_type3A_102 = arith.extui %ge3A_101 : i1 to i32
            %cond3A_103 = arith.constant 0 : i32
            %cond3A_104 = arith.cmpi ne, %convert_element_type3A_102, %cond3A_103 : i32
            scf.if %cond3A_104 {
              %dma_wait3A_113 = arith.constant 0 : i32
              %dma_wait3A_114 = tpu.memref_slice %arg8[%scan3A_59, %dma_wait3A_113] : memref<101x128xi32, #tpu.memory_space<vmem>> -> memref<1x128xi32, #tpu.memory_space<vmem>>
              %dma_wait3A_115 = tpu.memref_squeeze %dma_wait3A_114 : memref<1x128xi32, #tpu.memory_space<vmem>> -> memref<128xi32, #tpu.memory_space<vmem>>
              %dma_wait3A_116 = arith.constant 0 : i32
              %dma_wait3A_117 = arith.constant 0 : i32
              %dma_wait3A_118 = tpu.memref_slice %arg13[%dma_wait3A_116, %dma_wait3A_117] : memref<10240x128xbf16, #tpu.memory_space<vmem_shared>> -> memref<10240x128xbf16, #tpu.memory_space<vmem_shared>>
              tpu.wait_indirect_dma semaphore(%arg19 : memref<!tpu.dma_semaphore, #tpu.memory_space<semaphore_mem>>) src(%arg10 : memref<128x128xbf16, #tpu.memory_space<vmem>>) dst(%dma_wait3A_118 : memref<10240x128xbf16, #tpu.memory_space<vmem_shared>>)
            } else {
            }
            %add3A_105 = arith.constant 2 : i32
            %add3A_106 = arith.addi %scan3A_59, %add3A_105 : i32
            %dma_start3A_107 = arith.constant 0 : i32
            %dma_start3A_108 = tpu.memref_slice %arg7[%add3A_106, %dma_start3A_107] : memref<101x128xi32, #tpu.memory_space<vmem>> -> memref<1x128xi32, #tpu.memory_space<vmem>>
            %dma_start3A_109 = tpu.memref_squeeze %dma_start3A_108 : memref<1x128xi32, #tpu.memory_space<vmem>> -> memref<128xi32, #tpu.memory_space<vmem>>
            %dma_start3A_110 = arith.constant 0 : i32
            %dma_start3A_111 = arith.constant 0 : i32
            %dma_start3A_112 = tpu.memref_slice %arg4[%dma_start3A_110, %dma_start3A_111] : memref<10000x128xbf16, #tpu.memory_space<hbm>> -> memref<10000x128xbf16, #tpu.memory_space<hbm>>
            tpu.enqueue_indirect_dma source(%dma_start3A_112 : memref<10000x128xbf16, #tpu.memory_space<hbm>>) target(%arg10 : memref<128x128xbf16, #tpu.memory_space<vmem>>) offsets(%dma_start3A_109 : memref<128xi32, #tpu.memory_space<vmem>>) semaphore(%arg15 : memref<!tpu.dma_semaphore, #tpu.memory_space<semaphore_mem>>)
          } else {
          }
        } else {
        }
        %scan3A_82 = arith.constant 0 : i32
        scf.yield %scan3A_82 : i32
      }
      %scan3A_31 = arith.constant 56 : i32
      %dma_wait3A = arith.constant 52 : i32
      %dma_wait3A_32 = arith.constant 0 : i32
      %dma_wait3A_33 = tpu.memref_slice %arg8[%dma_wait3A, %dma_wait3A_32] : memref<101x128xi32, #tpu.memory_space<vmem>> -> memref<1x128xi32, #tpu.memory_space<vmem>>
      %dma_wait3A_34 = tpu.memref_squeeze %dma_wait3A_33 : memref<1x128xi32, #tpu.memory_space<vmem>> -> memref<128xi32, #tpu.memory_space<vmem>>
      %dma_wait3A_35 = arith.constant 0 : i32
      %dma_wait3A_36 = arith.constant 0 : i32
      %dma_wait3A_37 = tpu.memref_slice %arg13[%dma_wait3A_35, %dma_wait3A_36] : memref<10240x128xbf16, #tpu.memory_space<vmem_shared>> -> memref<10240x128xbf16, #tpu.memory_space<vmem_shared>>
      tpu.wait_indirect_dma semaphore(%arg18 : memref<!tpu.dma_semaphore, #tpu.memory_space<semaphore_mem>>) src(%arg9 : memref<128x128xbf16, #tpu.memory_space<vmem>>) dst(%dma_wait3A_37 : memref<10240x128xbf16, #tpu.memory_space<vmem_shared>>)
      %dma_wait3A_38 = arith.constant 53 : i32
      %dma_wait3A_39 = arith.constant 0 : i32
      %dma_wait3A_40 = tpu.memref_slice %arg8[%dma_wait3A_38, %dma_wait3A_39] : memref<101x128xi32, #tpu.memory_space<vmem>> -> memref<1x128xi32, #tpu.memory_space<vmem>>
      %dma_wait3A_41 = tpu.memref_squeeze %dma_wait3A_40 : memref<1x128xi32, #tpu.memory_space<vmem>> -> memref<128xi32, #tpu.memory_space<vmem>>
      %dma_wait3A_42 = arith.constant 0 : i32
      %dma_wait3A_43 = arith.constant 0 : i32
      %dma_wait3A_44 = tpu.memref_slice %arg13[%dma_wait3A_42, %dma_wait3A_43] : memref<10240x128xbf16, #tpu.memory_space<vmem_shared>> -> memref<10240x128xbf16, #tpu.memory_space<vmem_shared>>
      tpu.wait_indirect_dma semaphore(%arg19 : memref<!tpu.dma_semaphore, #tpu.memory_space<semaphore_mem>>) src(%arg10 : memref<128x128xbf16, #tpu.memory_space<vmem>>) dst(%dma_wait3A_44 : memref<10240x128xbf16, #tpu.memory_space<vmem_shared>>)
      %dma_wait3A_45 = arith.constant 54 : i32
      %dma_wait3A_46 = arith.constant 0 : i32
      %dma_wait3A_47 = tpu.memref_slice %arg8[%dma_wait3A_45, %dma_wait3A_46] : memref<101x128xi32, #tpu.memory_space<vmem>> -> memref<1x128xi32, #tpu.memory_space<vmem>>
      %dma_wait3A_48 = tpu.memref_squeeze %dma_wait3A_47 : memref<1x128xi32, #tpu.memory_space<vmem>> -> memref<128xi32, #tpu.memory_space<vmem>>
      %dma_wait3A_49 = arith.constant 0 : i32
      %dma_wait3A_50 = arith.constant 0 : i32
      %dma_wait3A_51 = tpu.memref_slice %arg13[%dma_wait3A_49, %dma_wait3A_50] : memref<10240x128xbf16, #tpu.memory_space<vmem_shared>> -> memref<10240x128xbf16, #tpu.memory_space<vmem_shared>>
      tpu.wait_indirect_dma semaphore(%arg20 : memref<!tpu.dma_semaphore, #tpu.memory_space<semaphore_mem>>) src(%arg11 : memref<128x128xbf16, #tpu.memory_space<vmem>>) dst(%dma_wait3A_51 : memref<10240x128xbf16, #tpu.memory_space<vmem_shared>>)
      %dma_wait3A_52 = arith.constant 55 : i32
      %dma_wait3A_53 = arith.constant 0 : i32
      %dma_wait3A_54 = tpu.memref_slice %arg8[%dma_wait3A_52, %dma_wait3A_53] : memref<101x128xi32, #tpu.memory_space<vmem>> -> memref<1x128xi32, #tpu.memory_space<vmem>>
      %dma_wait3A_55 = tpu.memref_squeeze %dma_wait3A_54 : memref<1x128xi32, #tpu.memory_space<vmem>> -> memref<128xi32, #tpu.memory_space<vmem>>
      %dma_wait3A_56 = arith.constant 0 : i32
      %dma_wait3A_57 = arith.constant 0 : i32
      %dma_wait3A_58 = tpu.memref_slice %arg13[%dma_wait3A_56, %dma_wait3A_57] : memref<10240x128xbf16, #tpu.memory_space<vmem_shared>> -> memref<10240x128xbf16, #tpu.memory_space<vmem_shared>>
      tpu.wait_indirect_dma semaphore(%arg21 : memref<!tpu.dma_semaphore, #tpu.memory_space<semaphore_mem>>) src(%arg12 : memref<128x128xbf16, #tpu.memory_space<vmem>>) dst(%dma_wait3A_58 : memref<10240x128xbf16, #tpu.memory_space<vmem_shared>>)
    } else {
    }
    %barrier3A_9 = arith.constant 0 : index
    tpu.barrier barrier_id(%barrier3A_9)
    "tpu.region"() ({
      %run_scoped3A = tpu.sem_alloc : memref<!tpu.dma_semaphore, #tpu.memory_space<semaphore_mem>>
      %dma_start3A = arith.constant 0 : i32
      %dma_start3A_10 = tpu.memref_slice %arg6[%arg0, %mul3A_0, %dma_start3A] : memref<2x10240x128xbf16, #tpu.memory_space<hbm>> -> memref<1x640x128xbf16, #tpu.memory_space<hbm>>
      %dma_start3A_11 = tpu.memref_squeeze %dma_start3A_10 : memref<1x640x128xbf16, #tpu.memory_space<hbm>> -> memref<640x128xbf16, #tpu.memory_space<hbm>>
      %dma_start3A_12 = arith.constant 0 : i32
      %dma_start3A_13 = tpu.memref_slice %arg13[%mul3A_0, %dma_start3A_12] : memref<10240x128xbf16, #tpu.memory_space<vmem_shared>> -> memref<640x128xbf16, #tpu.memory_space<vmem_shared>>
      tpu.enqueue_dma source(%dma_start3A_13 : memref<640x128xbf16, #tpu.memory_space<vmem_shared>>) target(%dma_start3A_11 : memref<640x128xbf16, #tpu.memory_space<hbm>>) target_semaphore(%run_scoped3A : memref<!tpu.dma_semaphore, #tpu.memory_space<semaphore_mem>>)
      %dma_wait3A = arith.constant 0 : i32
      %dma_wait3A_14 = tpu.memref_slice %arg6[%arg0, %mul3A_0, %dma_wait3A] : memref<2x10240x128xbf16, #tpu.memory_space<hbm>> -> memref<1x640x128xbf16, #tpu.memory_space<hbm>>
      %dma_wait3A_15 = tpu.memref_squeeze %dma_wait3A_14 : memref<1x640x128xbf16, #tpu.memory_space<hbm>> -> memref<640x128xbf16, #tpu.memory_space<hbm>>
      %dma_wait3A_16 = arith.constant 0 : i32
      %dma_wait3A_17 = tpu.memref_slice %arg13[%mul3A_0, %dma_wait3A_16] : memref<10240x128xbf16, #tpu.memory_space<vmem_shared>> -> memref<640x128xbf16, #tpu.memory_space<vmem_shared>>
      tpu.wait_dma2 semaphore(%run_scoped3A : memref<!tpu.dma_semaphore, #tpu.memory_space<semaphore_mem>>) src(%dma_wait3A_17 : memref<640x128xbf16, #tpu.memory_space<vmem_shared>>) dst(%dma_wait3A_15 : memref<640x128xbf16, #tpu.memory_space<hbm>>)
      tpu.yield
    }) : () -> ()
    return
  }
}

module attributes {stable_mosaic.version = 14 : i64} {
  func.func @_mm2_body(%arg0: i32, %arg1: memref<2048x128xf32, #tpu.memory_space<vmem>>, %arg2: memref<128x128xf32, #tpu.memory_space<vmem>>, %arg3: memref<128x128xf32, #tpu.memory_space<vmem>>, %arg4: memref<1x128xf32, #tpu.memory_space<vmem>>, %arg5: memref<2048x128xbf16, #tpu.memory_space<vmem>>, %arg6: memref<2048x128xbf16, #tpu.memory_space<vmem>>) attributes {dimension_semantics = [#tpu.dimension_semantics<arbitrary>], iteration_bounds = array<i64: 5>, scalar_prefetch = 0 : i64, scratch_operands = 0 : i64, tpu.core_type = #tpu.core_type<tc>, window_params = [{transform_indices = @transform_0, window_bounds = array<i64: 2048, 128>}, {pipeline_mode = #tpu.pipeline_mode<synchronous>, transform_indices = @transform_1, window_bounds = array<i64: 128, 128>}, {pipeline_mode = #tpu.pipeline_mode<synchronous>, transform_indices = @transform_2, window_bounds = array<i64: 128, 128>}, {pipeline_mode = #tpu.pipeline_mode<synchronous>, transform_indices = @transform_3, window_bounds = array<i64: 1, 128>}, {transform_indices = @transform_4, window_bounds = array<i64: 2048, 128>}, {transform_indices = @transform_5, window_bounds = array<i64: 2048, 128>}]} {
    %get3A = arith.constant 0 : index
    %get3A_0 = arith.constant 0 : index
    %get3A_1 = vector.load %arg1[%get3A, %get3A_0] : memref<2048x128xf32, #tpu.memory_space<vmem>>, vector<2048x128xf32>
    %get3A_2 = arith.constant 0 : index
    %get3A_3 = arith.constant 0 : index
    %get3A_4 = vector.load %arg2[%get3A_2, %get3A_3] : memref<128x128xf32, #tpu.memory_space<vmem>>, vector<128x128xf32>
    %dot_general3A = arith.constant dense<0.000000e+00> : vector<2048x128xf32>
    %dot_general3A_5 = tpu.matmul %get3A_1, %get3A_4, %dot_general3A {dimension_numbers = #tpu.dot_dimension_numbers<[1], [0], [0], [1], [0, 0, 1, 1], [], []>, transpose_lhs_hint = false} : vector<2048x128xf32>, vector<128x128xf32>, vector<2048x128xf32> -> vector<2048x128xf32>
    %convert_element_type3A = arith.truncf %dot_general3A_5 : vector<2048x128xf32> to vector<2048x128xbf16>
    %swap3A = arith.constant 0 : index
    %swap3A_6 = arith.constant 0 : index
    %swap3A_7 = vector.load %arg5[%swap3A, %swap3A_6] : memref<2048x128xbf16, #tpu.memory_space<vmem>>, vector<2048x128xbf16>
    tpu.vector_store %arg5[%swap3A, %swap3A_6], %convert_element_type3A {strides = array<i32>} : memref<2048x128xbf16, #tpu.memory_space<vmem>>, vector<2048x128xbf16>,
    %get3A_8 = arith.constant 0 : index
    %get3A_9 = arith.constant 0 : index
    %get3A_10 = vector.load %arg3[%get3A_8, %get3A_9] : memref<128x128xf32, #tpu.memory_space<vmem>>, vector<128x128xf32>
    %dot_general3A_11 = arith.constant dense<0.000000e+00> : vector<2048x128xf32>
    %dot_general3A_12 = tpu.matmul %get3A_1, %get3A_10, %dot_general3A_11 {dimension_numbers = #tpu.dot_dimension_numbers<[1], [0], [0], [1], [0, 0, 1, 1], [], []>, transpose_lhs_hint = false} : vector<2048x128xf32>, vector<128x128xf32>, vector<2048x128xf32> -> vector<2048x128xf32>
    %get3A_13 = arith.constant 0 : index
    %get3A_14 = arith.constant 0 : index
    %get3A_15 = vector.load %arg4[%get3A_13, %get3A_14] : memref<1x128xf32, #tpu.memory_space<vmem>>, vector<1x128xf32>
    %add3A = vector.broadcast %get3A_15 : vector<1x128xf32> to vector<2048x128xf32>
    %add3A_16 = arith.addf %dot_general3A_12, %add3A : vector<2048x128xf32>
    %convert_element_type3A_17 = arith.truncf %add3A_16 : vector<2048x128xf32> to vector<2048x128xbf16>
    %swap3A_18 = arith.constant 0 : index
    %swap3A_19 = arith.constant 0 : index
    %swap3A_20 = vector.load %arg6[%swap3A_18, %swap3A_19] : memref<2048x128xbf16, #tpu.memory_space<vmem>>, vector<2048x128xbf16>
    tpu.vector_store %arg6[%swap3A_18, %swap3A_19], %convert_element_type3A_17 {strides = array<i32>} : memref<2048x128xbf16, #tpu.memory_space<vmem>>, vector<2048x128xbf16>,
    return
  }
  func.func @transform_0(%arg0: i32) -> (i32, i32) {
    %c0_i32 = arith.constant 0 : i32
    %c0_i32_0 = arith.constant 0 : i32
    return %arg0, %c0_i32 : i32, i32
  }
  func.func @transform_1(%arg0: i32) -> (i32, i32) {
    %c0_i32 = arith.constant 0 : i32
    %c0_i32_0 = arith.constant 0 : i32
    %c0_i32_1 = arith.constant 0 : i32
    return %c0_i32, %c0_i32_0 : i32, i32
  }
  func.func @transform_2(%arg0: i32) -> (i32, i32) {
    %c0_i32 = arith.constant 0 : i32
    %c0_i32_0 = arith.constant 0 : i32
    %c0_i32_1 = arith.constant 0 : i32
    return %c0_i32, %c0_i32_0 : i32, i32
  }
  func.func @transform_3(%arg0: i32) -> (i32, i32) {
    %c0_i32 = arith.constant 0 : i32
    %c0_i32_0 = arith.constant 0 : i32
    %c0_i32_1 = arith.constant 0 : i32
    return %c0_i32, %c0_i32_0 : i32, i32
  }
  func.func @transform_4(%arg0: i32) -> (i32, i32) {
    %c0_i32 = arith.constant 0 : i32
    %c0_i32_0 = arith.constant 0 : i32
    return %arg0, %c0_i32 : i32, i32
  }
  func.func @transform_5(%arg0: i32) -> (i32, i32) {
    %c0_i32 = arith.constant 0 : i32
    %c0_i32_0 = arith.constant 0 : i32
    return %arg0, %c0_i32 : i32, i32
  }
}

module attributes {stable_mosaic.version = 14 : i64} {
  func.func @_mid_body(%arg0: i32, %arg1: memref<2x2048x128xbf16, #tpu.memory_space<vmem>>, %arg2: memref<10240xf32, #tpu.memory_space<vmem>>, %arg3: memref<10240xf32, #tpu.memory_space<vmem>>, %arg4: memref<2048x128xbf16, #tpu.memory_space<vmem>>, %arg5: memref<128x128xf32, #tpu.memory_space<vmem>>, %arg6: memref<128x128xf32, #tpu.memory_space<vmem>>, %arg7: memref<1x128xf32, #tpu.memory_space<vmem>>, %arg8: memref<2048x128xbf16, #tpu.memory_space<vmem>>, %arg9: memref<2048x128xbf16, #tpu.memory_space<vmem>>) attributes {dimension_semantics = [#tpu.dimension_semantics<arbitrary>], iteration_bounds = array<i64: 5>, scalar_prefetch = 0 : i64, scratch_operands = 0 : i64, tpu.core_type = #tpu.core_type<tc>, window_params = [{transform_indices = @transform_0, window_bounds = array<i64: 2, 2048, 128>}, {pipeline_mode = #tpu.pipeline_mode<synchronous>, transform_indices = @transform_1, window_bounds = array<i64: 10240>}, {pipeline_mode = #tpu.pipeline_mode<synchronous>, transform_indices = @transform_2, window_bounds = array<i64: 10240>}, {transform_indices = @transform_3, window_bounds = array<i64: 2048, 128>}, {pipeline_mode = #tpu.pipeline_mode<synchronous>, transform_indices = @transform_4, window_bounds = array<i64: 128, 128>}, {pipeline_mode = #tpu.pipeline_mode<synchronous>, transform_indices = @transform_5, window_bounds = array<i64: 128, 128>}, {pipeline_mode = #tpu.pipeline_mode<synchronous>, transform_indices = @transform_6, window_bounds = array<i64: 1, 128>}, {transform_indices = @transform_7, window_bounds = array<i64: 2048, 128>}, {transform_indices = @transform_8, window_bounds = array<i64: 2048, 128>}]} {
    %mul3A = arith.constant 2048 : i32
    %mul3A_0 = arith.muli %arg0, %mul3A : i32
    %multiple_of3A = tpu.assume_multiple %mul3A_0, 128 : i32
    %get3A = arith.index_cast %multiple_of3A : i32 to index
    %get3A_1 = vector.load %arg2[%get3A] : memref<10240xf32, #tpu.memory_space<vmem>>, vector<2048xf32>
    %get3A_2 = arith.index_cast %multiple_of3A : i32 to index
    %get3A_3 = vector.load %arg3[%get3A_2] : memref<10240xf32, #tpu.memory_space<vmem>>, vector<2048xf32>
    %add3A = arith.addf %get3A_1, %get3A_3 : vector<2048xf32>
    %max3A = arith.constant 1.000000e+00 : f32
    %max3A_4 = vector.broadcast %max3A : f32 to vector<2048xf32>
    %max3A_5 = arith.maximumf %add3A, %max3A_4 : vector<2048xf32>
    %reshape3A = vector.shape_cast %max3A_5 : vector<2048xf32> to vector<2048x1xf32>
    %div3A = arith.constant 1.000000e+00 : f32
    %div3A_6 = vector.broadcast %div3A : f32 to vector<2048x1xf32>
    %div3A_7 = arith.divf %div3A_6, %reshape3A : vector<2048x1xf32>
    %get3A_8 = arith.constant 0 : index
    %get3A_9 = arith.constant 0 : index
    %get3A_10 = arith.constant 0 : index
    %get3A_11 = vector.load %arg1[%get3A_8, %get3A_9, %get3A_10] : memref<2x2048x128xbf16, #tpu.memory_space<vmem>>, vector<1x2048x128xbf16>
    %get3A_12 = vector.shape_cast %get3A_11 : vector<1x2048x128xbf16> to vector<2048x128xbf16>
    %convert_element_type3A = arith.extf %get3A_12 : vector<2048x128xbf16> to vector<2048x128xf32>
    %get3A_13 = arith.constant 1 : index
    %get3A_14 = arith.constant 0 : index
    %get3A_15 = arith.constant 0 : index
    %get3A_16 = vector.load %arg1[%get3A_13, %get3A_14, %get3A_15] : memref<2x2048x128xbf16, #tpu.memory_space<vmem>>, vector<1x2048x128xbf16>
    %get3A_17 = vector.shape_cast %get3A_16 : vector<1x2048x128xbf16> to vector<2048x128xbf16>
    %convert_element_type3A_18 = arith.extf %get3A_17 : vector<2048x128xbf16> to vector<2048x128xf32>
    %add3A_19 = arith.addf %convert_element_type3A, %convert_element_type3A_18 : vector<2048x128xf32>
    %mul3A_20 = vector.broadcast %div3A_7 : vector<2048x1xf32> to vector<2048x128xf32>
    %mul3A_21 = arith.mulf %add3A_19, %mul3A_20 : vector<2048x128xf32>
    %get3A_22 = arith.constant 0 : index
    %get3A_23 = arith.constant 0 : index
    %get3A_24 = vector.load %arg4[%get3A_22, %get3A_23] : memref<2048x128xbf16, #tpu.memory_space<vmem>>, vector<2048x128xbf16>
    %convert_element_type3A_25 = arith.extf %get3A_24 : vector<2048x128xbf16> to vector<2048x128xf32>
    %add3A_26 = arith.addf %mul3A_21, %convert_element_type3A_25 : vector<2048x128xf32>
    %max3A_27 = arith.constant 0.000000e+00 : f32
    %max3A_28 = vector.broadcast %max3A_27 : f32 to vector<2048x128xf32>
    %max3A_29 = arith.maximumf %add3A_26, %max3A_28 : vector<2048x128xf32>
    %get3A_30 = arith.constant 0 : index
    %get3A_31 = arith.constant 0 : index
    %get3A_32 = vector.load %arg5[%get3A_30, %get3A_31] : memref<128x128xf32, #tpu.memory_space<vmem>>, vector<128x128xf32>
    %dot_general3A = arith.constant dense<0.000000e+00> : vector<2048x128xf32>
    %dot_general3A_33 = tpu.matmul %max3A_29, %get3A_32, %dot_general3A {dimension_numbers = #tpu.dot_dimension_numbers<[1], [0], [0], [1], [0, 0, 1, 1], [], []>, transpose_lhs_hint = false} : vector<2048x128xf32>, vector<128x128xf32>, vector<2048x128xf32> -> vector<2048x128xf32>
    %convert_element_type3A_34 = arith.truncf %dot_general3A_33 : vector<2048x128xf32> to vector<2048x128xbf16>
    %swap3A = arith.constant 0 : index
    %swap3A_35 = arith.constant 0 : index
    %swap3A_36 = vector.load %arg8[%swap3A, %swap3A_35] : memref<2048x128xbf16, #tpu.memory_space<vmem>>, vector<2048x128xbf16>
    tpu.vector_store %arg8[%swap3A, %swap3A_35], %convert_element_type3A_34 {strides = array<i32>} : memref<2048x128xbf16, #tpu.memory_space<vmem>>, vector<2048x128xbf16>,
    %get3A_37 = arith.constant 0 : index
    %get3A_38 = arith.constant 0 : index
    %get3A_39 = vector.load %arg6[%get3A_37, %get3A_38] : memref<128x128xf32, #tpu.memory_space<vmem>>, vector<128x128xf32>
    %dot_general3A_40 = arith.constant dense<0.000000e+00> : vector<2048x128xf32>
    %dot_general3A_41 = tpu.matmul %max3A_29, %get3A_39, %dot_general3A_40 {dimension_numbers = #tpu.dot_dimension_numbers<[1], [0], [0], [1], [0, 0, 1, 1], [], []>, transpose_lhs_hint = false} : vector<2048x128xf32>, vector<128x128xf32>, vector<2048x128xf32> -> vector<2048x128xf32>
    %get3A_42 = arith.constant 0 : index
    %get3A_43 = arith.constant 0 : index
    %get3A_44 = vector.load %arg7[%get3A_42, %get3A_43] : memref<1x128xf32, #tpu.memory_space<vmem>>, vector<1x128xf32>
    %add3A_45 = vector.broadcast %get3A_44 : vector<1x128xf32> to vector<2048x128xf32>
    %add3A_46 = arith.addf %dot_general3A_41, %add3A_45 : vector<2048x128xf32>
    %convert_element_type3A_47 = arith.truncf %add3A_46 : vector<2048x128xf32> to vector<2048x128xbf16>
    %swap3A_48 = arith.constant 0 : index
    %swap3A_49 = arith.constant 0 : index
    %swap3A_50 = vector.load %arg9[%swap3A_48, %swap3A_49] : memref<2048x128xbf16, #tpu.memory_space<vmem>>, vector<2048x128xbf16>
    tpu.vector_store %arg9[%swap3A_48, %swap3A_49], %convert_element_type3A_47 {strides = array<i32>} : memref<2048x128xbf16, #tpu.memory_space<vmem>>, vector<2048x128xbf16>,
    return
  }
  func.func @transform_0(%arg0: i32) -> (i32, i32, i32) {
    %c0_i32 = arith.constant 0 : i32
    %c0_i32_0 = arith.constant 0 : i32
    %c0_i32_1 = arith.constant 0 : i32
    return %c0_i32, %arg0, %c0_i32_0 : i32, i32, i32
  }
  func.func @transform_1(%arg0: i32) -> i32 {
    %c0_i32 = arith.constant 0 : i32
    %c0_i32_0 = arith.constant 0 : i32
    return %c0_i32 : i32
  }
  func.func @transform_2(%arg0: i32) -> i32 {
    %c0_i32 = arith.constant 0 : i32
    %c0_i32_0 = arith.constant 0 : i32
    return %c0_i32 : i32
  }
  func.func @transform_3(%arg0: i32) -> (i32, i32) {
    %c0_i32 = arith.constant 0 : i32
    %c0_i32_0 = arith.constant 0 : i32
    return %arg0, %c0_i32 : i32, i32
  }
  func.func @transform_4(%arg0: i32) -> (i32, i32) {
    %c0_i32 = arith.constant 0 : i32
    %c0_i32_0 = arith.constant 0 : i32
    %c0_i32_1 = arith.constant 0 : i32
    return %c0_i32, %c0_i32_0 : i32, i32
  }
  func.func @transform_5(%arg0: i32) -> (i32, i32) {
    %c0_i32 = arith.constant 0 : i32
    %c0_i32_0 = arith.constant 0 : i32
    %c0_i32_1 = arith.constant 0 : i32
    return %c0_i32, %c0_i32_0 : i32, i32
  }
  func.func @transform_6(%arg0: i32) -> (i32, i32) {
    %c0_i32 = arith.constant 0 : i32
    %c0_i32_0 = arith.constant 0 : i32
    %c0_i32_1 = arith.constant 0 : i32
    return %c0_i32, %c0_i32_0 : i32, i32
  }
  func.func @transform_7(%arg0: i32) -> (i32, i32) {
    %c0_i32 = arith.constant 0 : i32
    %c0_i32_0 = arith.constant 0 : i32
    return %arg0, %c0_i32 : i32, i32
  }
  func.func @transform_8(%arg0: i32) -> (i32, i32) {
    %c0_i32 = arith.constant 0 : i32
    %c0_i32_0 = arith.constant 0 : i32
    return %arg0, %c0_i32 : i32, i32
  }
}

module attributes {stable_mosaic.version = 14 : i64} {
  func.func @_fin_body(%arg0: i32, %arg1: memref<2x2048x128xbf16, #tpu.memory_space<vmem>>, %arg2: memref<10240xf32, #tpu.memory_space<vmem>>, %arg3: memref<10240xf32, #tpu.memory_space<vmem>>, %arg4: memref<2048x128xbf16, #tpu.memory_space<vmem>>, %arg5: memref<2048x128xf32, #tpu.memory_space<vmem>>) attributes {dimension_semantics = [#tpu.dimension_semantics<arbitrary>], iteration_bounds = array<i64: 5>, scalar_prefetch = 0 : i64, scratch_operands = 0 : i64, tpu.core_type = #tpu.core_type<tc>, window_params = [{transform_indices = @transform_0, window_bounds = array<i64: 2, 2048, 128>}, {pipeline_mode = #tpu.pipeline_mode<synchronous>, transform_indices = @transform_1, window_bounds = array<i64: 10240>}, {pipeline_mode = #tpu.pipeline_mode<synchronous>, transform_indices = @transform_2, window_bounds = array<i64: 10240>}, {transform_indices = @transform_3, window_bounds = array<i64: 2048, 128>}, {transform_indices = @transform_4, window_bounds = array<i64: 2048, 128>}]} {
    %mul3A = arith.constant 2048 : i32
    %mul3A_0 = arith.muli %arg0, %mul3A : i32
    %multiple_of3A = tpu.assume_multiple %mul3A_0, 128 : i32
    %get3A = arith.index_cast %multiple_of3A : i32 to index
    %get3A_1 = vector.load %arg2[%get3A] : memref<10240xf32, #tpu.memory_space<vmem>>, vector<2048xf32>
    %get3A_2 = arith.index_cast %multiple_of3A : i32 to index
    %get3A_3 = vector.load %arg3[%get3A_2] : memref<10240xf32, #tpu.memory_space<vmem>>, vector<2048xf32>
    %add3A = arith.addf %get3A_1, %get3A_3 : vector<2048xf32>
    %max3A = arith.constant 1.000000e+00 : f32
    %max3A_4 = vector.broadcast %max3A : f32 to vector<2048xf32>
    %max3A_5 = arith.maximumf %add3A, %max3A_4 : vector<2048xf32>
    %reshape3A = vector.shape_cast %max3A_5 : vector<2048xf32> to vector<2048x1xf32>
    %div3A = arith.constant 1.000000e+00 : f32
    %div3A_6 = vector.broadcast %div3A : f32 to vector<2048x1xf32>
    %div3A_7 = arith.divf %div3A_6, %reshape3A : vector<2048x1xf32>
    %get3A_8 = arith.constant 0 : index
    %get3A_9 = arith.constant 0 : index
    %get3A_10 = arith.constant 0 : index
    %get3A_11 = vector.load %arg1[%get3A_8, %get3A_9, %get3A_10] : memref<2x2048x128xbf16, #tpu.memory_space<vmem>>, vector<1x2048x128xbf16>
    %get3A_12 = vector.shape_cast %get3A_11 : vector<1x2048x128xbf16> to vector<2048x128xbf16>
    %convert_element_type3A = arith.extf %get3A_12 : vector<2048x128xbf16> to vector<2048x128xf32>
    %get3A_13 = arith.constant 1 : index
    %get3A_14 = arith.constant 0 : index
    %get3A_15 = arith.constant 0 : index
    %get3A_16 = vector.load %arg1[%get3A_13, %get3A_14, %get3A_15] : memref<2x2048x128xbf16, #tpu.memory_space<vmem>>, vector<1x2048x128xbf16>
    %get3A_17 = vector.shape_cast %get3A_16 : vector<1x2048x128xbf16> to vector<2048x128xbf16>
    %convert_element_type3A_18 = arith.extf %get3A_17 : vector<2048x128xbf16> to vector<2048x128xf32>
    %add3A_19 = arith.addf %convert_element_type3A, %convert_element_type3A_18 : vector<2048x128xf32>
    %mul3A_20 = vector.broadcast %div3A_7 : vector<2048x1xf32> to vector<2048x128xf32>
    %mul3A_21 = arith.mulf %add3A_19, %mul3A_20 : vector<2048x128xf32>
    %get3A_22 = arith.constant 0 : index
    %get3A_23 = arith.constant 0 : index
    %get3A_24 = vector.load %arg4[%get3A_22, %get3A_23] : memref<2048x128xbf16, #tpu.memory_space<vmem>>, vector<2048x128xbf16>
    %convert_element_type3A_25 = arith.extf %get3A_24 : vector<2048x128xbf16> to vector<2048x128xf32>
    %add3A_26 = arith.addf %mul3A_21, %convert_element_type3A_25 : vector<2048x128xf32>
    %max3A_27 = arith.constant 0.000000e+00 : f32
    %max3A_28 = vector.broadcast %max3A_27 : f32 to vector<2048x128xf32>
    %max3A_29 = arith.maximumf %add3A_26, %max3A_28 : vector<2048x128xf32>
    %swap3A = arith.constant 0 : index
    %swap3A_30 = arith.constant 0 : index
    %swap3A_31 = vector.load %arg5[%swap3A, %swap3A_30] : memref<2048x128xf32, #tpu.memory_space<vmem>>, vector<2048x128xf32>
    tpu.vector_store %arg5[%swap3A, %swap3A_30], %max3A_29 {strides = array<i32>} : memref<2048x128xf32, #tpu.memory_space<vmem>>, vector<2048x128xf32>,
    return
  }
  func.func @transform_0(%arg0: i32) -> (i32, i32, i32) {
    %c0_i32 = arith.constant 0 : i32
    %c0_i32_0 = arith.constant 0 : i32
    %c0_i32_1 = arith.constant 0 : i32
    return %c0_i32, %arg0, %c0_i32_0 : i32, i32, i32
  }
  func.func @transform_1(%arg0: i32) -> i32 {
    %c0_i32 = arith.constant 0 : i32
    %c0_i32_0 = arith.constant 0 : i32
    return %c0_i32 : i32
  }
  func.func @transform_2(%arg0: i32) -> i32 {
    %c0_i32 = arith.constant 0 : i32
    %c0_i32_0 = arith.constant 0 : i32
    return %c0_i32 : i32
  }
  func.func @transform_3(%arg0: i32) -> (i32, i32) {
    %c0_i32 = arith.constant 0 : i32
    %c0_i32_0 = arith.constant 0 : i32
    return %arg0, %c0_i32 : i32, i32
  }
  func.func @transform_4(%arg0: i32) -> (i32, i32) {
    %c0_i32 = arith.constant 0 : i32
    %c0_i32_0 = arith.constant 0 : i32
    return %arg0, %c0_i32 : i32, i32
  }
}

</mosaic_0001>

<sc_bundles>
// kernel: kernel.10.cloned.1.call-start
scs
__scs_entry_jumppad:
0x0: {  	(pc) =	sbr.rel $0x88, $3  }
0x1: {  	(tag) =	ssettag $0x0;
	lr =	simm.s32 $0x1  }
0x2: {  	[smem:$0x3F99] =	sst lr;
	_ =	strace $0xD0000000  }
0x3: {  	_ = 	snop  }
0x4: {  	_ = 	snop  }
0x5: {  	_ = 	snop  }
0x6: {  	_ = 	snop  }
0x7: {  	_ = 	snop  }
__scs_overlays_trampoline_lowered:
0x8: {  	[smem:$0x3FA8] =	sst s0  }
0x9: {  	[smem:$0x3FA9] =	sst s1  }
0xa: {  	[smem:$0x3FAA] =	sst s2  }
0xb: {  	[smem:$0x3FAB] =	sst s3  }
0xc: {  	[smem:$0x3FAC] =	sst s4  }
0xd: {  	[smem:$0x3FAD] =	sst s5  }
0xe: {  	[smem:$0x3FAE] =	sst s6  }
0xf: {  	[smem:$0x3FAF] =	sst s7  }
0x10: {  	[smem:$0x3FB0] =	sst s8  }
0x11: {  	[smem:$0x3FB1] =	sst s9;
	s0 =	simm.s32 @!p0 $0x0  }
0x12: {  	s1 =	sld [smem:$0x3F97];
	s0 =	simm.s32 @p0 $0x1  }
0x13: {  	[smem:$0x3FB2] =	sst s0;
	s0 =	simm.s32 @!p1 $0x0  }
0x14: {  	s2 =	sld [smem:$0x3F96];
	s0 =	simm.s32 @p1 $0x1  }
0x15: {  	[smem:$0x3FB3] =	sst s0;
	s0 =	simm.s32 @!p2 $0x0  }
0x16: {  	s3 =	sld [smem:$0x3FDB];
	s0 =	simm.s32 @p2 $0x1  }
0x17: {  	s4 =	simm.s32 $0x1BF5;
	[smem:$0x3FB5] =	sst s0  }
0x18: {  	s0 =	sld [smem:$0x3F98];
	_ =	swait.ge [sflag:s4], $0x0  }
0x19: {  	s7 =	sld [smem:$0x3F99]  }
0x1a: {  	s8 =	sadd.s32 $0xFFFFE003, lr  }
0x1b: {  	s9 =	sadd.s32 $0xFFFFFEF7, lr;
	s5 =	simm.s32 $0xFFFFFFFF;
	p2 =	slt.u32 s8, $0xFFFFF086  }
0x1c: {  	p1 =	slt.u32 s9, $0xF7A;
	s5 =	simm.s32 @!p2 $0x0  }
0x1d: {  	s5 =	simm.s32 @p1 $0x1;
	p0 =	seq.s32 s7, s2  }
0x1e: {  	s7 =	smul.u32 @!p0 $0xF7A, s2;
	p2 =	seq.s32 @!p0 s5, $0x0  }
0x1f: {  	s9 =	smul.u32 $0xF7A, s1;
	s8 =	simm.s32 @!p0 $0x1BF5;
	p2 =	por !p2, p0  }
0x20: {  	[sflag:s8] =	ssyncset.s32 @!p0 $0xFFFFF086;
	s6 =	sadd.s32 @!p0 s3, s7;
	s7 =	simm.s32 @!p0 $0x108  }
0x21: {  	s3 =	sadd.s32 s3, s9;
	s6 =	sadd.s32 @!p0 $0x88, s6;
	s7 =	simm.s32 @p2 $0x1082  }
0x22: {  	[simem:s7], [sflag:s8] =	dma.local @!p0 [hbm:s6], $0xF7A  }
0x23: {  	s9 =	sor.u32 $0xD0000000, s2;
	s6 =	simm.s32 $0x108;
	_ =	swait.ge @!p0 [sflag:s8], $0x0  }
0x24: {  	s3 =	sadd.s32 $0x88, s3;
	s6 =	simm.s32 @!p1 $0x1082;
	[sflag:s4] =	ssyncset.s32 $0xFFFFF086  }
0x25: {  	[simem:s6], [sflag:s4] =	dma.local [hbm:s3], $0xF7A  }
0x26: {  	[smem:$0x3F99] =	sst s1;
	(tag) =	ssettag s2;
	_ =	strace s9  }
0x27: {  	s1 =	sld [smem:$0x3FA9]  }
0x28: {  	s2 =	sld [smem:$0x3FAA]  }
0x29: {  	s4 =	sld [smem:$0x3FAC]  }
0x2a: {  	p0 =	seq.s32 s5, $0x0;
	s5 =	sld [smem:$0x3FAD]  }
0x2b: {  	s6 =	sld [smem:$0x3FAE]  }
0x2c: {  	s7 =	sld [smem:$0x3FAF]  }
0x2d: {  	s3 =	simm.s32 $0x108;
	s8 =	sld [smem:$0x3FB0]  }
0x2e: {  	s3 =	simm.s32 @!p0 $0x1082;
	s9 =	sld [smem:$0x3FB1]  }
0x2f: {  	lr =	sadd.s32 s0, s3;
	s0 =	sld [smem:$0x3FA8]  }
0x30: {  	s3 =	sld [smem:$0x3FAB]  }
0x31: {  	[smem:$0x3FB4] =	sst s10  }
0x32: {  	s10 =	sld [smem:$0x3FB2];
	_ =	sdelay $0x3  }
0x33: {  	p0 =	seq.s32 s10, $0x1;
	s10 =	sld [smem:$0x3FB4];
	_ =	sdelay $0x3  }
0x34: {  	[smem:$0x3FB4] =	sst s10  }
0x35: {  	s10 =	sld [smem:$0x3FB3];
	_ =	sdelay $0x3  }
0x36: {  	p1 =	seq.s32 s10, $0x1;
	s10 =	sld [smem:$0x3FB4];
	_ =	sdelay $0x3  }
0x37: {  	[smem:$0x3FB4] =	sst s10  }
0x38: {  	s10 =	sld [smem:$0x3FB5]  }
0x39: {  	_ = 	snop;
	(pc) =	sbr.ind lr, $3  }
0x3a: {  	_ = 	snop  }
0x3b: {  	_ = 	snop  }
0x3c: {  	p2 =	seq.s32 s10, $0x1;
	s10 =	sld [smem:$0x3FB4]  }
0x3d: {  	_ =	shalt  }
0x3e: {  	_ =	shalt  }
0x3f: {  	_ =	shalt  }
0x40: {  	_ =	shalt  }
0x41: {  	_ =	shalt  }
0x42: {  	_ =	shalt  }
0x43: {  	_ =	shalt  }
0x44: {  	_ =	shalt  }
0x45: {  	_ =	shalt  }
0x46: {  	_ =	shalt  }
0x47: {  	_ =	shalt  }
0x48: {  	_ =	shalt  }
0x49: {  	_ =	shalt  }
0x4a: {  	_ =	shalt  }
0x4b: {  	_ =	shalt  }
0x4c: {  	_ =	shalt  }
0x4d: {  	_ =	shalt  }
0x4e: {  	_ =	shalt  }
0x4f: {  	_ =	shalt  }
0x50: {  	_ =	shalt  }
0x51: {  	_ =	shalt  }
0x52: {  	_ =	shalt  }
0x53: {  	_ =	shalt  }
0x54: {  	_ =	shalt  }
0x55: {  	_ =	shalt  }
0x56: {  	_ =	shalt  }
0x57: {  	_ =	shalt  }
0x58: {  	_ =	shalt  }
0x59: {  	_ =	shalt  }
0x5a: {  	_ =	shalt  }
0x5b: {  	_ =	shalt  }
0x5c: {  	_ =	shalt  }
0x5d: {  	_ =	shalt  }
0x5e: {  	_ =	shalt  }
0x5f: {  	_ =	shalt  }
0x60: {  	_ =	shalt  }
0x61: {  	_ =	shalt  }
0x62: {  	_ =	shalt  }
0x63: {  	_ =	shalt  }
0x64: {  	_ =	shalt  }
0x65: {  	_ =	shalt  }
0x66: {  	_ =	shalt  }
0x67: {  	_ =	shalt  }
0x68: {  	_ =	shalt  }
0x69: {  	_ =	shalt  }
0x6a: {  	_ =	shalt  }
0x6b: {  	_ =	shalt  }
0x6c: {  	_ =	shalt  }
0x6d: {  	_ =	shalt  }
0x6e: {  	_ =	shalt  }
0x6f: {  	_ =	shalt  }
0x70: {  	_ =	shalt  }
0x71: {  	_ =	shalt  }
0x72: {  	_ =	shalt  }
0x73: {  	_ =	shalt  }
0x74: {  	_ =	shalt  }
0x75: {  	_ =	shalt  }
0x76: {  	_ =	shalt  }
0x77: {  	_ =	shalt  }
0x78: {  	_ =	shalt  }
0x79: {  	_ =	shalt  }
0x7a: {  	_ =	shalt  }
0x7b: {  	_ =	shalt  }
0x7c: {  	_ =	shalt  }
0x7d: {  	_ =	shalt  }
0x7e: {  	_ =	shalt  }
0x7f: {  	_ =	shalt  }
0x80: {  	_ =	shalt  }
0x81: {  	_ =	shalt  }
0x82: {  	_ =	shalt  }
0x83: {  	_ =	shalt  }
0x84: {  	_ =	shalt  }
0x85: {  	_ =	shalt  }
0x86: {  	_ =	shalt  }
0x87: {  	_ =	shalt  }
.Lfunc_end0:
.L_simem_size_0:
called_computation.1_lowered:
.L_overlay_start_0:
0x88: {  	s2 =	sld [smem:$0x3FD9]  }
0x89: {  	s3 =	sld [smem:$0x3FFE];
	_ =	sdelay $0x1  }
0x8a: {  	s1 =	srdreg.scid  }
0x8b: {  	s0 =	sand.u32 $0x1, s1  }
0x8c: {  	s17 =	sshll.u32 s0, $0xA;
	s2 =	sadd.s32 s3, s2  }
0x8d: {  	s2 =	sadd.s32 s2, s17  }
0x8e: {  	[smem:$0x3FC0] =	sst s2  }
0x8f: {  	_ = 	snop  }
0x90: {  	s2 =	sld [smem:$0x3FD0];
	(tm) =	ssettm $0x1  }
0x91: {  	s18 =	sld [smem:$0x3FFB];
	_ =	sdelay $0x3  }
0x92: {  	_ =	strace s18  }
0x93: {  	s3 =	sld [smem:$0x3FFC];
	_ =	sdelay $0x3  }
0x94: {  	_ =	strace s3  }
0x95: {  	s3 =	sld [smem:$0x3FFD];
	_ =	sdelay $0x3  }
0x96: {  	_ =	strace s3  }
0x97: {  	_ =	strace $0x8FFFFFFF  }
0x98: {  	s19 =	sld [smem:$0x3FDB];
	_ =	sdelay $0x1  }
0x99: {  	s4 =	simm.s32 $_scs_section_size  }
0x9a: {  	s5 =	simm.s32 $_size__tile_overlayer_lowered;
	s6 =	simm.s32 $_tile_overlayer_lowered  }
0x9b: {  	s22 =	simm.s32 $0x1BFF;
	s21 =	sshll.u32 s6, $0x1;
	s3 =	sadd.s32 s4, s19  }
0x9c: {  	s7 =	simm.s32 $0x0;
	s20 =	sshll.u32 s5, $0x1;
	s5 =	sadd.s32 s21, s3  }
0x9d: {  	[timem:s7], [sflag:s22] =	dma.local [hbm:s5], s20  }
0x9e: {  	_ =	swait.ge [sflag:s22], s20  }
0x9f: {  	s4 =	ssub.s32 $0x0, s20;
	[sflag:s22] =	ssyncset.done $0x0  }
0xa0: {  	[sflag:s22] =	ssyncadd.s32 s4;
	_ =	sdelay $0x1  }
0xa1: {  	s23 =	simm.s32 $0x1B8B  }
0xa2: {  	_ =	swait.ge [sflag:s23], $0x1  }
0xa3: {  	[sflag:s23] =	ssyncset.done $0x0  }
0xa4: {  	s25 =	simm.s32 $0x1B8E;
	s24 =	sld [smem:$0x3FFE];
	[sflag:s23] =	ssyncadd.s32 $0xFFFFFFFF  }
0xa5: {  	s26 =	simm.s32 $execute0_lowered;
	[smem:$0x3FD2] =	sst s25  }
0xa6: {  	s5 =	sshll.u32 s26, $0x1;
	_ =	strace $0x80000049;
	[dreg:$0x1] =	wrdreg $0xFFFFFFFF  }
0xa7: {  	s28 =	simm.s32 $_size_execute0_lowered;
	s3 =	sadd.s32 s3, s5;
	[dreg:$0x0] =	wrdreg $0x0  }
0xa8: {  	s5 =	sshll.u32 s28, $0x1;
	[dreg:$0x2] =	wrdreg s3  }
0xa9: {  	[dreg:$0x3] =	wrdreg s5  }
0xaa: {  	[dreg:$0x4] =	wrdreg $0xC0  }
0xab: {  	_ =	task [dreg:s7], $0x5FFFF  }
0xac: {  	[dreg:$0x1] =	wrdreg $0xFFFFFFFF  }
0xad: {  	[dreg:$0x0] =	wrdreg $0x60  }
0xae: {  	[dreg:$0x2] =	wrdreg s24  }
0xaf: {  	[dreg:$0x3] =	wrdreg s2  }
0xb0: {  	[dreg:$0x4] =	wrdreg $0xE5000  }
0xb1: {  	[dreg:$0x5] =	wrdreg $0x9  }
0xb2: {  	_ =	task.clear_ibuf [dreg:s7], $0x6FFFF;
	_ =	strace $0x90000049  }
0xb3: {  	s29 =	simm.s32 $0x9;
	_ =	strace $0x8000004B  }
0xb4: {  	_ =	swait.ge [sflag:s29], $0x1  }
0xb5: {  	[sflag:s29] =	ssyncadd.s32 $0xFFFFFFFF  }
0xb6: {  	_ =	strace $0x9000004B  }
0xb7: {  	_ =	sfence  }
0xb8: {  	s30 =	sld [smem:$0x0];
	_ =	sdelay $0x2  }
0xb9: {  	s31 =	sshll.u32 s1, $0xD;
	s1 =	sshrl.u32 s1, $0x2  }
0xba: {  	s3 =	sand.u32 $0x4000, s31;
	s1 =	sadd.s32 s1, s30  }
0xbb: {  	s0 =	sor.u32 s3, s0;
	s1 =	sshll.u32 s1, $0x11  }
0xbc: {  	s0 =	sor.u32 s1, s0  }
0xbd: {  	s0 =	sadd.s32 $0x8F2B, s0  }
0xbe: {  	[sflag:s0] =	ssyncadd.remote.s32 $0x1  }
0xbf: {  	_ =	sfence.sel $0xFFFF  }
0xc0: {  	[dreg:$0x0] =	wrdreg $0xFFFFFFFF;
	(pc) =	sbr.abs _section_cstart, $3  }
0xc1: {  	[dreg:$0x1] =	wrdreg $0xFFFFFFFF  }
0xc2: {  	_ =	task.clear_ibuf [dreg:s7], $0x2FFFF;
	_ =	strace $0x9FFFFFFF  }
0xc3: {  	(tm) =	ssettm $0x7FFFFFFF  }
tec
execute0_lowered:
.L_overlay_start_1:
0x0: {  	(tag) =	ssettag $0x1  }
0x1: {  	s5 =	rddreg [dreg:$0x0]  }
0x2: {  	s6 =	rddreg [dreg:$0x1]  }
0x3: {  	s2 =	rddreg [dreg:$0x2];
	s4 =	srdreg.scid  }
0x4: {  	s1 =	stileid.u32;
	s3 =	simm.s32 $0x0;
	s16 =	simm.s32 $0x6500  }
0x5: {  	s17 =	simm.s32 $0x8500;
	s7 =	sand.u32 $0x1, s4;
	s8 =	smul.u32 $0x14000, s1  }
0x6: {  	[smem:$0x7FF] =	sst s3;
	s9 =	sadd.s32 $0x1F800, s5;
	s29 =	smul.u32 $0x1C00, s1  }
0x7: {  	s10 =	sadd.s32 $0x15A00, s5;
	s30 =	sshll.u32 s1, $0x6;
	s14 =	smul.u32 $0x650, s1  }
0x8: {  	s4 =	smul.u32 $0x140000, s7;
	_ =	strace $0x8000004A;
	s12 =	ssub.s32 $0x2, s7  }
0x9: {  	p6 =	seq.s32 s7, $0x1;
	s13 =	sshrl.u32 s12, $0x1;
	s25 =	sshrl.u32 s8, $0x1  }
0xa: {  	s28 =	sshrl.u32 s8, $0x4;
	s15 =	sshrl.u32 s29, $0x3;
	s7 =	sadd.s32 s9, s14  }
0xb: {  	s0 =	simm.s32 @!p6 $0x0;
	s11 =	sadd.s32 s8, s4;
	s4 =	sadd.s32 $0x2000, s5  }
0xc: {  	s12 =	ssub.s32 s12, s13;
	s26 =	sadd.s32 s25, s2;
	s8 =	sadd.s32 s10, s14  }
.Ltmp0:
0xd: {  	s31 =	sadd.s32 $0x6500, s15;
	s14 =	simm.s32 $0x9;
	(pc) =	sbr.rel .LBB2_1-.Ltmp0, $4  }
0xe: {  	s15 =	simm.s32 $0x80;
	s0 =	simm.s32 @p6 $0x1;
	s11 =	sshrl.u32 s11, $0x4  }
0xf: {  	s9 =	sadd.s32 s9, s31;
	s10 =	sadd.s32 s10, s31;
	s12 =	smax.u32 s12, $0x1  }
0x10: {  	s13 =	sshrl.u32 s26, $0x3;
	[smem:$0x7FD] =	sst s0;
	s11 =	sadd.s32 s11, s5  }
0x11: {  	s5 =	sadd.s32 s6, s28;
	s6 =	sor.u32 $0x1C09, s30;
	s11 =	sadd.s32 $0x29600, s11  }
.LBB2_7:
0x12: {  	s0 =	sld [smem:$0x7FC]  }
0x13: {  	[sflag:s26] =	ssyncadd.s32 @!p4 $0xFFFFE000  }
0x14: {  	[spmem:s2] =	stream.indirect.scatter.add.bf16 @!p4 [tilespmem:s28], [sflag:$0x5], $0x40, s19, s29, $0xb8;
	[tilespmem:$0x18500] =	vst v63  }
0x15: {  	p2 =	seq.s32 s0, $0x1  }
0x16: {  	_ =	swait.ge @!p2 [sflag:s30], $0x2000  }
0x17: {  	[sflag:s30] =	ssyncset.done @!p2 $0x0  }
0x18: {  	[sflag:s30] =	ssyncadd.s32 @!p2 $0xFFFFE000;
	s30 =	sld [smem:$0x7FA];
	_ =	sdelay $0x1  }
0x19: {  	p1 =	por p0, p0;
	p0 =	por @!p0 p5, p3  }
0x1a: {  	p4 =	por p3, p3;
	p2 =	por p0, p1;
	p3 =	seq.s32 s30, $0x1  }
0x1b: {  	[tilespmem:s25], [sflag:$0x3] =	stream.indirect.gather @!p3 [hbm4b:s4+s24], $0x40, s20, s24, $0xb8;
	[tilespmem:$0x18500] =	vst v63  }
0x1c: {  	s0 =	simm.s32 @!p6 $0x2;
	p3 =	slt.u32 @!p2 s18, $0x2  }
0x1d: {  	p0 =	por @!p6 p3, p5;
	_ =	swait.ge @!p6 [sflag:s0], $0x2000  }
0x1e: {  	s18 =	simm.s32 @!p6 $0x8500;
	p0 =	por @!p1 p0, p4;
	[sflag:s0] =	ssyncset.done @!p6 $0x0  }
0x1f: {  	p0 =	por p0, p1;
	[sflag:s0] =	ssyncadd.s32 @!p6 $0xFFFFE000;
	s0 =	simm.s32 @!p6 $0x80  }
0x20: {  	[spmem:s2] =	stream.indirect.scatter.add.bf16 @!p6 [tilespmem:s18], [sflag:$0x6], $0x40, s19, s0, $0xb8;
	[tilespmem:$0x18500] =	vst v63  }
0x21: {  	s0 =	simm.s32 @!p0 $0x8  }
0x22: {  	s21 =	simm.s32 $0x5;
	_ =	swait.ge @!p0 [sflag:s0], $0x2000  }
0x23: {  	s18 =	simm.s32 @!p2 $0x80;
	[sflag:s0] =	ssyncset.done @!p0 $0x0;
	s31 =	sld [smem:$0x7FD]  }
0x24: {  	s19 =	simm.s32 $0x7;
	[sflag:s0] =	ssyncadd.s32 @!p0 $0xFFFFE000;
	s0 =	simm.s32 @!p2 $0xC500  }
0x25: {  	[tilespmem:s0], [sflag:$0x4] =	stream.indirect.gather @!p2 [hbm4b:s4+s18], $0x40, s20, s18, $0xb8;
	[tilespmem:$0x18500] =	vst v63  }
0x26: {  	s18 =	simm.s32 $0x8;
	s20 =	simm.s32 $0x6;
	p6 =	seq.s32 s31, $0x1  }
.LBB2_8:
0x27: {  	_ =	swait.ge [sflag:s21], $0x2000  }
0x28: {  	[sflag:s21] =	ssyncset.done $0x0  }
0x29: {  	[sflag:s21] =	ssyncadd.s32 $0xFFFFE000  }
0x2a: {  	_ =	swait.ge [sflag:s20], $0x2000  }
0x2b: {  	[sflag:s20] =	ssyncset.done $0x0  }
0x2c: {  	[sflag:s20] =	ssyncadd.s32 $0xFFFFE000  }
0x2d: {  	_ =	swait.ge [sflag:s19], $0x2000  }
0x2e: {  	[sflag:s19] =	ssyncset.done $0x0  }
0x2f: {  	[sflag:s19] =	ssyncadd.s32 $0xFFFFE000  }
0x30: {  	_ =	swait.ge [sflag:s18], $0x2000  }
0x31: {  	s3 =	sadd.s32 $0x1, s3;
	[sflag:s18] =	ssyncset.done $0x0  }
0x32: {  	p0 =	sne.s32 s3, s12;
	[sflag:s18] =	ssyncadd.s32 $0xFFFFE000  }
.Ltmp1:
0x33: {  	[bflag:$0x0] =	sbarrier.arrive $0xFFFF;
	(pc) =	sbr.rel @!p0 .LBB2_9-.Ltmp1, $4  }
0x34: {  	[hbm:s11], [sflag:s6] =	dma.local [spmem:s13], $0x1400  }
0x35: {  	_ =	swait.ge [sflag:s14], $0x1400  }
0x36: {  	[sflag:s14] =	ssyncset.done $0x0  }
0x37: {  	[sflag:s14] =	ssyncadd.s32 $0xFFFFEC00  }
.LBB2_1:
0x38: {  	[spmem:s13], [sflag:s6] =	dma.local [hbm:s5], $0x1400  }
.Ltmp2:
0x39: {  	_ =	swait.ge [sflag:s14], $0x1400;
	(pc) =	sbr.rel @!p6 .LBB2_2-.Ltmp2, $4  }
0x3a: {  	[sflag:s14] =	ssyncset.done $0x0  }
0x3b: {  	[sflag:s14] =	ssyncadd.s32 $0xFFFFEC00  }
0x3c: {  	[bflag:$0x0] =	sbarrier.arrive $0xFFFF  }
0x3d: {  	s18 =	simm.s32 $0x0  }
0x3e: {  	[tilespmem:s18], [sflag:$0x9] =	stream.linear.gather [hbm4b:s9+s18], $0x1C00, $0x38;
	[tilespmem:$0x18500] =	vst v63  }
0x3f: {  	s21 =	sand.u32 $0x3, s18  }
0x40: {  	_ =	swait.ge [sflag:s14], $0x1C00;
	p0 =	sgt.s32 s21, $0x1  }
0x41: {  	[sflag:s14] =	ssyncset.done $0x0;
	p6 =	seq.s32 @p0 s21, $0x2  }
0x42: {  	s19 =	simm.s32 $0x3280;
	[sflag:s14] =	ssyncadd.s32 $0xFFFFE400;
	p4 =	por !p6, !p0  }
0x43: {  	[tilespmem:s19], [sflag:$0x9] =	stream.linear.gather [hbm4b:s10+s18], $0x1C00, $0x38;
	[tilespmem:$0x18500] =	vst v63  }
0x44: {  	p5 =	por @!p4 $0x0, $0x0  }
0x45: {  	_ =	swait.ge [sflag:s14], $0x1C00;
	p1 =	por @p0 p5, !p6  }
0x46: {  	[sflag:s14] =	ssyncset.done $0x0;
	p3 =	por p1, !p0  }
0x47: {  	[sflag:s14] =	ssyncadd.s32 $0xFFFFE400;
	p1 =	por @!p3 $0x1, $0x1  }
0x48: {  	[tilespmem:s16], [sflag:$0x1] =	stream.indirect.gather [hbm4b:s4+s15], $0x40, s18, s15, $0xb8;
	[tilespmem:$0x18500] =	vst v63  }
0x49: {  	p2 =	por p0, p0;
	s0 =	simm.s32 @!p6 $0x0;
	p5 =	por @!p4 p1, p5  }
0x4a: {  	s20 =	simm.s32 @!p4 $0x3;
	s22 =	simm.s32 @!p4 $0xA500;
	p5 =	por @p2 p5, !p6  }
0x4b: {  	[tilespmem:s17], [sflag:$0x2] =	stream.indirect.gather [hbm4b:s4+s15], $0x40, s15, s15, $0xb8;
	[tilespmem:$0x18500] =	vst v63  }
0x4c: {  	s0 =	simm.s32 @p6 $0x1;
	p5 =	por p5, !p2;
	_ =	swait.ge @!p4 [sflag:s20], $0x2000  }
0x4d: {  	p0 =	seq.s32 @!p0 s21, $0x0;
	s23 =	simm.s32 @!p5 $0x5;
	[sflag:s20] =	ssyncset.done @!p4 $0x0  }
0x4e: {  	[smem:$0x7F8] =	sst s0;
	[sflag:s20] =	ssyncadd.s32 @!p4 $0xFFFFE000;
	s20 =	simm.s32 @!p4 $0x80  }
0x4f: {  	[spmem:s2] =	stream.indirect.scatter.add.bf16 @!p4 [tilespmem:s22], [sflag:$0x7], $0x40, s19, s20, $0xb8;
	[tilespmem:$0x18500] =	vst v63  }
0x50: {  	p1 =	por p6, p6;
	s20 =	simm.s32 $0x100;
	_ =	swait.ge @!p5 [sflag:s23], $0x2000  }
0x51: {  	p4 =	por p6, !p2;
	s22 =	simm.s32 @!p3 $0x6500;
	[sflag:s23] =	ssyncset.done @!p5 $0x0  }
0x52: {  	p6 =	por @!p4 $0x0, $0x0;
	[sflag:s23] =	ssyncadd.s32 @!p5 $0xFFFFE000;
	s23 =	simm.s32 @!p3 $0x80  }
0x53: {  	[tilespmem:s22], [sflag:$0x1] =	stream.indirect.gather @!p3 [hbm4b:s4+s23], $0x40, s20, s23, $0xb8;
	[tilespmem:$0x18500] =	vst v63  }
0x54: {  	s24 =	simm.s32 @!p4 $0x4;
	s21 =	simm.s32 @!p4 $0xC500;
	p3 =	por @p2 p6, p1  }
0x55: {  	p6 =	por p0, p0;
	_ =	swait.ge @!p4 [sflag:s24], $0x2000;
	p0 =	por p3, !p2  }
0x56: {  	s22 =	simm.s32 @!p4 $0x80;
	[sflag:s24] =	ssyncset.done @!p4 $0x0;
	s0 =	simm.s32 @!p0 $0x0  }
0x57: {  	[sflag:s24] =	ssyncadd.s32 @!p4 $0xFFFFE000;
	s0 =	simm.s32 @p0 $0x1;
	p0 =	por @!p0 $0x1, $0x1  }
0x58: {  	[spmem:s2] =	stream.indirect.scatter.add.bf16 @!p4 [tilespmem:s21], [sflag:$0x8], $0x40, s19, s22, $0xb8;
	[tilespmem:$0x18500] =	vst v63  }
0x59: {  	[smem:$0x7FB] =	sst s0;
	s0 =	simm.s32 @!p0 $0x0  }
0x5a: {  	p5 =	por !p6, p2;
	s0 =	simm.s32 @p0 $0x1  }
0x5b: {  	p0 =	por @!p5 $0x0, $0x0;
	[smem:$0x7F7] =	sst s0  }
0x5c: {  	s0 =	simm.s32 @!p0 $0x0;
	s24 =	sld [smem:$0x7F7]  }
0x5d: {  	p3 =	por @!p5 $0x0, $0x0;
	s25 =	sld [smem:$0x7F8];
	s0 =	simm.s32 @p0 $0x1  }
0x5e: {  	p3 =	por @!p2 p3, !p6;
	s21 =	simm.s32 $0x1;
	[smem:$0x7F9] =	sst s0  }
0x5f: {  	p0 =	por @!p4 $0x0, $0x0;
	s26 =	sld [smem:$0x7F9];
	p1 =	seq.s32 s24, $0x1  }
0x60: {  	p4 =	por @!p4 p1, p0;
	p0 =	por p3, p2;
	p1 =	seq.s32 s25, $0x1  }
0x61: {  	p1 =	por @p2 p4, p1;
	p4 =	por p5, p5;
	p3 =	por @!p0 $0x1, $0x1  }
0x62: {  	p5 =	seq.s32 s26, $0x1;
	s24 =	simm.s32 @!p0 $0x80;
	s0 =	simm.s32 @!p0 $0x0  }
0x63: {  	s25 =	simm.s32 @!p0 $0xA500;
	p3 =	por @!p4 p3, p5;
	p1 =	por p1, !p2  }
0x64: {  	s26 =	simm.s32 @!p4 $0x1;
	s28 =	simm.s32 @!p4 $0x6500;
	s22 =	simm.s32 @!p1 $0x6  }
0x65: {  	s29 =	simm.s32 @!p4 $0x80;
	s0 =	simm.s32 @p0 $0x1;
	_ =	swait.ge @!p1 [sflag:s22], $0x2000  }
0x66: {  	p3 =	por @!p2 p3, !p6;
	[sflag:s22] =	ssyncset.done @!p1 $0x0;
	s31 =	sld [smem:$0x7FB]  }
0x67: {  	[smem:$0x7FA] =	sst s0;
	[sflag:s22] =	ssyncadd.s32 @!p1 $0xFFFFE000;
	p1 =	por p3, p2  }
0x68: {  	p3 =	por p6, p6;
	p6 =	por p6, p2;
	s0 =	simm.s32 @!p1 $0x0  }
0x69: {  	s30 =	simm.s32 @!p1 $0x7;
	p0 =	seq.s32 s31, $0x1;
	s0 =	simm.s32 @p1 $0x1  }
0x6a: {  	s22 =	simm.s32 @!p0 $0x80;
	s23 =	simm.s32 @!p0 $0x8500;
	[smem:$0x7FC] =	sst s0  }
0x6b: {  	[tilespmem:s23], [sflag:$0x2] =	stream.indirect.gather @!p0 [hbm4b:s4+s22], $0x40, s20, s22, $0xb8;
	[tilespmem:$0x18500] =	vst v63  }
0x6c: {  	p5 =	por @!p6 $0x0, $0x0;
	p0 =	por p2, p2;
	_ =	swait.ge @!p4 [sflag:s26], $0x2000  }
0x6d: {  	s22 =	simm.s32 $0x3300;
	s23 =	simm.s32 $0x180;
	[sflag:s26] =	ssyncset.done @!p4 $0x0  }
.LBB2_6:
0x6e: {  	s0 =	simm.s32 @!p3 $0x0  }
0x6f: {  	s0 =	simm.s32 @p3 $0x1  }
0x70: {  	[smem:$0x7EB] =	sst s0;
	s0 =	simm.s32 @!p5 $0x0  }
0x71: {  	s0 =	simm.s32 @p5 $0x1  }
0x72: {  	[smem:$0x7E9] =	sst s0  }
0x73: {  	[sflag:s26] =	ssyncadd.s32 @!p4 $0xFFFFE000;
	p3 =	por @!p0 p5, p3;
	s0 =	sld [smem:$0x7FC]  }
0x74: {  	[spmem:s2] =	stream.indirect.scatter.add.bf16 @!p4 [tilespmem:s28], [sflag:$0x5], $0x40, s19, s29, $0xb8;
	[tilespmem:$0x18500] =	vst v63  }
0x75: {  	s31 =	sand.u32 $0x3, s21;
	p1 =	por p0, p0;
	p0 =	por p3, p0  }
0x76: {  	p2 =	sgt.s32 s31, $0x1;
	p4 =	seq.s32 s0, $0x1;
	s0 =	simm.s32 @!p0 $0x0  }
0x77: {  	p5 =	seq.s32 @p2 s31, $0x2;
	_ =	swait.ge @!p4 [sflag:s30], $0x2000;
	s0 =	simm.s32 @p0 $0x1  }
0x78: {  	[smem:$0x7EF] =	sst s0;
	s0 =	simm.s32 @!p5 $0x0  }
0x79: {  	p3 =	seq.s32 @!p2 s31, $0x0;
	s0 =	simm.s32 @p5 $0x1  }
0x7a: {  	[smem:$0x7F2] =	sst s0;
	s0 =	simm.s32 @!p3 $0x0  }
0x7b: {  	p0 =	slt.u32 @!p0 s18, $0x2;
	s0 =	simm.s32 @p3 $0x1  }
0x7c: {  	[smem:$0x7F3] =	sst s0;
	s0 =	simm.s32 @!p0 $0x0  }
0x7d: {  	s18 =	sld [smem:$0x7E9];
	s0 =	simm.s32 @p0 $0x1  }
0x7e: {  	[smem:$0x7EA] =	sst s0  }
0x7f: {  	[sflag:s30] =	ssyncset.done @!p4 $0x0;
	s31 =	sld [smem:$0x7EA]  }
0x80: {  	[sflag:s30] =	ssyncadd.s32 @!p4 $0xFFFFE000;
	p4 =	seq.s32 s18, $0x1;
	s18 =	sld [smem:$0x7F2]  }
0x81: {  	s26 =	smov.u32 s21;
	p3 =	por !p5, !p2  }
0x82: {  	p0 =	sgt.u32 @!p3 s26, $0x35;
	p5 =	seq.s32 s31, $0x1  }
0x83: {  	s0 =	simm.s32 @!p0 $0x0;
	p4 =	por @!p6 p5, p4;
	p5 =	seq.s32 s18, $0x1  }
0x84: {  	s0 =	simm.s32 @p0 $0x1;
	p0 =	por @p2 p0, !p5  }
0x85: {  	[smem:$0x7ED] =	sst s0;
	s0 =	simm.s32 @!p0 $0x0  }
0x86: {  	s21 =	sadd.s32 $0x1, s21;
	s31 =	sld [smem:$0x7EB];
	s0 =	simm.s32 @p0 $0x1  }
0x87: {  	p0 =	sne.s32 s21, $0x38;
	[smem:$0x7EC] =	sst s0  }
0x88: {  	s0 =	simm.s32 @!p0 $0x0;
	s18 =	sld [smem:$0x7EC]  }
0x89: {  	s0 =	simm.s32 @p0 $0x1;
	p0 =	seq.s32 s31, $0x1;
	s31 =	sld [smem:$0x7FA]  }
0x8a: {  	[smem:$0x7F6] =	sst s0  }
0x8b: {  	p4 =	por @!p1 p4, p0;
	p0 =	por p1, p1;
	p1 =	seq.s32 s18, $0x1  }
0x8c: {  	p0 =	por p4, p0;
	p4 =	por p2, p2;
	p1 =	por p1, !p2  }
0x8d: {  	s18 =	smov.u32 s26;
	p2 =	seq.s32 s31, $0x1;
	s0 =	simm.s32 @!p1 $0x0  }
0x8e: {  	[tilespmem:s25], [sflag:$0x3] =	stream.indirect.gather @!p2 [hbm4b:s4+s24], $0x40, s20, s24, $0xb8;
	[tilespmem:$0x18500] =	vst v63  }
0x8f: {  	s0 =	simm.s32 @p1 $0x1;
	p1 =	slt.u32 @!p1 s18, $0x2  }
0x90: {  	[smem:$0x7F4] =	sst s0;
	s0 =	simm.s32 @!p1 $0x0  }
0x91: {  	s25 =	sld [smem:$0x7ED];
	s0 =	simm.s32 @p1 $0x1  }
0x92: {  	[smem:$0x7EE] =	sst s0  }
0x93: {  	s26 =	simm.s32 @!p6 $0x2;
	s31 =	sld [smem:$0x7EE]  }
0x94: {  	_ =	swait.ge @!p6 [sflag:s26], $0x2000  }
0x95: {  	s24 =	simm.s32 @!p6 $0x8500;
	p1 =	seq.s32 s25, $0x1;
	[sflag:s26] =	ssyncset.done @!p6 $0x0  }
0x96: {  	s25 =	simm.s32 @!p6 $0x80;
	[sflag:s26] =	ssyncadd.s32 @!p6 $0xFFFFE000;
	p2 =	seq.s32 s31, $0x1  }
0x97: {  	[spmem:s2] =	stream.indirect.scatter.add.bf16 @!p6 [tilespmem:s24], [sflag:$0x6], $0x40, s19, s25, $0xb8;
	[tilespmem:$0x18500] =	vst v63  }
0x98: {  	p2 =	por @!p3 p2, p1  }
0x99: {  	p2 =	por @p4 p2, !p5  }
0x9a: {  	p1 =	por p5, p5;
	p5 =	por p5, !p4;
	s0 =	simm.s32 @!p2 $0x0  }
0x9b: {  	p6 =	sgt.u32 @!p5 s18, $0x35;
	s0 =	simm.s32 @p2 $0x1  }
0x9c: {  	[smem:$0x7F1] =	sst s0;
	s0 =	simm.s32 @!p6 $0x0  }
0x9d: {  	s0 =	simm.s32 @p6 $0x1  }
0x9e: {  	s26 =	simm.s32 @!p0 $0x8;
	p2 =	por p1, p1;
	[smem:$0x7F0] =	sst s0  }
0x9f: {  	p2 =	por @p4 p6, p2;
	_ =	swait.ge @!p0 [sflag:s26], $0x2000  }
0xa0: {  	p6 =	por p2, !p4;
	s19 =	sld [smem:$0x7EF]  }
0xa1: {  	s0 =	simm.s32 @!p6 $0x0  }
0xa2: {  	s25 =	simm.s32 @!p3 $0x3;
	s0 =	simm.s32 @p6 $0x1  }
0xa3: {  	[sflag:s26] =	ssyncset.done @!p0 $0x0;
	[smem:$0x7F5] =	sst s0;
	p1 =	seq.s32 s19, $0x1  }
0xa4: {  	[sflag:s26] =	ssyncadd.s32 @!p0 $0xFFFFE000;
	s19 =	simm.s32 @!p1 $0xC500;
	s24 =	simm.s32 @!p1 $0x80  }
0xa5: {  	[tilespmem:s19], [sflag:$0x4] =	stream.indirect.gather @!p1 [hbm4b:s4+s24], $0x40, s20, s24, $0xb8;
	[tilespmem:$0x18500] =	vst v63  }
0xa6: {  	_ =	swait.ge @!p3 [sflag:s25], $0x2000  }
0xa7: {  	[sflag:s25] =	ssyncset.done @!p3 $0x0;
	s24 =	sld [smem:$0x7F0]  }
0xa8: {  	[sflag:s25] =	ssyncadd.s32 @!p3 $0xFFFFE000;
	s25 =	sld [smem:$0x7F1];
	_ =	sdelay $0x1  }
0xa9: {  	p0 =	slt.u32 @!p6 s18, $0x2  }
0xaa: {  	s26 =	sld [smem:$0x7F2];
	p1 =	seq.s32 s24, $0x1;
	p6 =	seq.s32 s25, $0x1  }
0xab: {  	s24 =	simm.s32 @!p3 $0x80;
	s25 =	simm.s32 @!p3 $0xA500;
	p2 =	por p6, !p4  }
0xac: {  	[spmem:s2] =	stream.indirect.scatter.add.bf16 @!p3 [tilespmem:s25], [sflag:$0x7], $0x40, s22, s24, $0xb8;
	[tilespmem:$0x18500] =	vst v63  }
0xad: {  	p0 =	por @!p5 p0, p1;
	p1 =	seq.s32 s26, $0x1;
	s26 =	simm.s32 @!p2 $0x5  }
0xae: {  	_ =	swait.ge @!p2 [sflag:s26], $0x2000  }
0xaf: {  	s31 =	sld [smem:$0x7F3]  }
0xb0: {  	s25 =	sld [smem:$0x7F4]  }
0xb1: {  	s28 =	simm.s32 @!p5 $0x4  }
0xb2: {  	p0 =	por @p4 p0, p1;
	[sflag:s26] =	ssyncset.done @!p2 $0x0;
	p1 =	seq.s32 s31, $0x1  }
0xb3: {  	[sflag:s26] =	ssyncadd.s32 @!p2 $0xFFFFE000;
	p3 =	seq.s32 s25, $0x1;
	p6 =	por p1, p1  }
0xb4: {  	s25 =	simm.s32 @!p3 $0x6500;
	s26 =	simm.s32 @!p3 $0x80;
	p1 =	por !p6, p4  }
0xb5: {  	[tilespmem:s25], [sflag:$0x1] =	stream.indirect.gather @!p3 [hbm4b:s4+s26], $0x40, s23, s26, $0xb8;
	[tilespmem:$0x18500] =	vst v63  }
0xb6: {  	s24 =	simm.s32 @!p5 $0xC500;
	_ =	swait.ge @!p5 [sflag:s28], $0x2000;
	p2 =	sgt.u32 @!p1 s18, $0x35  }
0xb7: {  	p0 =	por p0, !p4;
	[sflag:s28] =	ssyncset.done @!p5 $0x0;
	p3 =	por @!p4 p2, !p6  }
0xb8: {  	s25 =	simm.s32 @!p5 $0x80;
	[sflag:s28] =	ssyncadd.s32 @!p5 $0xFFFFE000;
	p3 =	por p3, p4  }
0xb9: {  	[spmem:s2] =	stream.indirect.scatter.add.bf16 @!p5 [tilespmem:s24], [sflag:$0x8], $0x40, s22, s25, $0xb8;
	[tilespmem:$0x18500] =	vst v63  }
0xba: {  	s25 =	simm.s32 @!p0 $0x6;
	p5 =	slt.u32 @!p3 s18, $0x2  }
0xbb: {  	_ =	swait.ge @!p0 [sflag:s25], $0x2000;
	p2 =	por @!p1 p5, p2  }
0xbc: {  	s0 =	simm.s32 @!p3 $0x0;
	p2 =	por @!p4 p2, !p6;
	s31 =	sld [smem:$0x7F5]  }
0xbd: {  	s26 =	simm.s32 @!p1 $0x1;
	s0 =	simm.s32 @p3 $0x1;
	p2 =	por p2, p4  }
0xbe: {  	[sflag:s25] =	ssyncset.done @!p0 $0x0;
	[smem:$0x7FA] =	sst s0;
	s30 =	simm.s32 @!p2 $0x0  }
0xbf: {  	[sflag:s25] =	ssyncadd.s32 @!p0 $0xFFFFE000;
	p0 =	seq.s32 s31, $0x1;
	s30 =	simm.s32 @p2 $0x1  }
0xc0: {  	s31 =	simm.s32 @!p0 $0x80;
	s0 =	simm.s32 @!p0 $0x8500;
	[smem:$0x7FC] =	sst s30  }
0xc1: {  	[tilespmem:s0], [sflag:$0x2] =	stream.indirect.gather @!p0 [hbm4b:s4+s31], $0x40, s23, s31, $0xb8;
	[tilespmem:$0x18500] =	vst v63  }
0xc2: {  	_ =	swait.ge @!p1 [sflag:s26], $0x2000  }
0xc3: {  	s31 =	sld [smem:$0x7F6];
	_ =	sdelay $0x2  }
0xc4: {  	s30 =	simm.s32 @!p2 $0x7;
	p2 =	seq.s32 s31, $0x1  }
.Ltmp3:
0xc5: {  	s19 =	smov.u32 s22;
	s20 =	smov.u32 s23;
	(pc) =	sbr.rel @p2 .LBB2_6-.Ltmp3, $4  }
0xc6: {  	s29 =	simm.s32 @!p1 $0x80;
	s28 =	simm.s32 @!p1 $0x6500;
	s24 =	simm.s32 @!p3 $0x80  }
0xc7: {  	s25 =	simm.s32 @!p3 $0xA500;
	p3 =	por p6, p6;
	p6 =	por p6, p4  }
0xc8: {  	s22 =	sadd.s32 $0x80, s22;
	p5 =	sgt.u32 @!p6 s18, $0x35;
	p0 =	por p4, p4  }
0xc9: {  	p4 =	por p1, p1;
	s23 =	sadd.s32 $0x80, s23;
	[sflag:s26] =	ssyncset.done @!p1 $0x0  }
.Ltmp4:
0xca: {  	_ = 	snop;
	(pc) =	sbr.rel .LBB2_7-.Ltmp4, $1  }
0xcb: {  	_ =	sdelay $0x3  }
.LBB2_2:
0xcc: {  	[tilespmem:s18], [sflag:$0x9] =	stream.linear.gather [hbm4b:s7+s18], $0x3280, $0x38;
	[tilespmem:$0x18500] =	vst v63  }
0xcd: {  	_ =	swait.ge [sflag:s14], $0x3280  }
0xce: {  	[sflag:s14] =	ssyncset.done $0x0  }
0xcf: {  	s19 =	simm.s32 $0x3280;
	[sflag:s14] =	ssyncadd.s32 $0xFFFFCD80  }
0xd0: {  	[tilespmem:s19], [sflag:$0x9] =	stream.linear.gather [hbm4b:s8+s18], $0x3280, $0x38;
	[tilespmem:$0x18500] =	vst v63  }
0xd1: {  	_ =	swait.ge [sflag:s14], $0x3280  }
0xd2: {  	[sflag:s14] =	ssyncset.done $0x0  }
0xd3: {  	[sflag:s14] =	ssyncadd.s32 $0xFFFFCD80  }
0xd4: {  	[tilespmem:s16], [sflag:$0x1] =	stream.indirect.gather [hbm4b:s4+s15], $0x40, s18, s15, $0xb8;
	[tilespmem:$0x18500] =	vst v63  }
0xd5: {  	s20 =	simm.s32 $0x100  }
0xd6: {  	[tilespmem:s17], [sflag:$0x2] =	stream.indirect.gather [hbm4b:s4+s15], $0x40, s15, s15, $0xb8;
	[tilespmem:$0x18500] =	vst v63  }
.LBB2_3:
0xd7: {  	s21 =	sand.u32 $0x3, s18  }
0xd8: {  	p1 =	sgt.s32 s21, $0x1  }
0xd9: {  	p0 =	seq.s32 @p1 s21, $0x2  }
0xda: {  	p2 =	por !p0, !p1  }
0xdb: {  	s22 =	simm.s32 @!p2 $0x3;
	p3 =	sgt.u32 @!p2 s18, $0x62  }
0xdc: {  	_ =	swait.ge @!p2 [sflag:s22], $0x2000;
	p4 =	por @p1 p3, !p0  }
0xdd: {  	s23 =	simm.s32 @!p2 $0xA500;
	[sflag:s22] =	ssyncset.done @!p2 $0x0;
	p4 =	por p4, !p1  }
0xde: {  	[sflag:s22] =	ssyncadd.s32 @!p2 $0xFFFFE000;
	s22 =	simm.s32 @!p2 $0x80;
	p5 =	slt.u32 @!p4 s18, $0x2  }
0xdf: {  	[spmem:s2] =	stream.indirect.scatter.add.bf16 @!p2 [tilespmem:s23], [sflag:$0x7], $0x40, s19, s22, $0xb8;
	[tilespmem:$0x18500] =	vst v63  }
0xe0: {  	p2 =	por @!p2 p5, p3  }
0xe1: {  	p2 =	por @p1 p2, !p0  }
0xe2: {  	p2 =	por p2, !p1  }
0xe3: {  	s22 =	simm.s32 @!p2 $0x5  }
0xe4: {  	_ =	swait.ge @!p2 [sflag:s22], $0x2000  }
0xe5: {  	s23 =	simm.s32 @!p4 $0x6500;
	[sflag:s22] =	ssyncset.done @!p2 $0x0  }
0xe6: {  	[sflag:s22] =	ssyncadd.s32 @!p2 $0xFFFFE000;
	s22 =	simm.s32 @!p4 $0x80;
	p2 =	por p0, !p1  }
0xe7: {  	[tilespmem:s23], [sflag:$0x1] =	stream.indirect.gather @!p4 [hbm4b:s4+s22], $0x40, s20, s22, $0xb8;
	[tilespmem:$0x18500] =	vst v63  }
0xe8: {  	s22 =	simm.s32 @!p2 $0x4;
	p3 =	sgt.u32 @!p2 s18, $0x62  }
0xe9: {  	_ =	swait.ge @!p2 [sflag:s22], $0x2000;
	p4 =	por @p1 p3, p0  }
0xea: {  	s23 =	simm.s32 @!p2 $0xC500;
	[sflag:s22] =	ssyncset.done @!p2 $0x0;
	p4 =	por p4, !p1  }
0xeb: {  	[sflag:s22] =	ssyncadd.s32 @!p2 $0xFFFFE000;
	s22 =	simm.s32 @!p2 $0x80;
	p5 =	slt.u32 @!p4 s18, $0x2  }
0xec: {  	[spmem:s2] =	stream.indirect.scatter.add.bf16 @!p2 [tilespmem:s23], [sflag:$0x8], $0x40, s19, s22, $0xb8;
	[tilespmem:$0x18500] =	vst v63  }
0xed: {  	p2 =	por @!p2 p5, p3  }
0xee: {  	p0 =	por @p1 p2, p0  }
0xef: {  	p0 =	por p0, !p1  }
0xf0: {  	s22 =	simm.s32 @!p0 $0x6  }
0xf1: {  	_ =	swait.ge @!p0 [sflag:s22], $0x2000  }
0xf2: {  	s23 =	simm.s32 @!p4 $0x8500;
	[sflag:s22] =	ssyncset.done @!p0 $0x0  }
0xf3: {  	[sflag:s22] =	ssyncadd.s32 @!p0 $0xFFFFE000;
	s22 =	simm.s32 @!p4 $0x80;
	p0 =	seq.s32 @!p1 s21, $0x0  }
0xf4: {  	[tilespmem:s23], [sflag:$0x2] =	stream.indirect.gather @!p4 [hbm4b:s4+s22], $0x40, s20, s22, $0xb8;
	[tilespmem:$0x18500] =	vst v63  }
0xf5: {  	p2 =	por !p0, p1  }
0xf6: {  	s21 =	simm.s32 @!p2 $0x1;
	p3 =	sgt.u32 @!p2 s18, $0x62  }
0xf7: {  	_ =	swait.ge @!p2 [sflag:s21], $0x2000;
	p4 =	por @!p1 p3, !p0  }
0xf8: {  	s22 =	simm.s32 @!p2 $0x6500;
	[sflag:s21] =	ssyncset.done @!p2 $0x0;
	p4 =	por p4, p1  }
0xf9: {  	[sflag:s21] =	ssyncadd.s32 @!p2 $0xFFFFE000;
	s21 =	simm.s32 @!p2 $0x80;
	p5 =	slt.u32 @!p4 s18, $0x2  }
0xfa: {  	[spmem:s2] =	stream.indirect.scatter.add.bf16 @!p2 [tilespmem:s22], [sflag:$0x5], $0x40, s19, s21, $0xb8;
	[tilespmem:$0x18500] =	vst v63  }
0xfb: {  	p2 =	por @!p2 p5, p3  }
0xfc: {  	p2 =	por @!p1 p2, !p0  }
0xfd: {  	p2 =	por p2, p1  }
0xfe: {  	s21 =	simm.s32 @!p2 $0x7  }
0xff: {  	_ =	swait.ge @!p2 [sflag:s21], $0x2000  }
0x100: {  	s22 =	simm.s32 @!p4 $0xA500;
	[sflag:s21] =	ssyncset.done @!p2 $0x0  }
0x101: {  	[sflag:s21] =	ssyncadd.s32 @!p2 $0xFFFFE000;
	s21 =	simm.s32 @!p4 $0x80;
	p2 =	por p0, p1  }
0x102: {  	[tilespmem:s22], [sflag:$0x3] =	stream.indirect.gather @!p4 [hbm4b:s4+s21], $0x40, s20, s21, $0xb8;
	[tilespmem:$0x18500] =	vst v63  }
0x103: {  	s21 =	simm.s32 @!p2 $0x2;
	p3 =	sgt.u32 @!p2 s18, $0x62  }
0x104: {  	_ =	swait.ge @!p2 [sflag:s21], $0x2000;
	p4 =	por @!p1 p3, p0  }
0x105: {  	s22 =	simm.s32 @!p2 $0x8500;
	[sflag:s21] =	ssyncset.done @!p2 $0x0;
	p4 =	por p4, p1  }
0x106: {  	[sflag:s21] =	ssyncadd.s32 @!p2 $0xFFFFE000;
	s21 =	simm.s32 @!p2 $0x80;
	p5 =	slt.u32 @!p4 s18, $0x2  }
0x107: {  	[spmem:s2] =	stream.indirect.scatter.add.bf16 @!p2 [tilespmem:s22], [sflag:$0x6], $0x40, s19, s21, $0xb8;
	[tilespmem:$0x18500] =	vst v63  }
0x108: {  	p2 =	por @!p2 p5, p3  }
0x109: {  	p0 =	por @!p1 p2, p0  }
0x10a: {  	p0 =	por p0, p1  }
0x10b: {  	s21 =	simm.s32 @!p0 $0x8  }
0x10c: {  	_ =	swait.ge @!p0 [sflag:s21], $0x2000  }
0x10d: {  	s18 =	sadd.s32 $0x1, s18;
	[sflag:s21] =	ssyncset.done @!p0 $0x0  }
0x10e: {  	[sflag:s21] =	ssyncadd.s32 @!p0 $0xFFFFE000;
	p0 =	seq.s32 s18, $0x65  }
.Ltmp5:
0x10f: {  	_ = 	snop;
	(pc) =	sbr.rel @!p0 .LBB2_3-.Ltmp5, $4  }
0x110: {  	_ = 	snop  }
0x111: {  	s22 =	simm.s32 @!p4 $0xC500;
	s21 =	simm.s32 @!p4 $0x80  }
0x112: {  	[tilespmem:s22], [sflag:$0x4] =	stream.indirect.gather @!p4 [hbm4b:s4+s21], $0x40, s20, s21, $0xb8;
	[tilespmem:$0x18500] =	vst v63  }
0x113: {  	s19 =	sadd.s32 $0x80, s19;
	s20 =	sadd.s32 $0x80, s20  }
.Ltmp6:
0x114: {  	(pc) =	sbr.rel .LBB2_8-.Ltmp6, $3  }
0x115: {  	_ =	sdelay $0x1  }
0x116: {  	s18 =	simm.s32 $0x5  }
0x117: {  	s19 =	simm.s32 $0x8;
	s20 =	simm.s32 $0x7;
	s21 =	simm.s32 $0x6  }
.LBB2_9:
0x118: {  	_ =	sfence.sel $0x180000  }
0x119: {  	[bflag:$0x0] =	sbarrier.arrive $0xFFFF  }
0x11a: {  	_ =	strace $0x9000004A  }
0x11b: {  	[bflag:$0x2] =	sbarrier.arrive $0xFFFF  }
0x11c: {  	p0 =	sne.s32 s1, $0x0;
	s0 =	rddreg [dreg:$0x3]  }
0x11d: {  	s0 =	sadd.s32 @!p0 $0x100000, s0  }
0x11e: {  	[sflag:s0] =	ssyncadd.tile.s32 @!p0 $0x1;
	_ =	shalt  }
.Lfunc_end2:
_tile_overlayer_lowered:
.L_overlay_start_2:
0x11f: {  	(tag) =	ssettag $0x2  }
0x120: {  	s0 =	rddreg [dreg:$0x0];
	s2 =	stileid.u32  }
0x121: {  	s1 =	rddreg [dreg:$0x1];
	p0 =	sne.s32 s2, $0x0  }
0x122: {  	s3 =	rddreg [dreg:$0x2];
	[bflag:$0x3] =	sbarrier.arrive $0xFFFF;
	s2 =	simm.s32 @!p0 $0x1C09  }
0x123: {  	[timem:s3], [sflag:s2] =	dma.local @!p0 [hbm:s0], s1  }
0x124: {  	s0 =	simm.s32 @!p0 $0x9  }
0x125: {  	_ =	swait.ge @!p0 [sflag:s0], s1  }
0x126: {  	s1 =	ssub.s32 @!p0 $0x0, s1;
	[sflag:s0] =	ssyncset.done @!p0 $0x0  }
0x127: {  	[sflag:s0] =	ssyncadd.s32 @!p0 s1  }
0x128: {  	[bflag:$0x3] =	sbarrier.arrive $0xFFFF  }
0x129: {  	_ =	shalt  }

// kernel: kernel.7.cloned.1.call-start
scs
__scs_entry_jumppad:
0x0: {  	(pc) =	sbr.rel $0x88, $3  }
0x1: {  	(tag) =	ssettag $0x0;
	lr =	simm.s32 $0x1  }
0x2: {  	[smem:$0x3F99] =	sst lr;
	_ =	strace $0xD0000000  }
0x3: {  	_ = 	snop  }
0x4: {  	_ = 	snop  }
0x5: {  	_ = 	snop  }
0x6: {  	_ = 	snop  }
0x7: {  	_ = 	snop  }
__scs_overlays_trampoline_lowered:
0x8: {  	[smem:$0x3FA8] =	sst s0  }
0x9: {  	[smem:$0x3FA9] =	sst s1  }
0xa: {  	[smem:$0x3FAA] =	sst s2  }
0xb: {  	[smem:$0x3FAB] =	sst s3  }
0xc: {  	[smem:$0x3FAC] =	sst s4  }
0xd: {  	[smem:$0x3FAD] =	sst s5  }
0xe: {  	[smem:$0x3FAE] =	sst s6  }
0xf: {  	[smem:$0x3FAF] =	sst s7  }
0x10: {  	[smem:$0x3FB0] =	sst s8  }
0x11: {  	[smem:$0x3FB1] =	sst s9;
	s0 =	simm.s32 @!p0 $0x0  }
0x12: {  	s1 =	sld [smem:$0x3F97];
	s0 =	simm.s32 @p0 $0x1  }
0x13: {  	[smem:$0x3FB2] =	sst s0;
	s0 =	simm.s32 @!p1 $0x0  }
0x14: {  	s2 =	sld [smem:$0x3F96];
	s0 =	simm.s32 @p1 $0x1  }
0x15: {  	[smem:$0x3FB3] =	sst s0;
	s0 =	simm.s32 @!p2 $0x0  }
0x16: {  	s3 =	sld [smem:$0x3FDB];
	s0 =	simm.s32 @p2 $0x1  }
0x17: {  	s4 =	simm.s32 $0x1BF5;
	[smem:$0x3FB5] =	sst s0  }
0x18: {  	s0 =	sld [smem:$0x3F98];
	_ =	swait.ge [sflag:s4], $0x0  }
0x19: {  	s7 =	sld [smem:$0x3F99]  }
0x1a: {  	s8 =	sadd.s32 $0xFFFFE003, lr  }
0x1b: {  	s9 =	sadd.s32 $0xFFFFFEF7, lr;
	s5 =	simm.s32 $0xFFFFFFFF;
	p2 =	slt.u32 s8, $0xFFFFF086  }
0x1c: {  	p1 =	slt.u32 s9, $0xF7A;
	s5 =	simm.s32 @!p2 $0x0  }
0x1d: {  	s5 =	simm.s32 @p1 $0x1;
	p0 =	seq.s32 s7, s2  }
0x1e: {  	s7 =	smul.u32 @!p0 $0xF7A, s2;
	p2 =	seq.s32 @!p0 s5, $0x0  }
0x1f: {  	s9 =	smul.u32 $0xF7A, s1;
	s8 =	simm.s32 @!p0 $0x1BF5;
	p2 =	por !p2, p0  }
0x20: {  	[sflag:s8] =	ssyncset.s32 @!p0 $0xFFFFF086;
	s6 =	sadd.s32 @!p0 s3, s7;
	s7 =	simm.s32 @!p0 $0x108  }
0x21: {  	s3 =	sadd.s32 s3, s9;
	s6 =	sadd.s32 @!p0 $0x88, s6;
	s7 =	simm.s32 @p2 $0x1082  }
0x22: {  	[simem:s7], [sflag:s8] =	dma.local @!p0 [hbm:s6], $0xF7A  }
0x23: {  	s9 =	sor.u32 $0xD0000000, s2;
	s6 =	simm.s32 $0x108;
	_ =	swait.ge @!p0 [sflag:s8], $0x0  }
0x24: {  	s3 =	sadd.s32 $0x88, s3;
	s6 =	simm.s32 @!p1 $0x1082;
	[sflag:s4] =	ssyncset.s32 $0xFFFFF086  }
0x25: {  	[simem:s6], [sflag:s4] =	dma.local [hbm:s3], $0xF7A  }
0x26: {  	[smem:$0x3F99] =	sst s1;
	(tag) =	ssettag s2;
	_ =	strace s9  }
0x27: {  	s1 =	sld [smem:$0x3FA9]  }
0x28: {  	s2 =	sld [smem:$0x3FAA]  }
0x29: {  	s4 =	sld [smem:$0x3FAC]  }
0x2a: {  	p0 =	seq.s32 s5, $0x0;
	s5 =	sld [smem:$0x3FAD]  }
0x2b: {  	s6 =	sld [smem:$0x3FAE]  }
0x2c: {  	s7 =	sld [smem:$0x3FAF]  }
0x2d: {  	s3 =	simm.s32 $0x108;
	s8 =	sld [smem:$0x3FB0]  }
0x2e: {  	s3 =	simm.s32 @!p0 $0x1082;
	s9 =	sld [smem:$0x3FB1]  }
0x2f: {  	lr =	sadd.s32 s0, s3;
	s0 =	sld [smem:$0x3FA8]  }
0x30: {  	s3 =	sld [smem:$0x3FAB]  }
0x31: {  	[smem:$0x3FB4] =	sst s10  }
0x32: {  	s10 =	sld [smem:$0x3FB2];
	_ =	sdelay $0x3  }
0x33: {  	p0 =	seq.s32 s10, $0x1;
	s10 =	sld [smem:$0x3FB4];
	_ =	sdelay $0x3  }
0x34: {  	[smem:$0x3FB4] =	sst s10  }
0x35: {  	s10 =	sld [smem:$0x3FB3];
	_ =	sdelay $0x3  }
0x36: {  	p1 =	seq.s32 s10, $0x1;
	s10 =	sld [smem:$0x3FB4];
	_ =	sdelay $0x3  }
0x37: {  	[smem:$0x3FB4] =	sst s10  }
0x38: {  	s10 =	sld [smem:$0x3FB5]  }
0x39: {  	_ = 	snop;
	(pc) =	sbr.ind lr, $3  }
0x3a: {  	_ = 	snop  }
0x3b: {  	_ = 	snop  }
0x3c: {  	p2 =	seq.s32 s10, $0x1;
	s10 =	sld [smem:$0x3FB4]  }
0x3d: {  	_ =	shalt  }
0x3e: {  	_ =	shalt  }
0x3f: {  	_ =	shalt  }
0x40: {  	_ =	shalt  }
0x41: {  	_ =	shalt  }
0x42: {  	_ =	shalt  }
0x43: {  	_ =	shalt  }
0x44: {  	_ =	shalt  }
0x45: {  	_ =	shalt  }
0x46: {  	_ =	shalt  }
0x47: {  	_ =	shalt  }
0x48: {  	_ =	shalt  }
0x49: {  	_ =	shalt  }
0x4a: {  	_ =	shalt  }
0x4b: {  	_ =	shalt  }
0x4c: {  	_ =	shalt  }
0x4d: {  	_ =	shalt  }
0x4e: {  	_ =	shalt  }
0x4f: {  	_ =	shalt  }
0x50: {  	_ =	shalt  }
0x51: {  	_ =	shalt  }
0x52: {  	_ =	shalt  }
0x53: {  	_ =	shalt  }
0x54: {  	_ =	shalt  }
0x55: {  	_ =	shalt  }
0x56: {  	_ =	shalt  }
0x57: {  	_ =	shalt  }
0x58: {  	_ =	shalt  }
0x59: {  	_ =	shalt  }
0x5a: {  	_ =	shalt  }
0x5b: {  	_ =	shalt  }
0x5c: {  	_ =	shalt  }
0x5d: {  	_ =	shalt  }
0x5e: {  	_ =	shalt  }
0x5f: {  	_ =	shalt  }
0x60: {  	_ =	shalt  }
0x61: {  	_ =	shalt  }
0x62: {  	_ =	shalt  }
0x63: {  	_ =	shalt  }
0x64: {  	_ =	shalt  }
0x65: {  	_ =	shalt  }
0x66: {  	_ =	shalt  }
0x67: {  	_ =	shalt  }
0x68: {  	_ =	shalt  }
0x69: {  	_ =	shalt  }
0x6a: {  	_ =	shalt  }
0x6b: {  	_ =	shalt  }
0x6c: {  	_ =	shalt  }
0x6d: {  	_ =	shalt  }
0x6e: {  	_ =	shalt  }
0x6f: {  	_ =	shalt  }
0x70: {  	_ =	shalt  }
0x71: {  	_ =	shalt  }
0x72: {  	_ =	shalt  }
0x73: {  	_ =	shalt  }
0x74: {  	_ =	shalt  }
0x75: {  	_ =	shalt  }
0x76: {  	_ =	shalt  }
0x77: {  	_ =	shalt  }
0x78: {  	_ =	shalt  }
0x79: {  	_ =	shalt  }
0x7a: {  	_ =	shalt  }
0x7b: {  	_ =	shalt  }
0x7c: {  	_ =	shalt  }
0x7d: {  	_ =	shalt  }
0x7e: {  	_ =	shalt  }
0x7f: {  	_ =	shalt  }
0x80: {  	_ =	shalt  }
0x81: {  	_ =	shalt  }
0x82: {  	_ =	shalt  }
0x83: {  	_ =	shalt  }
0x84: {  	_ =	shalt  }
0x85: {  	_ =	shalt  }
0x86: {  	_ =	shalt  }
0x87: {  	_ =	shalt  }
.Lfunc_end0:
.L_simem_size_0:
called_computation_lowered:
.L_overlay_start_0:
0x88: {  	s2 =	sld [smem:$0x3FD9]  }
0x89: {  	s3 =	sld [smem:$0x3FFE];
	_ =	sdelay $0x1  }
0x8a: {  	s1 =	srdreg.scid  }
0x8b: {  	s0 =	sand.u32 $0x1, s1  }
0x8c: {  	s17 =	sshll.u32 s0, $0xA;
	s2 =	sadd.s32 s3, s2  }
0x8d: {  	s2 =	sadd.s32 s2, s17  }
0x8e: {  	[smem:$0x3FC0] =	sst s2  }
0x8f: {  	_ = 	snop  }
0x90: {  	s2 =	sld [smem:$0x3FD0];
	(tm) =	ssettm $0x1  }
0x91: {  	s18 =	sld [smem:$0x3FFB];
	_ =	sdelay $0x3  }
0x92: {  	_ =	strace s18  }
0x93: {  	s3 =	sld [smem:$0x3FFC];
	_ =	sdelay $0x3  }
0x94: {  	_ =	strace s3  }
0x95: {  	s3 =	sld [smem:$0x3FFD];
	_ =	sdelay $0x3  }
0x96: {  	_ =	strace s3  }
0x97: {  	_ =	strace $0x8FFFFFFF  }
0x98: {  	s19 =	sld [smem:$0x3FDB];
	_ =	sdelay $0x1  }
0x99: {  	s4 =	simm.s32 $_scs_section_size  }
0x9a: {  	s5 =	simm.s32 $_size__tile_overlayer_lowered;
	s6 =	simm.s32 $_tile_overlayer_lowered  }
0x9b: {  	s22 =	simm.s32 $0x1BFF;
	s21 =	sshll.u32 s6, $0x1;
	s3 =	sadd.s32 s4, s19  }
0x9c: {  	s7 =	simm.s32 $0x0;
	s20 =	sshll.u32 s5, $0x1;
	s5 =	sadd.s32 s21, s3  }
0x9d: {  	[timem:s7], [sflag:s22] =	dma.local [hbm:s5], s20  }
0x9e: {  	_ =	swait.ge [sflag:s22], s20  }
0x9f: {  	s4 =	ssub.s32 $0x0, s20;
	[sflag:s22] =	ssyncset.done $0x0  }
0xa0: {  	[sflag:s22] =	ssyncadd.s32 s4;
	_ =	sdelay $0x1  }
0xa1: {  	s23 =	simm.s32 $0x1B8B  }
0xa2: {  	_ =	swait.ge [sflag:s23], $0x1  }
0xa3: {  	[sflag:s23] =	ssyncset.done $0x0  }
0xa4: {  	s25 =	simm.s32 $0x1B8E;
	s24 =	sld [smem:$0x3FFE];
	[sflag:s23] =	ssyncadd.s32 $0xFFFFFFFF  }
0xa5: {  	s26 =	simm.s32 $execute0_lowered;
	[smem:$0x3FD2] =	sst s25  }
0xa6: {  	s5 =	sshll.u32 s26, $0x1;
	_ =	strace $0x80000046;
	[dreg:$0x1] =	wrdreg $0xFFFFFFFF  }
0xa7: {  	s28 =	simm.s32 $_size_execute0_lowered;
	s3 =	sadd.s32 s3, s5;
	[dreg:$0x0] =	wrdreg $0x0  }
0xa8: {  	s5 =	sshll.u32 s28, $0x1;
	[dreg:$0x2] =	wrdreg s3  }
0xa9: {  	[dreg:$0x3] =	wrdreg s5  }
0xaa: {  	[dreg:$0x4] =	wrdreg $0xC0  }
0xab: {  	_ =	task [dreg:s7], $0x5FFFF  }
0xac: {  	[dreg:$0x1] =	wrdreg $0xFFFFFFFF  }
0xad: {  	[dreg:$0x0] =	wrdreg $0x60  }
0xae: {  	[dreg:$0x2] =	wrdreg s24  }
0xaf: {  	[dreg:$0x3] =	wrdreg s2  }
0xb0: {  	[dreg:$0x4] =	wrdreg $0xE5000  }
0xb1: {  	[dreg:$0x5] =	wrdreg $0x1B2000  }
0xb2: {  	[dreg:$0x6] =	wrdreg $0x9  }
0xb3: {  	_ =	task.clear_ibuf [dreg:s7], $0x7FFFF;
	_ =	strace $0x90000046  }
0xb4: {  	s29 =	simm.s32 $0x9;
	_ =	strace $0x80000048  }
0xb5: {  	_ =	swait.ge [sflag:s29], $0x1  }
0xb6: {  	[sflag:s29] =	ssyncadd.s32 $0xFFFFFFFF  }
0xb7: {  	_ =	strace $0x90000048  }
0xb8: {  	_ =	sfence  }
0xb9: {  	s30 =	sld [smem:$0x0];
	_ =	sdelay $0x2  }
0xba: {  	s31 =	sshll.u32 s1, $0xD;
	s1 =	sshrl.u32 s1, $0x2  }
0xbb: {  	s3 =	sand.u32 $0x4000, s31;
	s1 =	sadd.s32 s1, s30  }
0xbc: {  	s0 =	sor.u32 s3, s0;
	s1 =	sshll.u32 s1, $0x11  }
0xbd: {  	s0 =	sor.u32 s1, s0  }
0xbe: {  	s0 =	sadd.s32 $0x8F2B, s0  }
0xbf: {  	[sflag:s0] =	ssyncadd.remote.s32 $0x1  }
0xc0: {  	_ =	sfence.sel $0xFFFF  }
0xc1: {  	[dreg:$0x0] =	wrdreg $0xFFFFFFFF;
	(pc) =	sbr.abs _section_cstart, $3  }
0xc2: {  	[dreg:$0x1] =	wrdreg $0xFFFFFFFF  }
0xc3: {  	_ =	task.clear_ibuf [dreg:s7], $0x2FFFF;
	_ =	strace $0x9FFFFFFF  }
0xc4: {  	(tm) =	ssettm $0x7FFFFFFF  }
0xc5: {  	_ =	shalt  }
tec
execute0_lowered:
.L_overlay_start_1:
0x0: {  	(tag) =	ssettag $0x1  }
0x1: {  	s15 =	rddreg [dreg:$0x0]  }
0x2: {  	s6 =	rddreg [dreg:$0x1]  }
0x3: {  	s2 =	rddreg [dreg:$0x2]  }
0x4: {  	s14 =	rddreg [dreg:$0x3];
	s1 =	stileid.u32  }
0x5: {  	s4 =	srdreg.scid;
	s3 =	simm.s32 $0x0;
	s7 =	smul.u32 $0x14000, s1  }
0x6: {  	s21 =	simm.s32 $0x51C00;
	s22 =	simm.s32 $0x8500;
	s18 =	smul.u32 $0x280, s1  }
0x7: {  	s23 =	simm.s32 $0x1AF80;
	s24 =	simm.s32 $0x1AD00;
	s26 =	smul.u32 $0x1C00, s1  }
0x8: {  	s17 =	sand.u32 $0x1, s4;
	[smem:$0x7FF] =	sst s3;
	s30 =	smul.u32 $0x650, s1  }
0x9: {  	s10 =	sadd.s32 $0x1F800, s15;
	s11 =	sadd.s32 $0x15A00, s15;
	s20 =	smul.u32 $0xA000, s1  }
0xa: {  	s4 =	sadd.s32 $0x2000, s15;
	s28 =	sshll.u32 s1, $0x6;
	s5 =	smul.u32 $0x140000, s17  }
0xb: {  	_ =	strace $0x80000047;
	s9 =	ssub.s32 $0x2, s17;
	p0 =	seq.s32 s17, $0x0  }
0xc: {  	s12 =	sshrl.u32 s9, $0x1;
	s25 =	sshrl.u32 s7, $0x1;
	s29 =	sshrl.u32 s26, $0x3  }
0xd: {  	s20 =	sshrl.u32 s20, $0x2;
	s21 =	simm.s32 @!p0 $0x52200;
	p0 =	sne.s32 s17, $0x0  }
0xe: {  	s8 =	sadd.s32 s7, s5;
	s5 =	sadd.s32 $0x29600, s15;
	s16 =	ssub.s32 s9, s12  }
0xf: {  	s7 =	sshrl.u32 s7, $0x4;
	s19 =	sadd.s32 s25, s2;
	s9 =	sadd.s32 $0x6500, s29  }
0x10: {  	s31 =	sadd.s32 s21, s15;
	s21 =	simm.s32 $0x6500;
	s25 =	simm.s32 $0x0  }
0x11: {  	s8 =	sshrl.u32 s8, $0x4;
	s6 =	sadd.s32 s6, s7;
	s7 =	sor.u32 $0x1C09, s28  }
0x12: {  	s17 =	sshrl.u32 s19, $0x3;
	s19 =	simm.s32 $0x18500;
	s13 =	sadd.s32 s8, s15  }
0x13: {  	s8 =	sadd.s32 s10, s9;
	s9 =	sadd.s32 s11, s9;
	s10 =	sadd.s32 s10, s30  }
0x14: {  	s11 =	sadd.s32 s11, s30;
	s15 =	smax.u32 s16, $0x1;
	s12 =	sadd.s32 $0x29C00, s13  }
0x15: {  	s13 =	sadd.s32 s20, s14;
	s14 =	sadd.s32 s18, s14;
	s18 =	sshrl.u32 s18, $0x3  }
0x16: {  	v0 =	vimm.f32 $1.000000000e+00;
	s20 =	simm.s32 $0x80;
	s16 =	sadd.s32 s31, s18;
	s18 =	simm.s32 $0x9  }
.LBB2_1:
0x17: {  	[spmem:s17], [sflag:s7] =	dma.local [hbm:s6], $0x1400  }
0x18: {  	_ =	swait.ge [sflag:s18], $0x1400  }
0x19: {  	[sflag:s18] =	ssyncset.done $0x0  }
0x1a: {  	[sflag:s18] =	ssyncadd.s32 $0xFFFFEC00  }
0x1b: {  	[tilespmem:s19], [sflag:$0x9] =	stream.linear.gather [hbm4b:s5+s3], $0x2800, $0x38;
	[tilespmem:$0x1DA00] =	vst v63  }
.Ltmp0:
0x1c: {  	_ =	swait.ge [sflag:s18], $0x2800;
	(pc) =	sbr.rel @p0 .LBB2_5-.Ltmp0, $4  }
0x1d: {  	[sflag:s18] =	ssyncset.done $0x0  }
0x1e: {  	[sflag:s18] =	ssyncadd.s32 $0xFFFFD800  }
0x1f: {  	[bflag:$0x0] =	sbarrier.arrive $0xFFFF  }
0x20: {  	s26 =	simm.s32 $0x0  }
0x21: {  	[tilespmem:s26], [sflag:$0x9] =	stream.linear.gather [hbm4b:s10+s26], $0x3280, $0x38;
	[tilespmem:$0x1DA00] =	vst v63  }
0x22: {  	_ =	swait.ge [sflag:s18], $0x3280  }
0x23: {  	[sflag:s18] =	ssyncset.done $0x0  }
0x24: {  	s28 =	simm.s32 $0x3280;
	[sflag:s18] =	ssyncadd.s32 $0xFFFFCD80  }
0x25: {  	[tilespmem:s28], [sflag:$0x9] =	stream.linear.gather [hbm4b:s11+s26], $0x3280, $0x38;
	[tilespmem:$0x1DA00] =	vst v63  }
0x26: {  	_ =	swait.ge [sflag:s18], $0x3280  }
0x27: {  	[sflag:s18] =	ssyncset.done $0x0  }
0x28: {  	[sflag:s18] =	ssyncadd.s32 $0xFFFFCD80  }
0x29: {  	[tilespmem:s21], [sflag:$0x1] =	stream.indirect.gather [hbm4b:s4+s20], $0x40, s26, s20, $0xb8;
	[tilespmem:$0x1DA00] =	vst v63  }
0x2a: {  	s29 =	simm.s32 $0x100  }
0x2b: {  	[tilespmem:s22], [sflag:$0x2] =	stream.indirect.gather [hbm4b:s4+s20], $0x40, s20, s20, $0xb8;
	[tilespmem:$0x1DA00] =	vst v63  }
.LBB2_3:
0x2c: {  	v1 =	vld [tilespmem:s28+$0x0];
	_ =	sdelay $0x7  }
0x2d: {  	[tilespmem:v1+s19+$0x0] =	vst.idx.add.f32.msk $0xffff, v0  }
0x2e: {  	v1 =	vld [tilespmem:s28+$0x10];
	_ =	sdelay $0x7  }
0x2f: {  	[tilespmem:v1+s19+$0x0] =	vst.idx.add.f32.msk $0xffff, v0  }
0x30: {  	v1 =	vld [tilespmem:s28+$0x20];
	_ =	sdelay $0x7  }
0x31: {  	[tilespmem:v1+s19+$0x0] =	vst.idx.add.f32.msk $0xffff, v0  }
0x32: {  	v1 =	vld [tilespmem:s28+$0x30];
	_ =	sdelay $0x7  }
0x33: {  	[tilespmem:v1+s19+$0x0] =	vst.idx.add.f32.msk $0xffff, v0  }
0x34: {  	v1 =	vld [tilespmem:s28+$0x40];
	_ =	sdelay $0x7  }
0x35: {  	[tilespmem:v1+s19+$0x0] =	vst.idx.add.f32.msk $0xffff, v0  }
0x36: {  	v1 =	vld [tilespmem:s28+$0x50];
	_ =	sdelay $0x7  }
0x37: {  	[tilespmem:v1+s19+$0x0] =	vst.idx.add.f32.msk $0xffff, v0  }
0x38: {  	v1 =	vld [tilespmem:s28+$0x60];
	_ =	sdelay $0x7  }
0x39: {  	[tilespmem:v1+s19+$0x0] =	vst.idx.add.f32.msk $0xffff, v0  }
0x3a: {  	v1 =	vld [tilespmem:s28+$0x70];
	_ =	sdelay $0x3  }
0x3b: {  	s30 =	sand.u32 $0x3, s26  }
0x3c: {  	p1 =	sgt.s32 s30, $0x1  }
0x3d: {  	p2 =	seq.s32 @p1 s30, $0x2  }
0x3e: {  	p3 =	por !p2, !p1  }
0x3f: {  	s31 =	simm.s32 @!p3 $0x3;
	p4 =	sgt.u32 @!p3 s26, $0x62;
	[tilespmem:v1+s19+$0x0] =	vst.idx.add.f32.msk $0xffff, v0  }
0x40: {  	p5 =	por @p1 p4, !p2;
	_ =	swait.ge @!p3 [sflag:s31], $0x2000  }
0x41: {  	s0 =	simm.s32 @!p3 $0xA500;
	p5 =	por p5, !p1;
	[sflag:s31] =	ssyncset.done @!p3 $0x0  }
0x42: {  	p6 =	slt.u32 @!p5 s26, $0x2;
	[sflag:s31] =	ssyncadd.s32 @!p3 $0xFFFFE000;
	s31 =	simm.s32 @!p3 $0x80  }
0x43: {  	[spmem:s2] =	stream.indirect.scatter.add.bf16 @!p3 [tilespmem:s0], [sflag:$0x7], $0x40, s28, s31, $0xb8;
	[tilespmem:$0x1DA00] =	vst v63  }
0x44: {  	p3 =	por @!p3 p6, p4  }
0x45: {  	p3 =	por @p1 p3, !p2  }
0x46: {  	p3 =	por p3, !p1  }
0x47: {  	s0 =	simm.s32 @!p3 $0x5  }
0x48: {  	_ =	swait.ge @!p3 [sflag:s0], $0x2000  }
0x49: {  	s31 =	simm.s32 @!p5 $0x6500;
	[sflag:s0] =	ssyncset.done @!p3 $0x0  }
0x4a: {  	[sflag:s0] =	ssyncadd.s32 @!p3 $0xFFFFE000;
	s0 =	simm.s32 @!p5 $0x80;
	p3 =	por p2, !p1  }
0x4b: {  	[tilespmem:s31], [sflag:$0x1] =	stream.indirect.gather @!p5 [hbm4b:s4+s0], $0x40, s29, s0, $0xb8;
	[tilespmem:$0x1DA00] =	vst v63  }
0x4c: {  	s0 =	simm.s32 @!p3 $0x4;
	p4 =	sgt.u32 @!p3 s26, $0x62  }
0x4d: {  	_ =	swait.ge @!p3 [sflag:s0], $0x2000;
	p5 =	por @p1 p4, p2  }
0x4e: {  	s31 =	simm.s32 @!p3 $0xC500;
	[sflag:s0] =	ssyncset.done @!p3 $0x0;
	p5 =	por p5, !p1  }
0x4f: {  	[sflag:s0] =	ssyncadd.s32 @!p3 $0xFFFFE000;
	s0 =	simm.s32 @!p3 $0x80;
	p6 =	slt.u32 @!p5 s26, $0x2  }
0x50: {  	[spmem:s2] =	stream.indirect.scatter.add.bf16 @!p3 [tilespmem:s31], [sflag:$0x8], $0x40, s28, s0, $0xb8;
	[tilespmem:$0x1DA00] =	vst v63  }
0x51: {  	p3 =	por @!p3 p6, p4  }
0x52: {  	p2 =	por @p1 p3, p2  }
0x53: {  	p2 =	por p2, !p1  }
0x54: {  	s0 =	simm.s32 @!p2 $0x6  }
0x55: {  	_ =	swait.ge @!p2 [sflag:s0], $0x2000  }
0x56: {  	s31 =	simm.s32 @!p5 $0x8500;
	[sflag:s0] =	ssyncset.done @!p2 $0x0  }
0x57: {  	[sflag:s0] =	ssyncadd.s32 @!p2 $0xFFFFE000;
	s0 =	simm.s32 @!p5 $0x80;
	p2 =	seq.s32 @!p1 s30, $0x0  }
0x58: {  	[tilespmem:s31], [sflag:$0x2] =	stream.indirect.gather @!p5 [hbm4b:s4+s0], $0x40, s29, s0, $0xb8;
	[tilespmem:$0x1DA00] =	vst v63  }
0x59: {  	p3 =	por !p2, p1  }
0x5a: {  	s0 =	simm.s32 @!p3 $0x1;
	p4 =	sgt.u32 @!p3 s26, $0x62  }
0x5b: {  	_ =	swait.ge @!p3 [sflag:s0], $0x2000;
	p5 =	por @!p1 p4, !p2  }
0x5c: {  	s30 =	simm.s32 @!p3 $0x6500;
	[sflag:s0] =	ssyncset.done @!p3 $0x0;
	p5 =	por p5, p1  }
0x5d: {  	[sflag:s0] =	ssyncadd.s32 @!p3 $0xFFFFE000;
	s0 =	simm.s32 @!p3 $0x80;
	p6 =	slt.u32 @!p5 s26, $0x2  }
0x5e: {  	[spmem:s2] =	stream.indirect.scatter.add.bf16 @!p3 [tilespmem:s30], [sflag:$0x5], $0x40, s28, s0, $0xb8;
	[tilespmem:$0x1DA00] =	vst v63  }
0x5f: {  	p3 =	por @!p3 p6, p4  }
0x60: {  	p3 =	por @!p1 p3, !p2  }
0x61: {  	p3 =	por p3, p1  }
0x62: {  	s0 =	simm.s32 @!p3 $0x7  }
0x63: {  	_ =	swait.ge @!p3 [sflag:s0], $0x2000  }
0x64: {  	s30 =	simm.s32 @!p5 $0xA500;
	[sflag:s0] =	ssyncset.done @!p3 $0x0  }
0x65: {  	[sflag:s0] =	ssyncadd.s32 @!p3 $0xFFFFE000;
	s0 =	simm.s32 @!p5 $0x80;
	p3 =	por p2, p1  }
0x66: {  	[tilespmem:s30], [sflag:$0x3] =	stream.indirect.gather @!p5 [hbm4b:s4+s0], $0x40, s29, s0, $0xb8;
	[tilespmem:$0x1DA00] =	vst v63  }
0x67: {  	s0 =	simm.s32 @!p3 $0x2;
	p4 =	sgt.u32 @!p3 s26, $0x62  }
0x68: {  	_ =	swait.ge @!p3 [sflag:s0], $0x2000;
	p5 =	por @!p1 p4, p2  }
0x69: {  	s30 =	simm.s32 @!p3 $0x8500;
	[sflag:s0] =	ssyncset.done @!p3 $0x0;
	p5 =	por p5, p1  }
0x6a: {  	[sflag:s0] =	ssyncadd.s32 @!p3 $0xFFFFE000;
	s0 =	simm.s32 @!p3 $0x80;
	p6 =	slt.u32 @!p5 s26, $0x2  }
0x6b: {  	[spmem:s2] =	stream.indirect.scatter.add.bf16 @!p3 [tilespmem:s30], [sflag:$0x6], $0x40, s28, s0, $0xb8;
	[tilespmem:$0x1DA00] =	vst v63  }
0x6c: {  	p3 =	por @!p3 p6, p4  }
0x6d: {  	p2 =	por @!p1 p3, p2  }
0x6e: {  	p1 =	por p2, p1  }
0x6f: {  	s0 =	simm.s32 @!p1 $0x8  }
0x70: {  	_ =	swait.ge @!p1 [sflag:s0], $0x2000  }
0x71: {  	s26 =	sadd.s32 $0x1, s26;
	[sflag:s0] =	ssyncset.done @!p1 $0x0  }
0x72: {  	[sflag:s0] =	ssyncadd.s32 @!p1 $0xFFFFE000;
	p1 =	seq.s32 s26, $0x65  }
.Ltmp1:
0x73: {  	_ = 	snop;
	(pc) =	sbr.rel @!p1 .LBB2_3-.Ltmp1, $4  }
0x74: {  	_ = 	snop  }
0x75: {  	s30 =	simm.s32 @!p5 $0xC500;
	s0 =	simm.s32 @!p5 $0x80  }
0x76: {  	[tilespmem:s30], [sflag:$0x4] =	stream.indirect.gather @!p5 [hbm4b:s4+s0], $0x40, s29, s0, $0xb8;
	[tilespmem:$0x1DA00] =	vst v63  }
0x77: {  	s28 =	sadd.s32 $0x80, s28;
	s29 =	sadd.s32 $0x80, s29  }
.Ltmp2:
0x78: {  	(pc) =	sbr.rel .LBB2_8-.Ltmp2, $3  }
0x79: {  	_ =	sdelay $0x1  }
0x7a: {  	s26 =	simm.s32 $0x5  }
0x7b: {  	s28 =	simm.s32 $0x8;
	s29 =	simm.s32 $0x7;
	s30 =	simm.s32 $0x6  }
.LBB2_5:
0x7c: {  	[tilespmem:s26], [sflag:$0x9] =	stream.linear.gather [hbm4b:s8+s26], $0x1C00, $0x38;
	[tilespmem:$0x1DA00] =	vst v63  }
0x7d: {  	_ =	swait.ge [sflag:s18], $0x1C00  }
0x7e: {  	[sflag:s18] =	ssyncset.done $0x0  }
0x7f: {  	s28 =	simm.s32 $0x3280;
	[sflag:s18] =	ssyncadd.s32 $0xFFFFE400  }
0x80: {  	[tilespmem:s28], [sflag:$0x9] =	stream.linear.gather [hbm4b:s9+s26], $0x1C00, $0x38;
	[tilespmem:$0x1DA00] =	vst v63  }
0x81: {  	_ =	swait.ge [sflag:s18], $0x1C00  }
0x82: {  	[sflag:s18] =	ssyncset.done $0x0  }
0x83: {  	[sflag:s18] =	ssyncadd.s32 $0xFFFFE400  }
0x84: {  	[tilespmem:s21], [sflag:$0x1] =	stream.indirect.gather [hbm4b:s4+s20], $0x40, s26, s20, $0xb8;
	[tilespmem:$0x1DA00] =	vst v63  }
0x85: {  	s29 =	simm.s32 $0x100  }
0x86: {  	[tilespmem:s22], [sflag:$0x2] =	stream.indirect.gather [hbm4b:s4+s20], $0x40, s20, s20, $0xb8;
	[tilespmem:$0x1DA00] =	vst v63  }
.LBB2_6:
0x87: {  	v1 =	vld [tilespmem:s28+$0x0];
	_ =	sdelay $0x7  }
0x88: {  	[tilespmem:v1+s19+$0x0] =	vst.idx.add.f32.msk $0xffff, v0  }
0x89: {  	v1 =	vld [tilespmem:s28+$0x10];
	_ =	sdelay $0x7  }
0x8a: {  	[tilespmem:v1+s19+$0x0] =	vst.idx.add.f32.msk $0xffff, v0  }
0x8b: {  	v1 =	vld [tilespmem:s28+$0x20];
	_ =	sdelay $0x7  }
0x8c: {  	[tilespmem:v1+s19+$0x0] =	vst.idx.add.f32.msk $0xffff, v0  }
0x8d: {  	v1 =	vld [tilespmem:s28+$0x30];
	_ =	sdelay $0x7  }
0x8e: {  	[tilespmem:v1+s19+$0x0] =	vst.idx.add.f32.msk $0xffff, v0  }
0x8f: {  	v1 =	vld [tilespmem:s28+$0x40];
	_ =	sdelay $0x7  }
0x90: {  	[tilespmem:v1+s19+$0x0] =	vst.idx.add.f32.msk $0xffff, v0  }
0x91: {  	v1 =	vld [tilespmem:s28+$0x50];
	_ =	sdelay $0x7  }
0x92: {  	[tilespmem:v1+s19+$0x0] =	vst.idx.add.f32.msk $0xffff, v0  }
0x93: {  	v1 =	vld [tilespmem:s28+$0x60];
	_ =	sdelay $0x7  }
0x94: {  	[tilespmem:v1+s19+$0x0] =	vst.idx.add.f32.msk $0xffff, v0  }
0x95: {  	v1 =	vld [tilespmem:s28+$0x70];
	_ =	sdelay $0x3  }
0x96: {  	s0 =	sand.u32 $0x3, s26  }
0x97: {  	p1 =	sgt.s32 s0, $0x1  }
0x98: {  	p2 =	seq.s32 @p1 s0, $0x2  }
0x99: {  	p3 =	por !p2, !p1  }
0x9a: {  	s30 =	simm.s32 @!p3 $0x3;
	p4 =	sgt.u32 @!p3 s26, $0x35;
	[tilespmem:v1+s19+$0x0] =	vst.idx.add.f32.msk $0xffff, v0  }
0x9b: {  	p5 =	por @p1 p4, !p2;
	_ =	swait.ge @!p3 [sflag:s30], $0x2000  }
0x9c: {  	s31 =	simm.s32 @!p3 $0xA500;
	p5 =	por p5, !p1;
	[sflag:s30] =	ssyncset.done @!p3 $0x0  }
0x9d: {  	p6 =	slt.u32 @!p5 s26, $0x2;
	[sflag:s30] =	ssyncadd.s32 @!p3 $0xFFFFE000;
	s30 =	simm.s32 @!p3 $0x80  }
0x9e: {  	[spmem:s2] =	stream.indirect.scatter.add.bf16 @!p3 [tilespmem:s31], [sflag:$0x7], $0x40, s28, s30, $0xb8;
	[tilespmem:$0x1DA00] =	vst v63  }
0x9f: {  	p3 =	por @!p3 p6, p4  }
0xa0: {  	p3 =	por @p1 p3, !p2  }
0xa1: {  	p3 =	por p3, !p1  }
0xa2: {  	s30 =	simm.s32 @!p3 $0x5  }
0xa3: {  	_ =	swait.ge @!p3 [sflag:s30], $0x2000  }
0xa4: {  	s31 =	simm.s32 @!p5 $0x6500;
	[sflag:s30] =	ssyncset.done @!p3 $0x0  }
0xa5: {  	[sflag:s30] =	ssyncadd.s32 @!p3 $0xFFFFE000;
	s30 =	simm.s32 @!p5 $0x80;
	p3 =	por p2, !p1  }
0xa6: {  	[tilespmem:s31], [sflag:$0x1] =	stream.indirect.gather @!p5 [hbm4b:s4+s30], $0x40, s29, s30, $0xb8;
	[tilespmem:$0x1DA00] =	vst v63  }
0xa7: {  	s30 =	simm.s32 @!p3 $0x4;
	p4 =	sgt.u32 @!p3 s26, $0x35  }
0xa8: {  	_ =	swait.ge @!p3 [sflag:s30], $0x2000;
	p5 =	por @p1 p4, p2  }
0xa9: {  	s31 =	simm.s32 @!p3 $0xC500;
	[sflag:s30] =	ssyncset.done @!p3 $0x0;
	p5 =	por p5, !p1  }
0xaa: {  	[sflag:s30] =	ssyncadd.s32 @!p3 $0xFFFFE000;
	s30 =	simm.s32 @!p3 $0x80;
	p6 =	slt.u32 @!p5 s26, $0x2  }
0xab: {  	[spmem:s2] =	stream.indirect.scatter.add.bf16 @!p3 [tilespmem:s31], [sflag:$0x8], $0x40, s28, s30, $0xb8;
	[tilespmem:$0x1DA00] =	vst v63  }
0xac: {  	p3 =	por @!p3 p6, p4  }
0xad: {  	p2 =	por @p1 p3, p2  }
0xae: {  	p2 =	por p2, !p1  }
0xaf: {  	s30 =	simm.s32 @!p2 $0x6  }
0xb0: {  	_ =	swait.ge @!p2 [sflag:s30], $0x2000  }
0xb1: {  	s31 =	simm.s32 @!p5 $0x8500;
	[sflag:s30] =	ssyncset.done @!p2 $0x0  }
0xb2: {  	[sflag:s30] =	ssyncadd.s32 @!p2 $0xFFFFE000;
	s30 =	simm.s32 @!p5 $0x80;
	p2 =	seq.s32 @!p1 s0, $0x0  }
0xb3: {  	[tilespmem:s31], [sflag:$0x2] =	stream.indirect.gather @!p5 [hbm4b:s4+s30], $0x40, s29, s30, $0xb8;
	[tilespmem:$0x1DA00] =	vst v63  }
0xb4: {  	p3 =	por !p2, p1  }
0xb5: {  	s0 =	simm.s32 @!p3 $0x1;
	p4 =	sgt.u32 @!p3 s26, $0x35  }
0xb6: {  	_ =	swait.ge @!p3 [sflag:s0], $0x2000;
	p5 =	por @!p1 p4, !p2  }
0xb7: {  	s30 =	simm.s32 @!p3 $0x6500;
	[sflag:s0] =	ssyncset.done @!p3 $0x0;
	p5 =	por p5, p1  }
0xb8: {  	[sflag:s0] =	ssyncadd.s32 @!p3 $0xFFFFE000;
	s0 =	simm.s32 @!p3 $0x80;
	p6 =	slt.u32 @!p5 s26, $0x2  }
0xb9: {  	[spmem:s2] =	stream.indirect.scatter.add.bf16 @!p3 [tilespmem:s30], [sflag:$0x5], $0x40, s28, s0, $0xb8;
	[tilespmem:$0x1DA00] =	vst v63  }
0xba: {  	p3 =	por @!p3 p6, p4  }
0xbb: {  	p3 =	por @!p1 p3, !p2  }
0xbc: {  	p3 =	por p3, p1  }
0xbd: {  	s0 =	simm.s32 @!p3 $0x7  }
0xbe: {  	_ =	swait.ge @!p3 [sflag:s0], $0x2000  }
0xbf: {  	s30 =	simm.s32 @!p5 $0xA500;
	[sflag:s0] =	ssyncset.done @!p3 $0x0  }
0xc0: {  	[sflag:s0] =	ssyncadd.s32 @!p3 $0xFFFFE000;
	s0 =	simm.s32 @!p5 $0x80;
	p3 =	por p2, p1  }
0xc1: {  	[tilespmem:s30], [sflag:$0x3] =	stream.indirect.gather @!p5 [hbm4b:s4+s0], $0x40, s29, s0, $0xb8;
	[tilespmem:$0x1DA00] =	vst v63  }
0xc2: {  	s0 =	simm.s32 @!p3 $0x2;
	p4 =	sgt.u32 @!p3 s26, $0x35  }
0xc3: {  	_ =	swait.ge @!p3 [sflag:s0], $0x2000;
	p5 =	por @!p1 p4, p2  }
0xc4: {  	s30 =	simm.s32 @!p3 $0x8500;
	[sflag:s0] =	ssyncset.done @!p3 $0x0;
	p5 =	por p5, p1  }
0xc5: {  	[sflag:s0] =	ssyncadd.s32 @!p3 $0xFFFFE000;
	s0 =	simm.s32 @!p3 $0x80;
	p6 =	slt.u32 @!p5 s26, $0x2  }
0xc6: {  	[spmem:s2] =	stream.indirect.scatter.add.bf16 @!p3 [tilespmem:s30], [sflag:$0x6], $0x40, s28, s0, $0xb8;
	[tilespmem:$0x1DA00] =	vst v63  }
0xc7: {  	p3 =	por @!p3 p6, p4  }
0xc8: {  	p2 =	por @!p1 p3, p2  }
0xc9: {  	p1 =	por p2, p1  }
0xca: {  	s0 =	simm.s32 @!p1 $0x8  }
0xcb: {  	_ =	swait.ge @!p1 [sflag:s0], $0x2000  }
0xcc: {  	s26 =	sadd.s32 $0x1, s26;
	[sflag:s0] =	ssyncset.done @!p1 $0x0  }
0xcd: {  	[sflag:s0] =	ssyncadd.s32 @!p1 $0xFFFFE000;
	p1 =	sne.s32 s26, $0x38  }
.Ltmp3:
0xce: {  	_ = 	snop;
	(pc) =	sbr.rel @p1 .LBB2_6-.Ltmp3, $4  }
0xcf: {  	_ = 	snop  }
0xd0: {  	s30 =	simm.s32 @!p5 $0xC500;
	s0 =	simm.s32 @!p5 $0x80  }
0xd1: {  	[tilespmem:s30], [sflag:$0x4] =	stream.indirect.gather @!p5 [hbm4b:s4+s0], $0x40, s29, s0, $0xb8;
	[tilespmem:$0x1DA00] =	vst v63  }
0xd2: {  	s28 =	sadd.s32 $0x80, s28;
	s29 =	sadd.s32 $0x80, s29  }
0xd3: {  	s26 =	simm.s32 $0x8  }
0xd4: {  	s28 =	simm.s32 $0x7;
	s29 =	simm.s32 $0x6;
	s30 =	simm.s32 $0x5  }
.LBB2_8:
0xd5: {  	_ =	swait.ge [sflag:s30], $0x2000  }
0xd6: {  	[sflag:s30] =	ssyncset.done $0x0  }
0xd7: {  	[sflag:s30] =	ssyncadd.s32 $0xFFFFE000  }
0xd8: {  	_ =	swait.ge [sflag:s29], $0x2000  }
0xd9: {  	[sflag:s29] =	ssyncset.done $0x0  }
0xda: {  	[sflag:s29] =	ssyncadd.s32 $0xFFFFE000  }
0xdb: {  	_ =	swait.ge [sflag:s28], $0x2000  }
0xdc: {  	[sflag:s28] =	ssyncset.done $0x0  }
0xdd: {  	[sflag:s28] =	ssyncadd.s32 $0xFFFFE000  }
0xde: {  	_ =	swait.ge [sflag:s26], $0x2000  }
0xdf: {  	[sflag:s26] =	ssyncset.done $0x0  }
0xe0: {  	[sflag:s26] =	ssyncadd.s32 $0xFFFFE000  }
0xe1: {  	[bflag:$0x0] =	sbarrier.arrive $0xFFFF  }
0xe2: {  	[hbm:s12], [sflag:s7] =	dma.local [spmem:s17], $0x1400  }
0xe3: {  	_ =	swait.ge [sflag:s18], $0x1400  }
0xe4: {  	[sflag:s18] =	ssyncset.done $0x0  }
0xe5: {  	[sflag:s18] =	ssyncadd.s32 $0xFFFFEC00  }
0xe6: {  	[spmem:s13] =	stream.linear.scatter [tilespmem:s19], [sflag:$0x9], $0x2800, $0x38;
	[tilespmem:$0x1DA00] =	vst v63  }
0xe7: {  	_ =	swait.ge [sflag:s18], $0x2800  }
0xe8: {  	[sflag:s18] =	ssyncset.done $0x0  }
0xe9: {  	[sflag:s18] =	ssyncadd.s32 $0xFFFFD800  }
0xea: {  	[bflag:$0x0] =	sbarrier.arrive $0xFFFF  }
0xeb: {  	[tilespmem:s23], [sflag:$0x9] =	stream.linear.gather [spmem:s14], $0x280, $0x38;
	[tilespmem:$0x1DA00] =	vst v63  }
0xec: {  	_ =	swait.ge [sflag:s18], $0x280  }
0xed: {  	[sflag:s18] =	ssyncset.done $0x0  }
0xee: {  	s26 =	simm.s32 $0x1;
	[sflag:s18] =	ssyncadd.s32 $0xFFFFFD80  }
.LBB2_9:
0xef: {  	s0 =	smul.u32 $0xA000, s26;
	_ =	sdelay $0x1  }
0xf0: {  	s0 =	sshra.s32 s0, $0x2  }
0xf1: {  	s0 =	sadd.s32 s0, s14  }
0xf2: {  	[tilespmem:s24], [sflag:$0x9] =	stream.linear.gather [spmem:s0], $0x280, $0x38;
	[tilespmem:$0x1DA00] =	vst v63  }
0xf3: {  	_ =	swait.ge [sflag:s18], $0x280  }
0xf4: {  	[sflag:s18] =	ssyncset.done $0x0  }
0xf5: {  	s28 =	simm.s32 $0x0;
	[sflag:s18] =	ssyncadd.s32 $0xFFFFFD80  }
0xf6: {  	s29 =	simm.s32 $0x40;
	v1 =	vld [tilespmem:s28+$0x1AD00]  }
.LBB2_10:
0xf7: {  	p1 =	sne.s32 s29, $0x9C0;
	v2 =	vld [tilespmem:s28+$0x1AF80];
	_ =	sdelay $0x2  }
.Ltmp4:
0xf8: {  	(pc) =	sbr.rel @p1 .LBB2_10-.Ltmp4, $4  }
0xf9: {  	_ = 	snop  }
0xfa: {  	v2 =	vadd.f32 v1, v2  }
0xfb: {  	s0 =	sshra.s32 s29, $0x2  }
0xfc: {  	s29 =	sadd.s32 $0x40, s29;
	v1 =	vld [tilespmem:s0+$0x1AD00];
	[tilespmem:s28+$0x1AF80] =	vst v2;
	s28 =	smov.u32 s0  }
0xfd: {  	v2 =	vld [tilespmem:s28+$0x1AF80]  }
0xfe: {  	s26 =	sadd.s32 $0x1, s26  }
0xff: {  	p1 =	sne.s32 s26, $0x10  }
.Ltmp5:
0x100: {  	_ = 	snop;
	(pc) =	sbr.rel @p1 .LBB2_9-.Ltmp5, $3  }
0x101: {  	_ = 	snop  }
0x102: {  	v1 =	vadd.f32 v1, v2;
	_ =	sdelay $0x1  }
0x103: {  	[tilespmem:s28+$0x1AF80] =	vst v1  }
0x104: {  	s25 =	sadd.s32 $0x1, s25  }
0x105: {  	p1 =	sne.s32 s25, s15  }
.Ltmp6:
0x106: {  	_ = 	snop;
	(pc) =	sbr.rel @p1 .LBB2_1-.Ltmp6, $4  }
0x107: {  	[hbm4b:s16+s3] =	stream.linear.scatter [tilespmem:s23], [sflag:$0x9], $0x280, $0x38;
	[tilespmem:$0x1DA00] =	vst v63  }
0x108: {  	_ =	swait.ge [sflag:s18], $0x280  }
0x109: {  	[sflag:s18] =	ssyncset.done $0x0  }
0x10a: {  	[sflag:s18] =	ssyncadd.s32 $0xFFFFFD80  }
0x10b: {  	_ =	sfence.sel $0x180000  }
0x10c: {  	[bflag:$0x0] =	sbarrier.arrive $0xFFFF  }
0x10d: {  	_ =	strace $0x90000047  }
0x10e: {  	[bflag:$0x2] =	sbarrier.arrive $0xFFFF  }
0x10f: {  	p0 =	sne.s32 s1, $0x0;
	s0 =	rddreg [dreg:$0x4]  }
0x110: {  	s0 =	sadd.s32 @!p0 $0x100000, s0  }
0x111: {  	[sflag:s0] =	ssyncadd.tile.s32 @!p0 $0x1;
	_ =	shalt  }
.Lfunc_end2:
_tile_overlayer_lowered:
.L_overlay_start_2:
0x112: {  	(tag) =	ssettag $0x2  }
0x113: {  	s0 =	rddreg [dreg:$0x0];
	s2 =	stileid.u32  }
0x114: {  	s1 =	rddreg [dreg:$0x1];
	p0 =	sne.s32 s2, $0x0  }
0x115: {  	s3 =	rddreg [dreg:$0x2];
	[bflag:$0x3] =	sbarrier.arrive $0xFFFF;
	s2 =	simm.s32 @!p0 $0x1C09  }
0x116: {  	[timem:s3], [sflag:s2] =	dma.local @!p0 [hbm:s0], s1  }
0x117: {  	s0 =	simm.s32 @!p0 $0x9  }
0x118: {  	_ =	swait.ge @!p0 [sflag:s0], s1  }
0x119: {  	s1 =	ssub.s32 @!p0 $0x0, s1;
	[sflag:s0] =	ssyncset.done @!p0 $0x0  }
0x11a: {  	[sflag:s0] =	ssyncadd.s32 @!p0 s1  }
0x11b: {  	[bflag:$0x3] =	sbarrier.arrive $0xFFFF  }
0x11c: {  	_ =	shalt  }

</sc_bundles>
